<compile_context>
chip_gen: v7x
topology: tpu7x:2x2x1
jax: 0.10.2.dev20260603
libtpu: 0.0.44.dev20260713+nightly
codegen_flags: <defaults>
</compile_context>

<pallas_src>
import functools

import jax
import jax.numpy as jnp
from jax import lax
from jax.experimental import pallas as pl
from jax.experimental.pallas import tpu as pltpu
from jax.experimental.pallas import tpu_sc as plsc

BATCH = 16384
EMBED_DIM = 64
SUBROWS = 8
LANES = 16
NUM_CORES = 2
NUM_SUBCORES = 16
NUM_WORKERS = NUM_CORES * NUM_SUBCORES
B_PER_W = BATCH // NUM_WORKERS
CHUNK = LANES
CHUNKS_PER_W = B_PER_W // CHUNK

_PARAMS = pltpu.CompilerParams(needs_layout_passes=False,
                               use_tc_tiling_on_sc=True)


def _mf_body(uid_hbm, iid_hbm, ut_hbm, it_hbm, ubg_hbm, ibg_hbm, gb_hbm,
             out_hbm,
             uidx, iidx, ubuf, ibuf, ubias, ibias, gbv,
             outv, sem, semb):
    wid = lax.axis_index("s") * NUM_CORES + lax.axis_index("c")
    base = wid * B_PER_W

    pltpu.sync_copy(uid_hbm.at[pl.ds(base, B_PER_W)], uidx)
    pltpu.sync_copy(iid_hbm.at[pl.ds(base, B_PER_W)], iidx)

    cub = pltpu.async_copy(ubg_hbm.at[pl.ds(base, B_PER_W)], ubias, semb)
    cib = pltpu.async_copy(ibg_hbm.at[pl.ds(base, B_PER_W)], ibias, semb)
    pltpu.sync_copy(gb_hbm, gbv)
    cub.wait()
    cib.wait()

    gb = gbv[...]
    lane = lax.iota(jnp.int32, LANES)
    seven = jnp.full((LANES,), 7, jnp.int32)

    def chunk_step(c, _):
        cbase = c * CHUNK
        sl = pl.ds(cbase, LANES)
        idu = uidx[sl]
        idi = iidx[sl]
        copies = []
        for k in range(CHUNK):
            mk = lane == k
            su = jnp.max(jnp.where(mk, idu, 0), axis=0)
            si = jnp.max(jnp.where(mk, idi, 0), axis=0)
            tu = pl.multiple_of(su - lax.bitwise_and(su, 7), SUBROWS)
            ti = pl.multiple_of(si - lax.bitwise_and(si, 7), SUBROWS)
            copies.append(pltpu.async_copy(
                ut_hbm.at[pl.ds(tu, SUBROWS)], ubuf.at[k], sem))
            copies.append(pltpu.async_copy(
                it_hbm.at[pl.ds(ti, SUBROWS)], ibuf.at[k], sem))
        for cp in copies:
            cp.wait()

        usub = lax.bitwise_and(idu, seven)
        isub = lax.bitwise_and(idi, seven)
        acc = gb + ubias[sl] + ibias[sl]
        for d in range(EMBED_DIM):
            col = jnp.full((LANES,), d, jnp.int32)
            uv = plsc.load_gather(ubuf, [lane, usub, col])
            iv = plsc.load_gather(ibuf, [lane, isub, col])
            acc = acc + uv * iv
        outv[sl] = acc
        return 0

    lax.fori_loop(0, CHUNKS_PER_W, chunk_step, 0)

    pltpu.sync_copy(outv, out_hbm.at[pl.ds(base, B_PER_W)])


@jax.jit
def kernel(user_ids, item_ids, user_table, item_table, user_bias_table,
           item_bias_table, global_bias):
    uid32 = user_ids.astype(jnp.int32)
    iid32 = item_ids.astype(jnp.int32)
    gb16 = jnp.broadcast_to(global_bias, (LANES,))
    ubg = jnp.take(user_bias_table, uid32, axis=0).reshape(BATCH)
    ibg = jnp.take(item_bias_table, iid32, axis=0).reshape(BATCH)

    mesh = plsc.VectorSubcoreMesh(core_axis_name="c", subcore_axis_name="s",
                                  num_cores=NUM_CORES,
                                  num_subcores=NUM_SUBCORES)
    mf = pl.kernel(
        _mf_body,
        out_type=jax.ShapeDtypeStruct((BATCH,), jnp.float32),
        mesh=mesh,
        scratch_types=[
            pltpu.VMEM((B_PER_W,), jnp.int32),
            pltpu.VMEM((B_PER_W,), jnp.int32),
            pltpu.VMEM((CHUNK, SUBROWS, EMBED_DIM), jnp.float32),
            pltpu.VMEM((CHUNK, SUBROWS, EMBED_DIM), jnp.float32),
            pltpu.VMEM((B_PER_W,), jnp.float32),
            pltpu.VMEM((B_PER_W,), jnp.float32),
            pltpu.VMEM((LANES,), jnp.float32),
            pltpu.VMEM((B_PER_W,), jnp.float32),
            pltpu.SemaphoreType.DMA,
            pltpu.SemaphoreType.DMA,
        ],
        compiler_params=_PARAMS,
    )
    return mf(uid32, iid32, user_table, item_table, ubg, ibg, gb16)

# --- scband reference (transcript-rebuilt; emitter-appended) ---
"""Pipeline reference for scband-matrix-factorization-42502996361660 (READ-ONLY COPY).

The authoritative reference and input builder live on the scoring server;
editing this copy changes nothing except your own understanding.
"""

import jax, jax.numpy as jnp
import numpy as np

NUM_USERS = 1000000
NUM_ITEMS = 100000
EMBED_DIM = 64
BATCH = 16384


def setup_inputs(seed: int = 0) -> dict:
    key = jax.random.key(seed)
    k1, k2, k3, k4, k5, k6 = jax.random.split(key, 6)
    user_ids = jax.random.randint(k1, (BATCH,), 0, NUM_USERS, dtype=jnp.int64 if jax.config.jax_enable_x64 else jnp.int32)
    item_ids = jax.random.randint(k2, (BATCH,), 0, NUM_ITEMS, dtype=jnp.int64 if jax.config.jax_enable_x64 else jnp.int32)
    user_table = (jax.random.normal(k3, (NUM_USERS, EMBED_DIM), dtype=jnp.float32) * 0.1)
    item_table = (jax.random.normal(k4, (NUM_ITEMS, EMBED_DIM), dtype=jnp.float32) * 0.1)
    user_bias_table = (jax.random.normal(k5, (NUM_USERS, 1), dtype=jnp.float32) * 0.1)
    item_bias_table = (jax.random.normal(k6, (NUM_ITEMS, 1), dtype=jnp.float32) * 0.1)
    global_bias = jnp.zeros((1,), dtype=jnp.float32)
    return {
        "user_ids": user_ids,
        "item_ids": item_ids,
        "user_table": user_table,
        "item_table": item_table,
        "user_bias_table": user_bias_table,
        "item_bias_table": item_bias_table,
        "global_bias": global_bias,
    }


def reference(user_ids, item_ids, user_table, item_table, user_bias_table, item_bias_table, global_bias):
    # Dropout is identity in eval mode.
    user_emb = jnp.take(user_table, user_ids, axis=0)          # [B, D] gather
    item_emb = jnp.take(item_table, item_ids, axis=0)          # [B, D] gather
    user_bias = jnp.take(user_bias_table, user_ids, axis=0).squeeze(-1)  # [B]
    item_bias = jnp.take(item_bias_table, item_ids, axis=0).squeeze(-1)  # [B]
    dot_product = jnp.sum(user_emb * item_emb, axis=1)         # [B]
    rating = dot_product + user_bias + item_bias + global_bias[0]
    return rating

if __name__ == "__main__":
    import jax
    _d = setup_inputs()
    print(jax.jit(kernel)(*tuple(_d.values())))

</pallas_src>

<mosaic_0001>
#map = affine_map<(d0, d1) -> (0)>
#map1 = affine_map<(d0, d1) -> (0, 0)>
module attributes {stable_mosaic.version = 14 : i64} {
  func.func @_mf_body(%arg0: i32, %arg1: i32, %arg2: memref<16384xi32, #tpu.memory_space<hbm>>, %arg3: memref<16384xi32, #tpu.memory_space<hbm>>, %arg4: memref<1000000x64xf32, #tpu.memory_space<hbm>>, %arg5: memref<100000x64xf32, #tpu.memory_space<hbm>>, %arg6: memref<16384xf32, #tpu.memory_space<hbm>>, %arg7: memref<16384xf32, #tpu.memory_space<hbm>>, %arg8: memref<16xf32, #tpu.memory_space<hbm>>, %arg9: memref<16384xf32, #tpu.memory_space<hbm>>, %arg10: memref<512xi32, #tpu.memory_space<vmem>>, %arg11: memref<512xi32, #tpu.memory_space<vmem>>, %arg12: memref<16x8x64xf32, #tpu.memory_space<vmem>>, %arg13: memref<16x8x64xf32, #tpu.memory_space<vmem>>, %arg14: memref<512xf32, #tpu.memory_space<vmem>>, %arg15: memref<512xf32, #tpu.memory_space<vmem>>, %arg16: memref<16xf32, #tpu.memory_space<vmem>>, %arg17: memref<512xf32, #tpu.memory_space<vmem>>, %arg18: memref<!tpu.dma_semaphore, #tpu.memory_space<semaphore_mem>>, %arg19: memref<!tpu.dma_semaphore, #tpu.memory_space<semaphore_mem>>) attributes {dimension_semantics = [#tpu.dimension_semantics<core_parallel>, #tpu.dimension_semantics<subcore_parallel>], iteration_bounds = array<i64: 2, 16>, scalar_prefetch = 0 : i64, scratch_operands = 10 : i64, tpu.core_type = #tpu.core_type<sc_vector_subcore>, window_params = [{transform_indices = #map}, {transform_indices = #map}, {transform_indices = #map1}, {transform_indices = #map1}, {transform_indices = #map}, {transform_indices = #map}, {transform_indices = #map}, {transform_indices = #map}]} {
    %mul3A = arith.constant 2 : i32
    %mul3A_0 = arith.muli %arg1, %mul3A : i32
    %add3A = arith.addi %mul3A_0, %arg0 : i32
    %mul3A_1 = arith.constant 512 : i32
    %mul3A_2 = arith.muli %add3A, %mul3A_1 : i32
    "tpu.region"() ({
      %run_scoped3A = tpu.sem_alloc : memref<!tpu.dma_semaphore, #tpu.memory_space<semaphore_mem>>
      %dma_start3A_17 = tpu.memref_slice %arg2[%mul3A_2] : memref<16384xi32, #tpu.memory_space<hbm>> -> memref<512xi32, #tpu.memory_space<hbm>>
      %dma_start3A_18 = tpu.memref_slice %arg2[%mul3A_2] : memref<16384xi32, #tpu.memory_space<hbm>> -> memref<512xi32, #tpu.memory_space<hbm>>
      tpu.enqueue_dma source(%dma_start3A_18 : memref<512xi32, #tpu.memory_space<hbm>>) target(%arg10 : memref<512xi32, #tpu.memory_space<vmem>>) target_semaphore(%run_scoped3A : memref<!tpu.dma_semaphore, #tpu.memory_space<semaphore_mem>>)
      %dma_wait3A_19 = tpu.memref_slice %arg2[%mul3A_2] : memref<16384xi32, #tpu.memory_space<hbm>> -> memref<512xi32, #tpu.memory_space<hbm>>
      %dma_wait3A_20 = tpu.memref_slice %arg2[%mul3A_2] : memref<16384xi32, #tpu.memory_space<hbm>> -> memref<512xi32, #tpu.memory_space<hbm>>
      tpu.wait_dma2 semaphore(%run_scoped3A : memref<!tpu.dma_semaphore, #tpu.memory_space<semaphore_mem>>) src(%dma_wait3A_20 : memref<512xi32, #tpu.memory_space<hbm>>) dst(%arg10 : memref<512xi32, #tpu.memory_space<vmem>>)
      tpu.yield
    }) : () -> ()
    "tpu.region"() ({
      %run_scoped3A = tpu.sem_alloc : memref<!tpu.dma_semaphore, #tpu.memory_space<semaphore_mem>>
      %dma_start3A_17 = tpu.memref_slice %arg3[%mul3A_2] : memref<16384xi32, #tpu.memory_space<hbm>> -> memref<512xi32, #tpu.memory_space<hbm>>
      %dma_start3A_18 = tpu.memref_slice %arg3[%mul3A_2] : memref<16384xi32, #tpu.memory_space<hbm>> -> memref<512xi32, #tpu.memory_space<hbm>>
      tpu.enqueue_dma source(%dma_start3A_18 : memref<512xi32, #tpu.memory_space<hbm>>) target(%arg11 : memref<512xi32, #tpu.memory_space<vmem>>) target_semaphore(%run_scoped3A : memref<!tpu.dma_semaphore, #tpu.memory_space<semaphore_mem>>)
      %dma_wait3A_19 = tpu.memref_slice %arg3[%mul3A_2] : memref<16384xi32, #tpu.memory_space<hbm>> -> memref<512xi32, #tpu.memory_space<hbm>>
      %dma_wait3A_20 = tpu.memref_slice %arg3[%mul3A_2] : memref<16384xi32, #tpu.memory_space<hbm>> -> memref<512xi32, #tpu.memory_space<hbm>>
      tpu.wait_dma2 semaphore(%run_scoped3A : memref<!tpu.dma_semaphore, #tpu.memory_space<semaphore_mem>>) src(%dma_wait3A_20 : memref<512xi32, #tpu.memory_space<hbm>>) dst(%arg11 : memref<512xi32, #tpu.memory_space<vmem>>)
      tpu.yield
    }) : () -> ()
    %dma_start3A = tpu.memref_slice %arg6[%mul3A_2] : memref<16384xf32, #tpu.memory_space<hbm>> -> memref<512xf32, #tpu.memory_space<hbm>>
    %dma_start3A_3 = tpu.memref_slice %arg6[%mul3A_2] : memref<16384xf32, #tpu.memory_space<hbm>> -> memref<512xf32, #tpu.memory_space<hbm>>
    tpu.enqueue_dma source(%dma_start3A_3 : memref<512xf32, #tpu.memory_space<hbm>>) target(%arg14 : memref<512xf32, #tpu.memory_space<vmem>>) target_semaphore(%arg19 : memref<!tpu.dma_semaphore, #tpu.memory_space<semaphore_mem>>)
    %dma_start3A_4 = tpu.memref_slice %arg7[%mul3A_2] : memref<16384xf32, #tpu.memory_space<hbm>> -> memref<512xf32, #tpu.memory_space<hbm>>
    %dma_start3A_5 = tpu.memref_slice %arg7[%mul3A_2] : memref<16384xf32, #tpu.memory_space<hbm>> -> memref<512xf32, #tpu.memory_space<hbm>>
    tpu.enqueue_dma source(%dma_start3A_5 : memref<512xf32, #tpu.memory_space<hbm>>) target(%arg15 : memref<512xf32, #tpu.memory_space<vmem>>) target_semaphore(%arg19 : memref<!tpu.dma_semaphore, #tpu.memory_space<semaphore_mem>>)
    "tpu.region"() ({
      %run_scoped3A = tpu.sem_alloc : memref<!tpu.dma_semaphore, #tpu.memory_space<semaphore_mem>>
      tpu.enqueue_dma source(%arg8 : memref<16xf32, #tpu.memory_space<hbm>>) target(%arg16 : memref<16xf32, #tpu.memory_space<vmem>>) target_semaphore(%run_scoped3A : memref<!tpu.dma_semaphore, #tpu.memory_space<semaphore_mem>>)
      tpu.wait_dma2 semaphore(%run_scoped3A : memref<!tpu.dma_semaphore, #tpu.memory_space<semaphore_mem>>) src(%arg8 : memref<16xf32, #tpu.memory_space<hbm>>) dst(%arg16 : memref<16xf32, #tpu.memory_space<vmem>>)
      tpu.yield
    }) : () -> ()
    %dma_wait3A = tpu.memref_slice %arg6[%mul3A_2] : memref<16384xf32, #tpu.memory_space<hbm>> -> memref<512xf32, #tpu.memory_space<hbm>>
    %dma_wait3A_6 = tpu.memref_slice %arg6[%mul3A_2] : memref<16384xf32, #tpu.memory_space<hbm>> -> memref<512xf32, #tpu.memory_space<hbm>>
    tpu.wait_dma2 semaphore(%arg19 : memref<!tpu.dma_semaphore, #tpu.memory_space<semaphore_mem>>) src(%dma_wait3A_6 : memref<512xf32, #tpu.memory_space<hbm>>) dst(%arg14 : memref<512xf32, #tpu.memory_space<vmem>>)
    %dma_wait3A_7 = tpu.memref_slice %arg7[%mul3A_2] : memref<16384xf32, #tpu.memory_space<hbm>> -> memref<512xf32, #tpu.memory_space<hbm>>
    %dma_wait3A_8 = tpu.memref_slice %arg7[%mul3A_2] : memref<16384xf32, #tpu.memory_space<hbm>> -> memref<512xf32, #tpu.memory_space<hbm>>
    tpu.wait_dma2 semaphore(%arg19 : memref<!tpu.dma_semaphore, #tpu.memory_space<semaphore_mem>>) src(%dma_wait3A_8 : memref<512xf32, #tpu.memory_space<hbm>>) dst(%arg15 : memref<512xf32, #tpu.memory_space<vmem>>)
    %get3A = arith.constant 0 : index
    %get3A_9 = tpu.vector_load %arg16[%get3A] {strides = array<i32>} : memref<16xf32, #tpu.memory_space<vmem>>, vector<16xf32>,
    %iota3A = tpu.iota {dimensions = array<i32: 0>} : vector<16xi32>
    %broadcast_in_dim3A = arith.constant 7 : i32
    %broadcast_in_dim3A_10 = vector.broadcast %broadcast_in_dim3A : i32 to vector<16xi32>
    %scan3A = arith.constant 0 : i32
    %scan3A_11 = arith.constant 0 : i32
    %scan3A_12 = arith.constant 32 : i32
    %scan3A_13 = arith.addi %scan3A_11, %scan3A_12 : i32
    %scan3A_14 = arith.constant 1 : i32
    %scan3A_15 = scf.for %scan3A_17 = %scan3A_11 to %scan3A_13 step %scan3A_14 iter_args(%scan3A_18 = %scan3A) -> (i32)  : i32 {
      %mul3A_19 = arith.constant 16 : i32
      %mul3A_20 = arith.muli %scan3A_17, %mul3A_19 : i32
      %get3A_21 = arith.index_cast %mul3A_20 : i32 to index
      %get3A_22 = tpu.vector_load %arg10[%get3A_21] {strides = array<i32>} : memref<512xi32, #tpu.memory_space<vmem>>, vector<16xi32>,
      %get3A_23 = arith.index_cast %mul3A_20 : i32 to index
      %get3A_24 = tpu.vector_load %arg11[%get3A_23] {strides = array<i32>} : memref<512xi32, #tpu.memory_space<vmem>>, vector<16xi32>,
      %eq3A = arith.constant 0 : i32
      %eq3A_25 = vector.broadcast %eq3A : i32 to vector<16xi32>
      %eq3A_26 = arith.cmpi eq, %iota3A, %eq3A_25 : vector<16xi32>
      %jit3A = arith.constant 0 : i32
      %broadcast_in_dim3A_27 = vector.broadcast %jit3A : i32 to vector<16xi32>
      %select_n3A = arith.select %eq3A_26, %get3A_22, %broadcast_in_dim3A_27 : vector<16xi1>, vector<16xi32>
      %reduce_max3A = arith.constant true
      %reduce_max3A_28 = vector.broadcast %reduce_max3A : i1 to vector<16xi1>
      %reduce_max3A_29 = arith.constant -2147483648 : i32
      %reduce_max3A_30 = vector.broadcast %reduce_max3A_29 : i32 to vector<16xi32>
      %reduce_max3A_31 = arith.xori %select_n3A, %reduce_max3A_30 : vector<16xi32>
      %reduce_max3A_32 = tpu.scan <max>, %reduce_max3A_31 masked %reduce_max3A_28 : vector<16xi32>, vector<16xi1> -> vector<16xi32>
      %reduce_max3A_33 = arith.xori %reduce_max3A_32, %reduce_max3A_30 : vector<16xi32>
      %reduce_max3A_34 = vector.extract %reduce_max3A_33[15] : i32 from vector<16xi32>
      %jit3A_35 = arith.constant 0 : i32
      %broadcast_in_dim3A_36 = vector.broadcast %jit3A_35 : i32 to vector<16xi32>
      %select_n3A_37 = arith.select %eq3A_26, %get3A_24, %broadcast_in_dim3A_36 : vector<16xi1>, vector<16xi32>
      %reduce_max3A_38 = arith.constant true
      %reduce_max3A_39 = vector.broadcast %reduce_max3A_38 : i1 to vector<16xi1>
      %reduce_max3A_40 = arith.constant -2147483648 : i32
      %reduce_max3A_41 = vector.broadcast %reduce_max3A_40 : i32 to vector<16xi32>
      %reduce_max3A_42 = arith.xori %select_n3A_37, %reduce_max3A_41 : vector<16xi32>
      %reduce_max3A_43 = tpu.scan <max>, %reduce_max3A_42 masked %reduce_max3A_39 : vector<16xi32>, vector<16xi1> -> vector<16xi32>
      %reduce_max3A_44 = arith.xori %reduce_max3A_43, %reduce_max3A_41 : vector<16xi32>
      %reduce_max3A_45 = vector.extract %reduce_max3A_44[15] : i32 from vector<16xi32>
      %and3A = arith.constant 7 : i32
      %and3A_46 = arith.andi %reduce_max3A_34, %and3A : i32
      %sub3A = arith.subi %reduce_max3A_34, %and3A_46 : i32
      %multiple_of3A = tpu.assume_multiple %sub3A, 8 : i32
      %and3A_47 = arith.constant 7 : i32
      %and3A_48 = arith.andi %reduce_max3A_45, %and3A_47 : i32
      %sub3A_49 = arith.subi %reduce_max3A_45, %and3A_48 : i32
      %multiple_of3A_50 = tpu.assume_multiple %sub3A_49, 8 : i32
      %dma_start3A_51 = arith.constant 0 : i32
      %dma_start3A_52 = arith.constant 0 : i32
      %dma_start3A_53 = arith.constant 0 : i32
      %dma_start3A_54 = tpu.memref_slice %arg12[%dma_start3A_51, %dma_start3A_52, %dma_start3A_53] : memref<16x8x64xf32, #tpu.memory_space<vmem>> -> memref<1x8x64xf32, #tpu.memory_space<vmem>>
      %dma_start3A_55 = tpu.memref_squeeze %dma_start3A_54 : memref<1x8x64xf32, #tpu.memory_space<vmem>> -> memref<8x64xf32, #tpu.memory_space<vmem>>
      %dma_start3A_56 = arith.constant 0 : i32
      %dma_start3A_57 = tpu.memref_slice %arg4[%multiple_of3A, %dma_start3A_56] : memref<1000000x64xf32, #tpu.memory_space<hbm>> -> memref<8x64xf32, #tpu.memory_space<hbm>>
      %dma_start3A_58 = arith.constant 0 : i32
      %dma_start3A_59 = arith.constant 0 : i32
      %dma_start3A_60 = tpu.memref_slice %arg12[%dma_start3A_51, %dma_start3A_58, %dma_start3A_59] : memref<16x8x64xf32, #tpu.memory_space<vmem>> -> memref<1x8x64xf32, #tpu.memory_space<vmem>>
      %dma_start3A_61 = tpu.memref_squeeze %dma_start3A_60 : memref<1x8x64xf32, #tpu.memory_space<vmem>> -> memref<8x64xf32, #tpu.memory_space<vmem>>
      %dma_start3A_62 = arith.constant 0 : i32
      %dma_start3A_63 = tpu.memref_slice %arg4[%multiple_of3A, %dma_start3A_62] : memref<1000000x64xf32, #tpu.memory_space<hbm>> -> memref<8x64xf32, #tpu.memory_space<hbm>>
      tpu.enqueue_dma source(%dma_start3A_63 : memref<8x64xf32, #tpu.memory_space<hbm>>) target(%dma_start3A_61 : memref<8x64xf32, #tpu.memory_space<vmem>>) target_semaphore(%arg18 : memref<!tpu.dma_semaphore, #tpu.memory_space<semaphore_mem>>)
      %dma_start3A_64 = arith.constant 0 : i32
      %dma_start3A_65 = arith.constant 0 : i32
      %dma_start3A_66 = arith.constant 0 : i32
      %dma_start3A_67 = tpu.memref_slice %arg13[%dma_start3A_64, %dma_start3A_65, %dma_start3A_66] : memref<16x8x64xf32, #tpu.memory_space<vmem>> -> memref<1x8x64xf32, #tpu.memory_space<vmem>>
      %dma_start3A_68 = tpu.memref_squeeze %dma_start3A_67 : memref<1x8x64xf32, #tpu.memory_space<vmem>> -> memref<8x64xf32, #tpu.memory_space<vmem>>
      %dma_start3A_69 = arith.constant 0 : i32
      %dma_start3A_70 = tpu.memref_slice %arg5[%multiple_of3A_50, %dma_start3A_69] : memref<100000x64xf32, #tpu.memory_space<hbm>> -> memref<8x64xf32, #tpu.memory_space<hbm>>
      %dma_start3A_71 = arith.constant 0 : i32
      %dma_start3A_72 = arith.constant 0 : i32
      %dma_start3A_73 = tpu.memref_slice %arg13[%dma_start3A_64, %dma_start3A_71, %dma_start3A_72] : memref<16x8x64xf32, #tpu.memory_space<vmem>> -> memref<1x8x64xf32, #tpu.memory_space<vmem>>
      %dma_start3A_74 = tpu.memref_squeeze %dma_start3A_73 : memref<1x8x64xf32, #tpu.memory_space<vmem>> -> memref<8x64xf32, #tpu.memory_space<vmem>>
      %dma_start3A_75 = arith.constant 0 : i32
      %dma_start3A_76 = tpu.memref_slice %arg5[%multiple_of3A_50, %dma_start3A_75] : memref<100000x64xf32, #tpu.memory_space<hbm>> -> memref<8x64xf32, #tpu.memory_space<hbm>>
      tpu.enqueue_dma source(%dma_start3A_76 : memref<8x64xf32, #tpu.memory_space<hbm>>) target(%dma_start3A_74 : memref<8x64xf32, #tpu.memory_space<vmem>>) target_semaphore(%arg18 : memref<!tpu.dma_semaphore, #tpu.memory_space<semaphore_mem>>)
      %eq3A_77 = arith.constant 1 : i32
      %eq3A_78 = vector.broadcast %eq3A_77 : i32 to vector<16xi32>
      %eq3A_79 = arith.cmpi eq, %iota3A, %eq3A_78 : vector<16xi32>
      %jit3A_80 = arith.constant 0 : i32
      %broadcast_in_dim3A_81 = vector.broadcast %jit3A_80 : i32 to vector<16xi32>
      %select_n3A_82 = arith.select %eq3A_79, %get3A_22, %broadcast_in_dim3A_81 : vector<16xi1>, vector<16xi32>
      %reduce_max3A_83 = arith.constant true
      %reduce_max3A_84 = vector.broadcast %reduce_max3A_83 : i1 to vector<16xi1>
      %reduce_max3A_85 = arith.constant -2147483648 : i32
      %reduce_max3A_86 = vector.broadcast %reduce_max3A_85 : i32 to vector<16xi32>
      %reduce_max3A_87 = arith.xori %select_n3A_82, %reduce_max3A_86 : vector<16xi32>
      %reduce_max3A_88 = tpu.scan <max>, %reduce_max3A_87 masked %reduce_max3A_84 : vector<16xi32>, vector<16xi1> -> vector<16xi32>
      %reduce_max3A_89 = arith.xori %reduce_max3A_88, %reduce_max3A_86 : vector<16xi32>
      %reduce_max3A_90 = vector.extract %reduce_max3A_89[15] : i32 from vector<16xi32>
      %jit3A_91 = arith.constant 0 : i32
      %broadcast_in_dim3A_92 = vector.broadcast %jit3A_91 : i32 to vector<16xi32>
      %select_n3A_93 = arith.select %eq3A_79, %get3A_24, %broadcast_in_dim3A_92 : vector<16xi1>, vector<16xi32>
      %reduce_max3A_94 = arith.constant true
      %reduce_max3A_95 = vector.broadcast %reduce_max3A_94 : i1 to vector<16xi1>
      %reduce_max3A_96 = arith.constant -2147483648 : i32
      %reduce_max3A_97 = vector.broadcast %reduce_max3A_96 : i32 to vector<16xi32>
      %reduce_max3A_98 = arith.xori %select_n3A_93, %reduce_max3A_97 : vector<16xi32>
      %reduce_max3A_99 = tpu.scan <max>, %reduce_max3A_98 masked %reduce_max3A_95 : vector<16xi32>, vector<16xi1> -> vector<16xi32>
      %reduce_max3A_100 = arith.xori %reduce_max3A_99, %reduce_max3A_97 : vector<16xi32>
      %reduce_max3A_101 = vector.extract %reduce_max3A_100[15] : i32 from vector<16xi32>
      %and3A_102 = arith.constant 7 : i32
      %and3A_103 = arith.andi %reduce_max3A_90, %and3A_102 : i32
      %sub3A_104 = arith.subi %reduce_max3A_90, %and3A_103 : i32
      %multiple_of3A_105 = tpu.assume_multiple %sub3A_104, 8 : i32
      %and3A_106 = arith.constant 7 : i32
      %and3A_107 = arith.andi %reduce_max3A_101, %and3A_106 : i32
      %sub3A_108 = arith.subi %reduce_max3A_101, %and3A_107 : i32
      %multiple_of3A_109 = tpu.assume_multiple %sub3A_108, 8 : i32
      %dma_start3A_110 = arith.constant 1 : i32
      %dma_start3A_111 = arith.constant 0 : i32
      %dma_start3A_112 = arith.constant 0 : i32
      %dma_start3A_113 = tpu.memref_slice %arg12[%dma_start3A_110, %dma_start3A_111, %dma_start3A_112] : memref<16x8x64xf32, #tpu.memory_space<vmem>> -> memref<1x8x64xf32, #tpu.memory_space<vmem>>
      %dma_start3A_114 = tpu.memref_squeeze %dma_start3A_113 : memref<1x8x64xf32, #tpu.memory_space<vmem>> -> memref<8x64xf32, #tpu.memory_space<vmem>>
      %dma_start3A_115 = arith.constant 0 : i32
      %dma_start3A_116 = tpu.memref_slice %arg4[%multiple_of3A_105, %dma_start3A_115] : memref<1000000x64xf32, #tpu.memory_space<hbm>> -> memref<8x64xf32, #tpu.memory_space<hbm>>
      %dma_start3A_117 = arith.constant 0 : i32
      %dma_start3A_118 = arith.constant 0 : i32
      %dma_start3A_119 = tpu.memref_slice %arg12[%dma_start3A_110, %dma_start3A_117, %dma_start3A_118] : memref<16x8x64xf32, #tpu.memory_space<vmem>> -> memref<1x8x64xf32, #tpu.memory_space<vmem>>
      %dma_start3A_120 = tpu.memref_squeeze %dma_start3A_119 : memref<1x8x64xf32, #tpu.memory_space<vmem>> -> memref<8x64xf32, #tpu.memory_space<vmem>>
      %dma_start3A_121 = arith.constant 0 : i32
      %dma_start3A_122 = tpu.memref_slice %arg4[%multiple_of3A_105, %dma_start3A_121] : memref<1000000x64xf32, #tpu.memory_space<hbm>> -> memref<8x64xf32, #tpu.memory_space<hbm>>
      tpu.enqueue_dma source(%dma_start3A_122 : memref<8x64xf32, #tpu.memory_space<hbm>>) target(%dma_start3A_120 : memref<8x64xf32, #tpu.memory_space<vmem>>) target_semaphore(%arg18 : memref<!tpu.dma_semaphore, #tpu.memory_space<semaphore_mem>>)
      %dma_start3A_123 = arith.constant 1 : i32
      %dma_start3A_124 = arith.constant 0 : i32
      %dma_start3A_125 = arith.constant 0 : i32
      %dma_start3A_126 = tpu.memref_slice %arg13[%dma_start3A_123, %dma_start3A_124, %dma_start3A_125] : memref<16x8x64xf32, #tpu.memory_space<vmem>> -> memref<1x8x64xf32, #tpu.memory_space<vmem>>
      %dma_start3A_127 = tpu.memref_squeeze %dma_start3A_126 : memref<1x8x64xf32, #tpu.memory_space<vmem>> -> memref<8x64xf32, #tpu.memory_space<vmem>>
      %dma_start3A_128 = arith.constant 0 : i32
      %dma_start3A_129 = tpu.memref_slice %arg5[%multiple_of3A_109, %dma_start3A_128] : memref<100000x64xf32, #tpu.memory_space<hbm>> -> memref<8x64xf32, #tpu.memory_space<hbm>>
      %dma_start3A_130 = arith.constant 0 : i32
      %dma_start3A_131 = arith.constant 0 : i32
      %dma_start3A_132 = tpu.memref_slice %arg13[%dma_start3A_123, %dma_start3A_130, %dma_start3A_131] : memref<16x8x64xf32, #tpu.memory_space<vmem>> -> memref<1x8x64xf32, #tpu.memory_space<vmem>>
      %dma_start3A_133 = tpu.memref_squeeze %dma_start3A_132 : memref<1x8x64xf32, #tpu.memory_space<vmem>> -> memref<8x64xf32, #tpu.memory_space<vmem>>
      %dma_start3A_134 = arith.constant 0 : i32
      %dma_start3A_135 = tpu.memref_slice %arg5[%multiple_of3A_109, %dma_start3A_134] : memref<100000x64xf32, #tpu.memory_space<hbm>> -> memref<8x64xf32, #tpu.memory_space<hbm>>
      tpu.enqueue_dma source(%dma_start3A_135 : memref<8x64xf32, #tpu.memory_space<hbm>>) target(%dma_start3A_133 : memref<8x64xf32, #tpu.memory_space<vmem>>) target_semaphore(%arg18 : memref<!tpu.dma_semaphore, #tpu.memory_space<semaphore_mem>>)
      %eq3A_136 = arith.constant 2 : i32
      %eq3A_137 = vector.broadcast %eq3A_136 : i32 to vector<16xi32>
      %eq3A_138 = arith.cmpi eq, %iota3A, %eq3A_137 : vector<16xi32>
      %jit3A_139 = arith.constant 0 : i32
      %broadcast_in_dim3A_140 = vector.broadcast %jit3A_139 : i32 to vector<16xi32>
      %select_n3A_141 = arith.select %eq3A_138, %get3A_22, %broadcast_in_dim3A_140 : vector<16xi1>, vector<16xi32>
      %reduce_max3A_142 = arith.constant true
      %reduce_max3A_143 = vector.broadcast %reduce_max3A_142 : i1 to vector<16xi1>
      %reduce_max3A_144 = arith.constant -2147483648 : i32
      %reduce_max3A_145 = vector.broadcast %reduce_max3A_144 : i32 to vector<16xi32>
      %reduce_max3A_146 = arith.xori %select_n3A_141, %reduce_max3A_145 : vector<16xi32>
      %reduce_max3A_147 = tpu.scan <max>, %reduce_max3A_146 masked %reduce_max3A_143 : vector<16xi32>, vector<16xi1> -> vector<16xi32>
      %reduce_max3A_148 = arith.xori %reduce_max3A_147, %reduce_max3A_145 : vector<16xi32>
      %reduce_max3A_149 = vector.extract %reduce_max3A_148[15] : i32 from vector<16xi32>
      %jit3A_150 = arith.constant 0 : i32
      %broadcast_in_dim3A_151 = vector.broadcast %jit3A_150 : i32 to vector<16xi32>
      %select_n3A_152 = arith.select %eq3A_138, %get3A_24, %broadcast_in_dim3A_151 : vector<16xi1>, vector<16xi32>
      %reduce_max3A_153 = arith.constant true
      %reduce_max3A_154 = vector.broadcast %reduce_max3A_153 : i1 to vector<16xi1>
      %reduce_max3A_155 = arith.constant -2147483648 : i32
      %reduce_max3A_156 = vector.broadcast %reduce_max3A_155 : i32 to vector<16xi32>
      %reduce_max3A_157 = arith.xori %select_n3A_152, %reduce_max3A_156 : vector<16xi32>
      %reduce_max3A_158 = tpu.scan <max>, %reduce_max3A_157 masked %reduce_max3A_154 : vector<16xi32>, vector<16xi1> -> vector<16xi32>
      %reduce_max3A_159 = arith.xori %reduce_max3A_158, %reduce_max3A_156 : vector<16xi32>
      %reduce_max3A_160 = vector.extract %reduce_max3A_159[15] : i32 from vector<16xi32>
      %and3A_161 = arith.constant 7 : i32
      %and3A_162 = arith.andi %reduce_max3A_149, %and3A_161 : i32
      %sub3A_163 = arith.subi %reduce_max3A_149, %and3A_162 : i32
      %multiple_of3A_164 = tpu.assume_multiple %sub3A_163, 8 : i32
      %and3A_165 = arith.constant 7 : i32
      %and3A_166 = arith.andi %reduce_max3A_160, %and3A_165 : i32
      %sub3A_167 = arith.subi %reduce_max3A_160, %and3A_166 : i32
      %multiple_of3A_168 = tpu.assume_multiple %sub3A_167, 8 : i32
      %dma_start3A_169 = arith.constant 2 : i32
      %dma_start3A_170 = arith.constant 0 : i32
      %dma_start3A_171 = arith.constant 0 : i32
      %dma_start3A_172 = tpu.memref_slice %arg12[%dma_start3A_169, %dma_start3A_170, %dma_start3A_171] : memref<16x8x64xf32, #tpu.memory_space<vmem>> -> memref<1x8x64xf32, #tpu.memory_space<vmem>>
      %dma_start3A_173 = tpu.memref_squeeze %dma_start3A_172 : memref<1x8x64xf32, #tpu.memory_space<vmem>> -> memref<8x64xf32, #tpu.memory_space<vmem>>
      %dma_start3A_174 = arith.constant 0 : i32
      %dma_start3A_175 = tpu.memref_slice %arg4[%multiple_of3A_164, %dma_start3A_174] : memref<1000000x64xf32, #tpu.memory_space<hbm>> -> memref<8x64xf32, #tpu.memory_space<hbm>>
      %dma_start3A_176 = arith.constant 0 : i32
      %dma_start3A_177 = arith.constant 0 : i32
      %dma_start3A_178 = tpu.memref_slice %arg12[%dma_start3A_169, %dma_start3A_176, %dma_start3A_177] : memref<16x8x64xf32, #tpu.memory_space<vmem>> -> memref<1x8x64xf32, #tpu.memory_space<vmem>>
      %dma_start3A_179 = tpu.memref_squeeze %dma_start3A_178 : memref<1x8x64xf32, #tpu.memory_space<vmem>> -> memref<8x64xf32, #tpu.memory_space<vmem>>
      %dma_start3A_180 = arith.constant 0 : i32
      %dma_start3A_181 = tpu.memref_slice %arg4[%multiple_of3A_164, %dma_start3A_180] : memref<1000000x64xf32, #tpu.memory_space<hbm>> -> memref<8x64xf32, #tpu.memory_space<hbm>>
      tpu.enqueue_dma source(%dma_start3A_181 : memref<8x64xf32, #tpu.memory_space<hbm>>) target(%dma_start3A_179 : memref<8x64xf32, #tpu.memory_space<vmem>>) target_semaphore(%arg18 : memref<!tpu.dma_semaphore, #tpu.memory_space<semaphore_mem>>)
      %dma_start3A_182 = arith.constant 2 : i32
      %dma_start3A_183 = arith.constant 0 : i32
      %dma_start3A_184 = arith.constant 0 : i32
      %dma_start3A_185 = tpu.memref_slice %arg13[%dma_start3A_182, %dma_start3A_183, %dma_start3A_184] : memref<16x8x64xf32, #tpu.memory_space<vmem>> -> memref<1x8x64xf32, #tpu.memory_space<vmem>>
      %dma_start3A_186 = tpu.memref_squeeze %dma_start3A_185 : memref<1x8x64xf32, #tpu.memory_space<vmem>> -> memref<8x64xf32, #tpu.memory_space<vmem>>
      %dma_start3A_187 = arith.constant 0 : i32
      %dma_start3A_188 = tpu.memref_slice %arg5[%multiple_of3A_168, %dma_start3A_187] : memref<100000x64xf32, #tpu.memory_space<hbm>> -> memref<8x64xf32, #tpu.memory_space<hbm>>
      %dma_start3A_189 = arith.constant 0 : i32
      %dma_start3A_190 = arith.constant 0 : i32
      %dma_start3A_191 = tpu.memref_slice %arg13[%dma_start3A_182, %dma_start3A_189, %dma_start3A_190] : memref<16x8x64xf32, #tpu.memory_space<vmem>> -> memref<1x8x64xf32, #tpu.memory_space<vmem>>
      %dma_start3A_192 = tpu.memref_squeeze %dma_start3A_191 : memref<1x8x64xf32, #tpu.memory_space<vmem>> -> memref<8x64xf32, #tpu.memory_space<vmem>>
      %dma_start3A_193 = arith.constant 0 : i32
      %dma_start3A_194 = tpu.memref_slice %arg5[%multiple_of3A_168, %dma_start3A_193] : memref<100000x64xf32, #tpu.memory_space<hbm>> -> memref<8x64xf32, #tpu.memory_space<hbm>>
      tpu.enqueue_dma source(%dma_start3A_194 : memref<8x64xf32, #tpu.memory_space<hbm>>) target(%dma_start3A_192 : memref<8x64xf32, #tpu.memory_space<vmem>>) target_semaphore(%arg18 : memref<!tpu.dma_semaphore, #tpu.memory_space<semaphore_mem>>)
      %eq3A_195 = arith.constant 3 : i32
      %eq3A_196 = vector.broadcast %eq3A_195 : i32 to vector<16xi32>
      %eq3A_197 = arith.cmpi eq, %iota3A, %eq3A_196 : vector<16xi32>
      %jit3A_198 = arith.constant 0 : i32
      %broadcast_in_dim3A_199 = vector.broadcast %jit3A_198 : i32 to vector<16xi32>
      %select_n3A_200 = arith.select %eq3A_197, %get3A_22, %broadcast_in_dim3A_199 : vector<16xi1>, vector<16xi32>
      %reduce_max3A_201 = arith.constant true
      %reduce_max3A_202 = vector.broadcast %reduce_max3A_201 : i1 to vector<16xi1>
      %reduce_max3A_203 = arith.constant -2147483648 : i32
      %reduce_max3A_204 = vector.broadcast %reduce_max3A_203 : i32 to vector<16xi32>
      %reduce_max3A_205 = arith.xori %select_n3A_200, %reduce_max3A_204 : vector<16xi32>
      %reduce_max3A_206 = tpu.scan <max>, %reduce_max3A_205 masked %reduce_max3A_202 : vector<16xi32>, vector<16xi1> -> vector<16xi32>
      %reduce_max3A_207 = arith.xori %reduce_max3A_206, %reduce_max3A_204 : vector<16xi32>
      %reduce_max3A_208 = vector.extract %reduce_max3A_207[15] : i32 from vector<16xi32>
      %jit3A_209 = arith.constant 0 : i32
      %broadcast_in_dim3A_210 = vector.broadcast %jit3A_209 : i32 to vector<16xi32>
      %select_n3A_211 = arith.select %eq3A_197, %get3A_24, %broadcast_in_dim3A_210 : vector<16xi1>, vector<16xi32>
      %reduce_max3A_212 = arith.constant true
      %reduce_max3A_213 = vector.broadcast %reduce_max3A_212 : i1 to vector<16xi1>
      %reduce_max3A_214 = arith.constant -2147483648 : i32
      %reduce_max3A_215 = vector.broadcast %reduce_max3A_214 : i32 to vector<16xi32>
      %reduce_max3A_216 = arith.xori %select_n3A_211, %reduce_max3A_215 : vector<16xi32>
      %reduce_max3A_217 = tpu.scan <max>, %reduce_max3A_216 masked %reduce_max3A_213 : vector<16xi32>, vector<16xi1> -> vector<16xi32>
      %reduce_max3A_218 = arith.xori %reduce_max3A_217, %reduce_max3A_215 : vector<16xi32>
      %reduce_max3A_219 = vector.extract %reduce_max3A_218[15] : i32 from vector<16xi32>
      %and3A_220 = arith.constant 7 : i32
      %and3A_221 = arith.andi %reduce_max3A_208, %and3A_220 : i32
      %sub3A_222 = arith.subi %reduce_max3A_208, %and3A_221 : i32
      %multiple_of3A_223 = tpu.assume_multiple %sub3A_222, 8 : i32
      %and3A_224 = arith.constant 7 : i32
      %and3A_225 = arith.andi %reduce_max3A_219, %and3A_224 : i32
      %sub3A_226 = arith.subi %reduce_max3A_219, %and3A_225 : i32
      %multiple_of3A_227 = tpu.assume_multiple %sub3A_226, 8 : i32
      %dma_start3A_228 = arith.constant 3 : i32
      %dma_start3A_229 = arith.constant 0 : i32
      %dma_start3A_230 = arith.constant 0 : i32
      %dma_start3A_231 = tpu.memref_slice %arg12[%dma_start3A_228, %dma_start3A_229, %dma_start3A_230] : memref<16x8x64xf32, #tpu.memory_space<vmem>> -> memref<1x8x64xf32, #tpu.memory_space<vmem>>
      %dma_start3A_232 = tpu.memref_squeeze %dma_start3A_231 : memref<1x8x64xf32, #tpu.memory_space<vmem>> -> memref<8x64xf32, #tpu.memory_space<vmem>>
      %dma_start3A_233 = arith.constant 0 : i32
      %dma_start3A_234 = tpu.memref_slice %arg4[%multiple_of3A_223, %dma_start3A_233] : memref<1000000x64xf32, #tpu.memory_space<hbm>> -> memref<8x64xf32, #tpu.memory_space<hbm>>
      %dma_start3A_235 = arith.constant 0 : i32
      %dma_start3A_236 = arith.constant 0 : i32
      %dma_start3A_237 = tpu.memref_slice %arg12[%dma_start3A_228, %dma_start3A_235, %dma_start3A_236] : memref<16x8x64xf32, #tpu.memory_space<vmem>> -> memref<1x8x64xf32, #tpu.memory_space<vmem>>
      %dma_start3A_238 = tpu.memref_squeeze %dma_start3A_237 : memref<1x8x64xf32, #tpu.memory_space<vmem>> -> memref<8x64xf32, #tpu.memory_space<vmem>>
      %dma_start3A_239 = arith.constant 0 : i32
      %dma_start3A_240 = tpu.memref_slice %arg4[%multiple_of3A_223, %dma_start3A_239] : memref<1000000x64xf32, #tpu.memory_space<hbm>> -> memref<8x64xf32, #tpu.memory_space<hbm>>
      tpu.enqueue_dma source(%dma_start3A_240 : memref<8x64xf32, #tpu.memory_space<hbm>>) target(%dma_start3A_238 : memref<8x64xf32, #tpu.memory_space<vmem>>) target_semaphore(%arg18 : memref<!tpu.dma_semaphore, #tpu.memory_space<semaphore_mem>>)
      %dma_start3A_241 = arith.constant 3 : i32
      %dma_start3A_242 = arith.constant 0 : i32
      %dma_start3A_243 = arith.constant 0 : i32
      %dma_start3A_244 = tpu.memref_slice %arg13[%dma_start3A_241, %dma_start3A_242, %dma_start3A_243] : memref<16x8x64xf32, #tpu.memory_space<vmem>> -> memref<1x8x64xf32, #tpu.memory_space<vmem>>
      %dma_start3A_245 = tpu.memref_squeeze %dma_start3A_244 : memref<1x8x64xf32, #tpu.memory_space<vmem>> -> memref<8x64xf32, #tpu.memory_space<vmem>>
      %dma_start3A_246 = arith.constant 0 : i32
      %dma_start3A_247 = tpu.memref_slice %arg5[%multiple_of3A_227, %dma_start3A_246] : memref<100000x64xf32, #tpu.memory_space<hbm>> -> memref<8x64xf32, #tpu.memory_space<hbm>>
      %dma_start3A_248 = arith.constant 0 : i32
      %dma_start3A_249 = arith.constant 0 : i32
      %dma_start3A_250 = tpu.memref_slice %arg13[%dma_start3A_241, %dma_start3A_248, %dma_start3A_249] : memref<16x8x64xf32, #tpu.memory_space<vmem>> -> memref<1x8x64xf32, #tpu.memory_space<vmem>>
      %dma_start3A_251 = tpu.memref_squeeze %dma_start3A_250 : memref<1x8x64xf32, #tpu.memory_space<vmem>> -> memref<8x64xf32, #tpu.memory_space<vmem>>
      %dma_start3A_252 = arith.constant 0 : i32
      %dma_start3A_253 = tpu.memref_slice %arg5[%multiple_of3A_227, %dma_start3A_252] : memref<100000x64xf32, #tpu.memory_space<hbm>> -> memref<8x64xf32, #tpu.memory_space<hbm>>
      tpu.enqueue_dma source(%dma_start3A_253 : memref<8x64xf32, #tpu.memory_space<hbm>>) target(%dma_start3A_251 : memref<8x64xf32, #tpu.memory_space<vmem>>) target_semaphore(%arg18 : memref<!tpu.dma_semaphore, #tpu.memory_space<semaphore_mem>>)
      %eq3A_254 = arith.constant 4 : i32
      %eq3A_255 = vector.broadcast %eq3A_254 : i32 to vector<16xi32>
      %eq3A_256 = arith.cmpi eq, %iota3A, %eq3A_255 : vector<16xi32>
      %jit3A_257 = arith.constant 0 : i32
      %broadcast_in_dim3A_258 = vector.broadcast %jit3A_257 : i32 to vector<16xi32>
      %select_n3A_259 = arith.select %eq3A_256, %get3A_22, %broadcast_in_dim3A_258 : vector<16xi1>, vector<16xi32>
      %reduce_max3A_260 = arith.constant true
      %reduce_max3A_261 = vector.broadcast %reduce_max3A_260 : i1 to vector<16xi1>
      %reduce_max3A_262 = arith.constant -2147483648 : i32
      %reduce_max3A_263 = vector.broadcast %reduce_max3A_262 : i32 to vector<16xi32>
      %reduce_max3A_264 = arith.xori %select_n3A_259, %reduce_max3A_263 : vector<16xi32>
      %reduce_max3A_265 = tpu.scan <max>, %reduce_max3A_264 masked %reduce_max3A_261 : vector<16xi32>, vector<16xi1> -> vector<16xi32>
      %reduce_max3A_266 = arith.xori %reduce_max3A_265, %reduce_max3A_263 : vector<16xi32>
      %reduce_max3A_267 = vector.extract %reduce_max3A_266[15] : i32 from vector<16xi32>
      %jit3A_268 = arith.constant 0 : i32
      %broadcast_in_dim3A_269 = vector.broadcast %jit3A_268 : i32 to vector<16xi32>
      %select_n3A_270 = arith.select %eq3A_256, %get3A_24, %broadcast_in_dim3A_269 : vector<16xi1>, vector<16xi32>
      %reduce_max3A_271 = arith.constant true
      %reduce_max3A_272 = vector.broadcast %reduce_max3A_271 : i1 to vector<16xi1>
      %reduce_max3A_273 = arith.constant -2147483648 : i32
      %reduce_max3A_274 = vector.broadcast %reduce_max3A_273 : i32 to vector<16xi32>
      %reduce_max3A_275 = arith.xori %select_n3A_270, %reduce_max3A_274 : vector<16xi32>
      %reduce_max3A_276 = tpu.scan <max>, %reduce_max3A_275 masked %reduce_max3A_272 : vector<16xi32>, vector<16xi1> -> vector<16xi32>
      %reduce_max3A_277 = arith.xori %reduce_max3A_276, %reduce_max3A_274 : vector<16xi32>
      %reduce_max3A_278 = vector.extract %reduce_max3A_277[15] : i32 from vector<16xi32>
      %and3A_279 = arith.constant 7 : i32
      %and3A_280 = arith.andi %reduce_max3A_267, %and3A_279 : i32
      %sub3A_281 = arith.subi %reduce_max3A_267, %and3A_280 : i32
      %multiple_of3A_282 = tpu.assume_multiple %sub3A_281, 8 : i32
      %and3A_283 = arith.constant 7 : i32
      %and3A_284 = arith.andi %reduce_max3A_278, %and3A_283 : i32
      %sub3A_285 = arith.subi %reduce_max3A_278, %and3A_284 : i32
      %multiple_of3A_286 = tpu.assume_multiple %sub3A_285, 8 : i32
      %dma_start3A_287 = arith.constant 4 : i32
      %dma_start3A_288 = arith.constant 0 : i32
      %dma_start3A_289 = arith.constant 0 : i32
      %dma_start3A_290 = tpu.memref_slice %arg12[%dma_start3A_287, %dma_start3A_288, %dma_start3A_289] : memref<16x8x64xf32, #tpu.memory_space<vmem>> -> memref<1x8x64xf32, #tpu.memory_space<vmem>>
      %dma_start3A_291 = tpu.memref_squeeze %dma_start3A_290 : memref<1x8x64xf32, #tpu.memory_space<vmem>> -> memref<8x64xf32, #tpu.memory_space<vmem>>
      %dma_start3A_292 = arith.constant 0 : i32
      %dma_start3A_293 = tpu.memref_slice %arg4[%multiple_of3A_282, %dma_start3A_292] : memref<1000000x64xf32, #tpu.memory_space<hbm>> -> memref<8x64xf32, #tpu.memory_space<hbm>>
      %dma_start3A_294 = arith.constant 0 : i32
      %dma_start3A_295 = arith.constant 0 : i32
      %dma_start3A_296 = tpu.memref_slice %arg12[%dma_start3A_287, %dma_start3A_294, %dma_start3A_295] : memref<16x8x64xf32, #tpu.memory_space<vmem>> -> memref<1x8x64xf32, #tpu.memory_space<vmem>>
      %dma_start3A_297 = tpu.memref_squeeze %dma_start3A_296 : memref<1x8x64xf32, #tpu.memory_space<vmem>> -> memref<8x64xf32, #tpu.memory_space<vmem>>
      %dma_start3A_298 = arith.constant 0 : i32
      %dma_start3A_299 = tpu.memref_slice %arg4[%multiple_of3A_282, %dma_start3A_298] : memref<1000000x64xf32, #tpu.memory_space<hbm>> -> memref<8x64xf32, #tpu.memory_space<hbm>>
      tpu.enqueue_dma source(%dma_start3A_299 : memref<8x64xf32, #tpu.memory_space<hbm>>) target(%dma_start3A_297 : memref<8x64xf32, #tpu.memory_space<vmem>>) target_semaphore(%arg18 : memref<!tpu.dma_semaphore, #tpu.memory_space<semaphore_mem>>)
      %dma_start3A_300 = arith.constant 4 : i32
      %dma_start3A_301 = arith.constant 0 : i32
      %dma_start3A_302 = arith.constant 0 : i32
      %dma_start3A_303 = tpu.memref_slice %arg13[%dma_start3A_300, %dma_start3A_301, %dma_start3A_302] : memref<16x8x64xf32, #tpu.memory_space<vmem>> -> memref<1x8x64xf32, #tpu.memory_space<vmem>>
      %dma_start3A_304 = tpu.memref_squeeze %dma_start3A_303 : memref<1x8x64xf32, #tpu.memory_space<vmem>> -> memref<8x64xf32, #tpu.memory_space<vmem>>
      %dma_start3A_305 = arith.constant 0 : i32
      %dma_start3A_306 = tpu.memref_slice %arg5[%multiple_of3A_286, %dma_start3A_305] : memref<100000x64xf32, #tpu.memory_space<hbm>> -> memref<8x64xf32, #tpu.memory_space<hbm>>
      %dma_start3A_307 = arith.constant 0 : i32
      %dma_start3A_308 = arith.constant 0 : i32
      %dma_start3A_309 = tpu.memref_slice %arg13[%dma_start3A_300, %dma_start3A_307, %dma_start3A_308] : memref<16x8x64xf32, #tpu.memory_space<vmem>> -> memref<1x8x64xf32, #tpu.memory_space<vmem>>
      %dma_start3A_310 = tpu.memref_squeeze %dma_start3A_309 : memref<1x8x64xf32, #tpu.memory_space<vmem>> -> memref<8x64xf32, #tpu.memory_space<vmem>>
      %dma_start3A_311 = arith.constant 0 : i32
      %dma_start3A_312 = tpu.memref_slice %arg5[%multiple_of3A_286, %dma_start3A_311] : memref<100000x64xf32, #tpu.memory_space<hbm>> -> memref<8x64xf32, #tpu.memory_space<hbm>>
      tpu.enqueue_dma source(%dma_start3A_312 : memref<8x64xf32, #tpu.memory_space<hbm>>) target(%dma_start3A_310 : memref<8x64xf32, #tpu.memory_space<vmem>>) target_semaphore(%arg18 : memref<!tpu.dma_semaphore, #tpu.memory_space<semaphore_mem>>)
      %eq3A_313 = arith.constant 5 : i32
      %eq3A_314 = vector.broadcast %eq3A_313 : i32 to vector<16xi32>
      %eq3A_315 = arith.cmpi eq, %iota3A, %eq3A_314 : vector<16xi32>
      %jit3A_316 = arith.constant 0 : i32
      %broadcast_in_dim3A_317 = vector.broadcast %jit3A_316 : i32 to vector<16xi32>
      %select_n3A_318 = arith.select %eq3A_315, %get3A_22, %broadcast_in_dim3A_317 : vector<16xi1>, vector<16xi32>
      %reduce_max3A_319 = arith.constant true
      %reduce_max3A_320 = vector.broadcast %reduce_max3A_319 : i1 to vector<16xi1>
      %reduce_max3A_321 = arith.constant -2147483648 : i32
      %reduce_max3A_322 = vector.broadcast %reduce_max3A_321 : i32 to vector<16xi32>
      %reduce_max3A_323 = arith.xori %select_n3A_318, %reduce_max3A_322 : vector<16xi32>
      %reduce_max3A_324 = tpu.scan <max>, %reduce_max3A_323 masked %reduce_max3A_320 : vector<16xi32>, vector<16xi1> -> vector<16xi32>
      %reduce_max3A_325 = arith.xori %reduce_max3A_324, %reduce_max3A_322 : vector<16xi32>
      %reduce_max3A_326 = vector.extract %reduce_max3A_325[15] : i32 from vector<16xi32>
      %jit3A_327 = arith.constant 0 : i32
      %broadcast_in_dim3A_328 = vector.broadcast %jit3A_327 : i32 to vector<16xi32>
      %select_n3A_329 = arith.select %eq3A_315, %get3A_24, %broadcast_in_dim3A_328 : vector<16xi1>, vector<16xi32>
      %reduce_max3A_330 = arith.constant true
      %reduce_max3A_331 = vector.broadcast %reduce_max3A_330 : i1 to vector<16xi1>
      %reduce_max3A_332 = arith.constant -2147483648 : i32
      %reduce_max3A_333 = vector.broadcast %reduce_max3A_332 : i32 to vector<16xi32>
      %reduce_max3A_334 = arith.xori %select_n3A_329, %reduce_max3A_333 : vector<16xi32>
      %reduce_max3A_335 = tpu.scan <max>, %reduce_max3A_334 masked %reduce_max3A_331 : vector<16xi32>, vector<16xi1> -> vector<16xi32>
      %reduce_max3A_336 = arith.xori %reduce_max3A_335, %reduce_max3A_333 : vector<16xi32>
      %reduce_max3A_337 = vector.extract %reduce_max3A_336[15] : i32 from vector<16xi32>
      %and3A_338 = arith.constant 7 : i32
      %and3A_339 = arith.andi %reduce_max3A_326, %and3A_338 : i32
      %sub3A_340 = arith.subi %reduce_max3A_326, %and3A_339 : i32
      %multiple_of3A_341 = tpu.assume_multiple %sub3A_340, 8 : i32
      %and3A_342 = arith.constant 7 : i32
      %and3A_343 = arith.andi %reduce_max3A_337, %and3A_342 : i32
      %sub3A_344 = arith.subi %reduce_max3A_337, %and3A_343 : i32
      %multiple_of3A_345 = tpu.assume_multiple %sub3A_344, 8 : i32
      %dma_start3A_346 = arith.constant 5 : i32
      %dma_start3A_347 = arith.constant 0 : i32
      %dma_start3A_348 = arith.constant 0 : i32
      %dma_start3A_349 = tpu.memref_slice %arg12[%dma_start3A_346, %dma_start3A_347, %dma_start3A_348] : memref<16x8x64xf32, #tpu.memory_space<vmem>> -> memref<1x8x64xf32, #tpu.memory_space<vmem>>
      %dma_start3A_350 = tpu.memref_squeeze %dma_start3A_349 : memref<1x8x64xf32, #tpu.memory_space<vmem>> -> memref<8x64xf32, #tpu.memory_space<vmem>>
      %dma_start3A_351 = arith.constant 0 : i32
      %dma_start3A_352 = tpu.memref_slice %arg4[%multiple_of3A_341, %dma_start3A_351] : memref<1000000x64xf32, #tpu.memory_space<hbm>> -> memref<8x64xf32, #tpu.memory_space<hbm>>
      %dma_start3A_353 = arith.constant 0 : i32
      %dma_start3A_354 = arith.constant 0 : i32
      %dma_start3A_355 = tpu.memref_slice %arg12[%dma_start3A_346, %dma_start3A_353, %dma_start3A_354] : memref<16x8x64xf32, #tpu.memory_space<vmem>> -> memref<1x8x64xf32, #tpu.memory_space<vmem>>
      %dma_start3A_356 = tpu.memref_squeeze %dma_start3A_355 : memref<1x8x64xf32, #tpu.memory_space<vmem>> -> memref<8x64xf32, #tpu.memory_space<vmem>>
      %dma_start3A_357 = arith.constant 0 : i32
      %dma_start3A_358 = tpu.memref_slice %arg4[%multiple_of3A_341, %dma_start3A_357] : memref<1000000x64xf32, #tpu.memory_space<hbm>> -> memref<8x64xf32, #tpu.memory_space<hbm>>
      tpu.enqueue_dma source(%dma_start3A_358 : memref<8x64xf32, #tpu.memory_space<hbm>>) target(%dma_start3A_356 : memref<8x64xf32, #tpu.memory_space<vmem>>) target_semaphore(%arg18 : memref<!tpu.dma_semaphore, #tpu.memory_space<semaphore_mem>>)
      %dma_start3A_359 = arith.constant 5 : i32
      %dma_start3A_360 = arith.constant 0 : i32
      %dma_start3A_361 = arith.constant 0 : i32
      %dma_start3A_362 = tpu.memref_slice %arg13[%dma_start3A_359, %dma_start3A_360, %dma_start3A_361] : memref<16x8x64xf32, #tpu.memory_space<vmem>> -> memref<1x8x64xf32, #tpu.memory_space<vmem>>
      %dma_start3A_363 = tpu.memref_squeeze %dma_start3A_362 : memref<1x8x64xf32, #tpu.memory_space<vmem>> -> memref<8x64xf32, #tpu.memory_space<vmem>>
      %dma_start3A_364 = arith.constant 0 : i32
      %dma_start3A_365 = tpu.memref_slice %arg5[%multiple_of3A_345, %dma_start3A_364] : memref<100000x64xf32, #tpu.memory_space<hbm>> -> memref<8x64xf32, #tpu.memory_space<hbm>>
      %dma_start3A_366 = arith.constant 0 : i32
      %dma_start3A_367 = arith.constant 0 : i32
      %dma_start3A_368 = tpu.memref_slice %arg13[%dma_start3A_359, %dma_start3A_366, %dma_start3A_367] : memref<16x8x64xf32, #tpu.memory_space<vmem>> -> memref<1x8x64xf32, #tpu.memory_space<vmem>>
      %dma_start3A_369 = tpu.memref_squeeze %dma_start3A_368 : memref<1x8x64xf32, #tpu.memory_space<vmem>> -> memref<8x64xf32, #tpu.memory_space<vmem>>
      %dma_start3A_370 = arith.constant 0 : i32
      %dma_start3A_371 = tpu.memref_slice %arg5[%multiple_of3A_345, %dma_start3A_370] : memref<100000x64xf32, #tpu.memory_space<hbm>> -> memref<8x64xf32, #tpu.memory_space<hbm>>
      tpu.enqueue_dma source(%dma_start3A_371 : memref<8x64xf32, #tpu.memory_space<hbm>>) target(%dma_start3A_369 : memref<8x64xf32, #tpu.memory_space<vmem>>) target_semaphore(%arg18 : memref<!tpu.dma_semaphore, #tpu.memory_space<semaphore_mem>>)
      %eq3A_372 = arith.constant 6 : i32
      %eq3A_373 = vector.broadcast %eq3A_372 : i32 to vector<16xi32>
      %eq3A_374 = arith.cmpi eq, %iota3A, %eq3A_373 : vector<16xi32>
      %jit3A_375 = arith.constant 0 : i32
      %broadcast_in_dim3A_376 = vector.broadcast %jit3A_375 : i32 to vector<16xi32>
      %select_n3A_377 = arith.select %eq3A_374, %get3A_22, %broadcast_in_dim3A_376 : vector<16xi1>, vector<16xi32>
      %reduce_max3A_378 = arith.constant true
      %reduce_max3A_379 = vector.broadcast %reduce_max3A_378 : i1 to vector<16xi1>
      %reduce_max3A_380 = arith.constant -2147483648 : i32
      %reduce_max3A_381 = vector.broadcast %reduce_max3A_380 : i32 to vector<16xi32>
      %reduce_max3A_382 = arith.xori %select_n3A_377, %reduce_max3A_381 : vector<16xi32>
      %reduce_max3A_383 = tpu.scan <max>, %reduce_max3A_382 masked %reduce_max3A_379 : vector<16xi32>, vector<16xi1> -> vector<16xi32>
      %reduce_max3A_384 = arith.xori %reduce_max3A_383, %reduce_max3A_381 : vector<16xi32>
      %reduce_max3A_385 = vector.extract %reduce_max3A_384[15] : i32 from vector<16xi32>
      %jit3A_386 = arith.constant 0 : i32
      %broadcast_in_dim3A_387 = vector.broadcast %jit3A_386 : i32 to vector<16xi32>
      %select_n3A_388 = arith.select %eq3A_374, %get3A_24, %broadcast_in_dim3A_387 : vector<16xi1>, vector<16xi32>
      %reduce_max3A_389 = arith.constant true
      %reduce_max3A_390 = vector.broadcast %reduce_max3A_389 : i1 to vector<16xi1>
      %reduce_max3A_391 = arith.constant -2147483648 : i32
      %reduce_max3A_392 = vector.broadcast %reduce_max3A_391 : i32 to vector<16xi32>
      %reduce_max3A_393 = arith.xori %select_n3A_388, %reduce_max3A_392 : vector<16xi32>
      %reduce_max3A_394 = tpu.scan <max>, %reduce_max3A_393 masked %reduce_max3A_390 : vector<16xi32>, vector<16xi1> -> vector<16xi32>
      %reduce_max3A_395 = arith.xori %reduce_max3A_394, %reduce_max3A_392 : vector<16xi32>
      %reduce_max3A_396 = vector.extract %reduce_max3A_395[15] : i32 from vector<16xi32>
      %and3A_397 = arith.constant 7 : i32
      %and3A_398 = arith.andi %reduce_max3A_385, %and3A_397 : i32
      %sub3A_399 = arith.subi %reduce_max3A_385, %and3A_398 : i32
      %multiple_of3A_400 = tpu.assume_multiple %sub3A_399, 8 : i32
      %and3A_401 = arith.constant 7 : i32
      %and3A_402 = arith.andi %reduce_max3A_396, %and3A_401 : i32
      %sub3A_403 = arith.subi %reduce_max3A_396, %and3A_402 : i32
      %multiple_of3A_404 = tpu.assume_multiple %sub3A_403, 8 : i32
      %dma_start3A_405 = arith.constant 6 : i32
      %dma_start3A_406 = arith.constant 0 : i32
      %dma_start3A_407 = arith.constant 0 : i32
      %dma_start3A_408 = tpu.memref_slice %arg12[%dma_start3A_405, %dma_start3A_406, %dma_start3A_407] : memref<16x8x64xf32, #tpu.memory_space<vmem>> -> memref<1x8x64xf32, #tpu.memory_space<vmem>>
      %dma_start3A_409 = tpu.memref_squeeze %dma_start3A_408 : memref<1x8x64xf32, #tpu.memory_space<vmem>> -> memref<8x64xf32, #tpu.memory_space<vmem>>
      %dma_start3A_410 = arith.constant 0 : i32
      %dma_start3A_411 = tpu.memref_slice %arg4[%multiple_of3A_400, %dma_start3A_410] : memref<1000000x64xf32, #tpu.memory_space<hbm>> -> memref<8x64xf32, #tpu.memory_space<hbm>>
      %dma_start3A_412 = arith.constant 0 : i32
      %dma_start3A_413 = arith.constant 0 : i32
      %dma_start3A_414 = tpu.memref_slice %arg12[%dma_start3A_405, %dma_start3A_412, %dma_start3A_413] : memref<16x8x64xf32, #tpu.memory_space<vmem>> -> memref<1x8x64xf32, #tpu.memory_space<vmem>>
      %dma_start3A_415 = tpu.memref_squeeze %dma_start3A_414 : memref<1x8x64xf32, #tpu.memory_space<vmem>> -> memref<8x64xf32, #tpu.memory_space<vmem>>
      %dma_start3A_416 = arith.constant 0 : i32
      %dma_start3A_417 = tpu.memref_slice %arg4[%multiple_of3A_400, %dma_start3A_416] : memref<1000000x64xf32, #tpu.memory_space<hbm>> -> memref<8x64xf32, #tpu.memory_space<hbm>>
      tpu.enqueue_dma source(%dma_start3A_417 : memref<8x64xf32, #tpu.memory_space<hbm>>) target(%dma_start3A_415 : memref<8x64xf32, #tpu.memory_space<vmem>>) target_semaphore(%arg18 : memref<!tpu.dma_semaphore, #tpu.memory_space<semaphore_mem>>)
      %dma_start3A_418 = arith.constant 6 : i32
      %dma_start3A_419 = arith.constant 0 : i32
      %dma_start3A_420 = arith.constant 0 : i32
      %dma_start3A_421 = tpu.memref_slice %arg13[%dma_start3A_418, %dma_start3A_419, %dma_start3A_420] : memref<16x8x64xf32, #tpu.memory_space<vmem>> -> memref<1x8x64xf32, #tpu.memory_space<vmem>>
      %dma_start3A_422 = tpu.memref_squeeze %dma_start3A_421 : memref<1x8x64xf32, #tpu.memory_space<vmem>> -> memref<8x64xf32, #tpu.memory_space<vmem>>
      %dma_start3A_423 = arith.constant 0 : i32
      %dma_start3A_424 = tpu.memref_slice %arg5[%multiple_of3A_404, %dma_start3A_423] : memref<100000x64xf32, #tpu.memory_space<hbm>> -> memref<8x64xf32, #tpu.memory_space<hbm>>
      %dma_start3A_425 = arith.constant 0 : i32
      %dma_start3A_426 = arith.constant 0 : i32
      %dma_start3A_427 = tpu.memref_slice %arg13[%dma_start3A_418, %dma_start3A_425, %dma_start3A_426] : memref<16x8x64xf32, #tpu.memory_space<vmem>> -> memref<1x8x64xf32, #tpu.memory_space<vmem>>
      %dma_start3A_428 = tpu.memref_squeeze %dma_start3A_427 : memref<1x8x64xf32, #tpu.memory_space<vmem>> -> memref<8x64xf32, #tpu.memory_space<vmem>>
      %dma_start3A_429 = arith.constant 0 : i32
      %dma_start3A_430 = tpu.memref_slice %arg5[%multiple_of3A_404, %dma_start3A_429] : memref<100000x64xf32, #tpu.memory_space<hbm>> -> memref<8x64xf32, #tpu.memory_space<hbm>>
      tpu.enqueue_dma source(%dma_start3A_430 : memref<8x64xf32, #tpu.memory_space<hbm>>) target(%dma_start3A_428 : memref<8x64xf32, #tpu.memory_space<vmem>>) target_semaphore(%arg18 : memref<!tpu.dma_semaphore, #tpu.memory_space<semaphore_mem>>)
      %eq3A_431 = arith.constant 7 : i32
      %eq3A_432 = vector.broadcast %eq3A_431 : i32 to vector<16xi32>
      %eq3A_433 = arith.cmpi eq, %iota3A, %eq3A_432 : vector<16xi32>
      %jit3A_434 = arith.constant 0 : i32
      %broadcast_in_dim3A_435 = vector.broadcast %jit3A_434 : i32 to vector<16xi32>
      %select_n3A_436 = arith.select %eq3A_433, %get3A_22, %broadcast_in_dim3A_435 : vector<16xi1>, vector<16xi32>
      %reduce_max3A_437 = arith.constant true
      %reduce_max3A_438 = vector.broadcast %reduce_max3A_437 : i1 to vector<16xi1>
      %reduce_max3A_439 = arith.constant -2147483648 : i32
      %reduce_max3A_440 = vector.broadcast %reduce_max3A_439 : i32 to vector<16xi32>
      %reduce_max3A_441 = arith.xori %select_n3A_436, %reduce_max3A_440 : vector<16xi32>
      %reduce_max3A_442 = tpu.scan <max>, %reduce_max3A_441 masked %reduce_max3A_438 : vector<16xi32>, vector<16xi1> -> vector<16xi32>
      %reduce_max3A_443 = arith.xori %reduce_max3A_442, %reduce_max3A_440 : vector<16xi32>
      %reduce_max3A_444 = vector.extract %reduce_max3A_443[15] : i32 from vector<16xi32>
      %jit3A_445 = arith.constant 0 : i32
      %broadcast_in_dim3A_446 = vector.broadcast %jit3A_445 : i32 to vector<16xi32>
      %select_n3A_447 = arith.select %eq3A_433, %get3A_24, %broadcast_in_dim3A_446 : vector<16xi1>, vector<16xi32>
      %reduce_max3A_448 = arith.constant true
      %reduce_max3A_449 = vector.broadcast %reduce_max3A_448 : i1 to vector<16xi1>
      %reduce_max3A_450 = arith.constant -2147483648 : i32
      %reduce_max3A_451 = vector.broadcast %reduce_max3A_450 : i32 to vector<16xi32>
      %reduce_max3A_452 = arith.xori %select_n3A_447, %reduce_max3A_451 : vector<16xi32>
      %reduce_max3A_453 = tpu.scan <max>, %reduce_max3A_452 masked %reduce_max3A_449 : vector<16xi32>, vector<16xi1> -> vector<16xi32>
      %reduce_max3A_454 = arith.xori %reduce_max3A_453, %reduce_max3A_451 : vector<16xi32>
      %reduce_max3A_455 = vector.extract %reduce_max3A_454[15] : i32 from vector<16xi32>
      %and3A_456 = arith.constant 7 : i32
      %and3A_457 = arith.andi %reduce_max3A_444, %and3A_456 : i32
      %sub3A_458 = arith.subi %reduce_max3A_444, %and3A_457 : i32
      %multiple_of3A_459 = tpu.assume_multiple %sub3A_458, 8 : i32
      %and3A_460 = arith.constant 7 : i32
      %and3A_461 = arith.andi %reduce_max3A_455, %and3A_460 : i32
      %sub3A_462 = arith.subi %reduce_max3A_455, %and3A_461 : i32
      %multiple_of3A_463 = tpu.assume_multiple %sub3A_462, 8 : i32
      %dma_start3A_464 = arith.constant 7 : i32
      %dma_start3A_465 = arith.constant 0 : i32
      %dma_start3A_466 = arith.constant 0 : i32
      %dma_start3A_467 = tpu.memref_slice %arg12[%dma_start3A_464, %dma_start3A_465, %dma_start3A_466] : memref<16x8x64xf32, #tpu.memory_space<vmem>> -> memref<1x8x64xf32, #tpu.memory_space<vmem>>
      %dma_start3A_468 = tpu.memref_squeeze %dma_start3A_467 : memref<1x8x64xf32, #tpu.memory_space<vmem>> -> memref<8x64xf32, #tpu.memory_space<vmem>>
      %dma_start3A_469 = arith.constant 0 : i32
      %dma_start3A_470 = tpu.memref_slice %arg4[%multiple_of3A_459, %dma_start3A_469] : memref<1000000x64xf32, #tpu.memory_space<hbm>> -> memref<8x64xf32, #tpu.memory_space<hbm>>
      %dma_start3A_471 = arith.constant 0 : i32
      %dma_start3A_472 = arith.constant 0 : i32
      %dma_start3A_473 = tpu.memref_slice %arg12[%dma_start3A_464, %dma_start3A_471, %dma_start3A_472] : memref<16x8x64xf32, #tpu.memory_space<vmem>> -> memref<1x8x64xf32, #tpu.memory_space<vmem>>
      %dma_start3A_474 = tpu.memref_squeeze %dma_start3A_473 : memref<1x8x64xf32, #tpu.memory_space<vmem>> -> memref<8x64xf32, #tpu.memory_space<vmem>>
      %dma_start3A_475 = arith.constant 0 : i32
      %dma_start3A_476 = tpu.memref_slice %arg4[%multiple_of3A_459, %dma_start3A_475] : memref<1000000x64xf32, #tpu.memory_space<hbm>> -> memref<8x64xf32, #tpu.memory_space<hbm>>
      tpu.enqueue_dma source(%dma_start3A_476 : memref<8x64xf32, #tpu.memory_space<hbm>>) target(%dma_start3A_474 : memref<8x64xf32, #tpu.memory_space<vmem>>) target_semaphore(%arg18 : memref<!tpu.dma_semaphore, #tpu.memory_space<semaphore_mem>>)
      %dma_start3A_477 = arith.constant 7 : i32
      %dma_start3A_478 = arith.constant 0 : i32
      %dma_start3A_479 = arith.constant 0 : i32
      %dma_start3A_480 = tpu.memref_slice %arg13[%dma_start3A_477, %dma_start3A_478, %dma_start3A_479] : memref<16x8x64xf32, #tpu.memory_space<vmem>> -> memref<1x8x64xf32, #tpu.memory_space<vmem>>
      %dma_start3A_481 = tpu.memref_squeeze %dma_start3A_480 : memref<1x8x64xf32, #tpu.memory_space<vmem>> -> memref<8x64xf32, #tpu.memory_space<vmem>>
      %dma_start3A_482 = arith.constant 0 : i32
      %dma_start3A_483 = tpu.memref_slice %arg5[%multiple_of3A_463, %dma_start3A_482] : memref<100000x64xf32, #tpu.memory_space<hbm>> -> memref<8x64xf32, #tpu.memory_space<hbm>>
      %dma_start3A_484 = arith.constant 0 : i32
      %dma_start3A_485 = arith.constant 0 : i32
      %dma_start3A_486 = tpu.memref_slice %arg13[%dma_start3A_477, %dma_start3A_484, %dma_start3A_485] : memref<16x8x64xf32, #tpu.memory_space<vmem>> -> memref<1x8x64xf32, #tpu.memory_space<vmem>>
      %dma_start3A_487 = tpu.memref_squeeze %dma_start3A_486 : memref<1x8x64xf32, #tpu.memory_space<vmem>> -> memref<8x64xf32, #tpu.memory_space<vmem>>
      %dma_start3A_488 = arith.constant 0 : i32
      %dma_start3A_489 = tpu.memref_slice %arg5[%multiple_of3A_463, %dma_start3A_488] : memref<100000x64xf32, #tpu.memory_space<hbm>> -> memref<8x64xf32, #tpu.memory_space<hbm>>
      tpu.enqueue_dma source(%dma_start3A_489 : memref<8x64xf32, #tpu.memory_space<hbm>>) target(%dma_start3A_487 : memref<8x64xf32, #tpu.memory_space<vmem>>) target_semaphore(%arg18 : memref<!tpu.dma_semaphore, #tpu.memory_space<semaphore_mem>>)
      %eq3A_490 = arith.constant 8 : i32
      %eq3A_491 = vector.broadcast %eq3A_490 : i32 to vector<16xi32>
      %eq3A_492 = arith.cmpi eq, %iota3A, %eq3A_491 : vector<16xi32>
      %jit3A_493 = arith.constant 0 : i32
      %broadcast_in_dim3A_494 = vector.broadcast %jit3A_493 : i32 to vector<16xi32>
      %select_n3A_495 = arith.select %eq3A_492, %get3A_22, %broadcast_in_dim3A_494 : vector<16xi1>, vector<16xi32>
      %reduce_max3A_496 = arith.constant true
      %reduce_max3A_497 = vector.broadcast %reduce_max3A_496 : i1 to vector<16xi1>
      %reduce_max3A_498 = arith.constant -2147483648 : i32
      %reduce_max3A_499 = vector.broadcast %reduce_max3A_498 : i32 to vector<16xi32>
      %reduce_max3A_500 = arith.xori %select_n3A_495, %reduce_max3A_499 : vector<16xi32>
      %reduce_max3A_501 = tpu.scan <max>, %reduce_max3A_500 masked %reduce_max3A_497 : vector<16xi32>, vector<16xi1> -> vector<16xi32>
      %reduce_max3A_502 = arith.xori %reduce_max3A_501, %reduce_max3A_499 : vector<16xi32>
      %reduce_max3A_503 = vector.extract %reduce_max3A_502[15] : i32 from vector<16xi32>
      %jit3A_504 = arith.constant 0 : i32
      %broadcast_in_dim3A_505 = vector.broadcast %jit3A_504 : i32 to vector<16xi32>
      %select_n3A_506 = arith.select %eq3A_492, %get3A_24, %broadcast_in_dim3A_505 : vector<16xi1>, vector<16xi32>
      %reduce_max3A_507 = arith.constant true
      %reduce_max3A_508 = vector.broadcast %reduce_max3A_507 : i1 to vector<16xi1>
      %reduce_max3A_509 = arith.constant -2147483648 : i32
      %reduce_max3A_510 = vector.broadcast %reduce_max3A_509 : i32 to vector<16xi32>
      %reduce_max3A_511 = arith.xori %select_n3A_506, %reduce_max3A_510 : vector<16xi32>
      %reduce_max3A_512 = tpu.scan <max>, %reduce_max3A_511 masked %reduce_max3A_508 : vector<16xi32>, vector<16xi1> -> vector<16xi32>
      %reduce_max3A_513 = arith.xori %reduce_max3A_512, %reduce_max3A_510 : vector<16xi32>
      %reduce_max3A_514 = vector.extract %reduce_max3A_513[15] : i32 from vector<16xi32>
      %and3A_515 = arith.constant 7 : i32
      %and3A_516 = arith.andi %reduce_max3A_503, %and3A_515 : i32
      %sub3A_517 = arith.subi %reduce_max3A_503, %and3A_516 : i32
      %multiple_of3A_518 = tpu.assume_multiple %sub3A_517, 8 : i32
      %and3A_519 = arith.constant 7 : i32
      %and3A_520 = arith.andi %reduce_max3A_514, %and3A_519 : i32
      %sub3A_521 = arith.subi %reduce_max3A_514, %and3A_520 : i32
      %multiple_of3A_522 = tpu.assume_multiple %sub3A_521, 8 : i32
      %dma_start3A_523 = arith.constant 8 : i32
      %dma_start3A_524 = arith.constant 0 : i32
      %dma_start3A_525 = arith.constant 0 : i32
      %dma_start3A_526 = tpu.memref_slice %arg12[%dma_start3A_523, %dma_start3A_524, %dma_start3A_525] : memref<16x8x64xf32, #tpu.memory_space<vmem>> -> memref<1x8x64xf32, #tpu.memory_space<vmem>>
      %dma_start3A_527 = tpu.memref_squeeze %dma_start3A_526 : memref<1x8x64xf32, #tpu.memory_space<vmem>> -> memref<8x64xf32, #tpu.memory_space<vmem>>
      %dma_start3A_528 = arith.constant 0 : i32
      %dma_start3A_529 = tpu.memref_slice %arg4[%multiple_of3A_518, %dma_start3A_528] : memref<1000000x64xf32, #tpu.memory_space<hbm>> -> memref<8x64xf32, #tpu.memory_space<hbm>>
      %dma_start3A_530 = arith.constant 0 : i32
      %dma_start3A_531 = arith.constant 0 : i32
      %dma_start3A_532 = tpu.memref_slice %arg12[%dma_start3A_523, %dma_start3A_530, %dma_start3A_531] : memref<16x8x64xf32, #tpu.memory_space<vmem>> -> memref<1x8x64xf32, #tpu.memory_space<vmem>>
      %dma_start3A_533 = tpu.memref_squeeze %dma_start3A_532 : memref<1x8x64xf32, #tpu.memory_space<vmem>> -> memref<8x64xf32, #tpu.memory_space<vmem>>
      %dma_start3A_534 = arith.constant 0 : i32
      %dma_start3A_535 = tpu.memref_slice %arg4[%multiple_of3A_518, %dma_start3A_534] : memref<1000000x64xf32, #tpu.memory_space<hbm>> -> memref<8x64xf32, #tpu.memory_space<hbm>>
      tpu.enqueue_dma source(%dma_start3A_535 : memref<8x64xf32, #tpu.memory_space<hbm>>) target(%dma_start3A_533 : memref<8x64xf32, #tpu.memory_space<vmem>>) target_semaphore(%arg18 : memref<!tpu.dma_semaphore, #tpu.memory_space<semaphore_mem>>)
      %dma_start3A_536 = arith.constant 8 : i32
      %dma_start3A_537 = arith.constant 0 : i32
      %dma_start3A_538 = arith.constant 0 : i32
      %dma_start3A_539 = tpu.memref_slice %arg13[%dma_start3A_536, %dma_start3A_537, %dma_start3A_538] : memref<16x8x64xf32, #tpu.memory_space<vmem>> -> memref<1x8x64xf32, #tpu.memory_space<vmem>>
      %dma_start3A_540 = tpu.memref_squeeze %dma_start3A_539 : memref<1x8x64xf32, #tpu.memory_space<vmem>> -> memref<8x64xf32, #tpu.memory_space<vmem>>
      %dma_start3A_541 = arith.constant 0 : i32
      %dma_start3A_542 = tpu.memref_slice %arg5[%multiple_of3A_522, %dma_start3A_541] : memref<100000x64xf32, #tpu.memory_space<hbm>> -> memref<8x64xf32, #tpu.memory_space<hbm>>
      %dma_start3A_543 = arith.constant 0 : i32
      %dma_start3A_544 = arith.constant 0 : i32
      %dma_start3A_545 = tpu.memref_slice %arg13[%dma_start3A_536, %dma_start3A_543, %dma_start3A_544] : memref<16x8x64xf32, #tpu.memory_space<vmem>> -> memref<1x8x64xf32, #tpu.memory_space<vmem>>
      %dma_start3A_546 = tpu.memref_squeeze %dma_start3A_545 : memref<1x8x64xf32, #tpu.memory_space<vmem>> -> memref<8x64xf32, #tpu.memory_space<vmem>>
      %dma_start3A_547 = arith.constant 0 : i32
      %dma_start3A_548 = tpu.memref_slice %arg5[%multiple_of3A_522, %dma_start3A_547] : memref<100000x64xf32, #tpu.memory_space<hbm>> -> memref<8x64xf32, #tpu.memory_space<hbm>>
      tpu.enqueue_dma source(%dma_start3A_548 : memref<8x64xf32, #tpu.memory_space<hbm>>) target(%dma_start3A_546 : memref<8x64xf32, #tpu.memory_space<vmem>>) target_semaphore(%arg18 : memref<!tpu.dma_semaphore, #tpu.memory_space<semaphore_mem>>)
      %eq3A_549 = arith.constant 9 : i32
      %eq3A_550 = vector.broadcast %eq3A_549 : i32 to vector<16xi32>
      %eq3A_551 = arith.cmpi eq, %iota3A, %eq3A_550 : vector<16xi32>
      %jit3A_552 = arith.constant 0 : i32
      %broadcast_in_dim3A_553 = vector.broadcast %jit3A_552 : i32 to vector<16xi32>
      %select_n3A_554 = arith.select %eq3A_551, %get3A_22, %broadcast_in_dim3A_553 : vector<16xi1>, vector<16xi32>
      %reduce_max3A_555 = arith.constant true
      %reduce_max3A_556 = vector.broadcast %reduce_max3A_555 : i1 to vector<16xi1>
      %reduce_max3A_557 = arith.constant -2147483648 : i32
      %reduce_max3A_558 = vector.broadcast %reduce_max3A_557 : i32 to vector<16xi32>
      %reduce_max3A_559 = arith.xori %select_n3A_554, %reduce_max3A_558 : vector<16xi32>
      %reduce_max3A_560 = tpu.scan <max>, %reduce_max3A_559 masked %reduce_max3A_556 : vector<16xi32>, vector<16xi1> -> vector<16xi32>
      %reduce_max3A_561 = arith.xori %reduce_max3A_560, %reduce_max3A_558 : vector<16xi32>
      %reduce_max3A_562 = vector.extract %reduce_max3A_561[15] : i32 from vector<16xi32>
      %jit3A_563 = arith.constant 0 : i32
      %broadcast_in_dim3A_564 = vector.broadcast %jit3A_563 : i32 to vector<16xi32>
      %select_n3A_565 = arith.select %eq3A_551, %get3A_24, %broadcast_in_dim3A_564 : vector<16xi1>, vector<16xi32>
      %reduce_max3A_566 = arith.constant true
      %reduce_max3A_567 = vector.broadcast %reduce_max3A_566 : i1 to vector<16xi1>
      %reduce_max3A_568 = arith.constant -2147483648 : i32
      %reduce_max3A_569 = vector.broadcast %reduce_max3A_568 : i32 to vector<16xi32>
      %reduce_max3A_570 = arith.xori %select_n3A_565, %reduce_max3A_569 : vector<16xi32>
      %reduce_max3A_571 = tpu.scan <max>, %reduce_max3A_570 masked %reduce_max3A_567 : vector<16xi32>, vector<16xi1> -> vector<16xi32>
      %reduce_max3A_572 = arith.xori %reduce_max3A_571, %reduce_max3A_569 : vector<16xi32>
      %reduce_max3A_573 = vector.extract %reduce_max3A_572[15] : i32 from vector<16xi32>
      %and3A_574 = arith.constant 7 : i32
      %and3A_575 = arith.andi %reduce_max3A_562, %and3A_574 : i32
      %sub3A_576 = arith.subi %reduce_max3A_562, %and3A_575 : i32
      %multiple_of3A_577 = tpu.assume_multiple %sub3A_576, 8 : i32
      %and3A_578 = arith.constant 7 : i32
      %and3A_579 = arith.andi %reduce_max3A_573, %and3A_578 : i32
      %sub3A_580 = arith.subi %reduce_max3A_573, %and3A_579 : i32
      %multiple_of3A_581 = tpu.assume_multiple %sub3A_580, 8 : i32
      %dma_start3A_582 = arith.constant 9 : i32
      %dma_start3A_583 = arith.constant 0 : i32
      %dma_start3A_584 = arith.constant 0 : i32
      %dma_start3A_585 = tpu.memref_slice %arg12[%dma_start3A_582, %dma_start3A_583, %dma_start3A_584] : memref<16x8x64xf32, #tpu.memory_space<vmem>> -> memref<1x8x64xf32, #tpu.memory_space<vmem>>
      %dma_start3A_586 = tpu.memref_squeeze %dma_start3A_585 : memref<1x8x64xf32, #tpu.memory_space<vmem>> -> memref<8x64xf32, #tpu.memory_space<vmem>>
      %dma_start3A_587 = arith.constant 0 : i32
      %dma_start3A_588 = tpu.memref_slice %arg4[%multiple_of3A_577, %dma_start3A_587] : memref<1000000x64xf32, #tpu.memory_space<hbm>> -> memref<8x64xf32, #tpu.memory_space<hbm>>
      %dma_start3A_589 = arith.constant 0 : i32
      %dma_start3A_590 = arith.constant 0 : i32
      %dma_start3A_591 = tpu.memref_slice %arg12[%dma_start3A_582, %dma_start3A_589, %dma_start3A_590] : memref<16x8x64xf32, #tpu.memory_space<vmem>> -> memref<1x8x64xf32, #tpu.memory_space<vmem>>
      %dma_start3A_592 = tpu.memref_squeeze %dma_start3A_591 : memref<1x8x64xf32, #tpu.memory_space<vmem>> -> memref<8x64xf32, #tpu.memory_space<vmem>>
      %dma_start3A_593 = arith.constant 0 : i32
      %dma_start3A_594 = tpu.memref_slice %arg4[%multiple_of3A_577, %dma_start3A_593] : memref<1000000x64xf32, #tpu.memory_space<hbm>> -> memref<8x64xf32, #tpu.memory_space<hbm>>
      tpu.enqueue_dma source(%dma_start3A_594 : memref<8x64xf32, #tpu.memory_space<hbm>>) target(%dma_start3A_592 : memref<8x64xf32, #tpu.memory_space<vmem>>) target_semaphore(%arg18 : memref<!tpu.dma_semaphore, #tpu.memory_space<semaphore_mem>>)
      %dma_start3A_595 = arith.constant 9 : i32
      %dma_start3A_596 = arith.constant 0 : i32
      %dma_start3A_597 = arith.constant 0 : i32
      %dma_start3A_598 = tpu.memref_slice %arg13[%dma_start3A_595, %dma_start3A_596, %dma_start3A_597] : memref<16x8x64xf32, #tpu.memory_space<vmem>> -> memref<1x8x64xf32, #tpu.memory_space<vmem>>
      %dma_start3A_599 = tpu.memref_squeeze %dma_start3A_598 : memref<1x8x64xf32, #tpu.memory_space<vmem>> -> memref<8x64xf32, #tpu.memory_space<vmem>>
      %dma_start3A_600 = arith.constant 0 : i32
      %dma_start3A_601 = tpu.memref_slice %arg5[%multiple_of3A_581, %dma_start3A_600] : memref<100000x64xf32, #tpu.memory_space<hbm>> -> memref<8x64xf32, #tpu.memory_space<hbm>>
      %dma_start3A_602 = arith.constant 0 : i32
      %dma_start3A_603 = arith.constant 0 : i32
      %dma_start3A_604 = tpu.memref_slice %arg13[%dma_start3A_595, %dma_start3A_602, %dma_start3A_603] : memref<16x8x64xf32, #tpu.memory_space<vmem>> -> memref<1x8x64xf32, #tpu.memory_space<vmem>>
      %dma_start3A_605 = tpu.memref_squeeze %dma_start3A_604 : memref<1x8x64xf32, #tpu.memory_space<vmem>> -> memref<8x64xf32, #tpu.memory_space<vmem>>
      %dma_start3A_606 = arith.constant 0 : i32
      %dma_start3A_607 = tpu.memref_slice %arg5[%multiple_of3A_581, %dma_start3A_606] : memref<100000x64xf32, #tpu.memory_space<hbm>> -> memref<8x64xf32, #tpu.memory_space<hbm>>
      tpu.enqueue_dma source(%dma_start3A_607 : memref<8x64xf32, #tpu.memory_space<hbm>>) target(%dma_start3A_605 : memref<8x64xf32, #tpu.memory_space<vmem>>) target_semaphore(%arg18 : memref<!tpu.dma_semaphore, #tpu.memory_space<semaphore_mem>>)
      %eq3A_608 = arith.constant 10 : i32
      %eq3A_609 = vector.broadcast %eq3A_608 : i32 to vector<16xi32>
      %eq3A_610 = arith.cmpi eq, %iota3A, %eq3A_609 : vector<16xi32>
      %jit3A_611 = arith.constant 0 : i32
      %broadcast_in_dim3A_612 = vector.broadcast %jit3A_611 : i32 to vector<16xi32>
      %select_n3A_613 = arith.select %eq3A_610, %get3A_22, %broadcast_in_dim3A_612 : vector<16xi1>, vector<16xi32>
      %reduce_max3A_614 = arith.constant true
      %reduce_max3A_615 = vector.broadcast %reduce_max3A_614 : i1 to vector<16xi1>
      %reduce_max3A_616 = arith.constant -2147483648 : i32
      %reduce_max3A_617 = vector.broadcast %reduce_max3A_616 : i32 to vector<16xi32>
      %reduce_max3A_618 = arith.xori %select_n3A_613, %reduce_max3A_617 : vector<16xi32>
      %reduce_max3A_619 = tpu.scan <max>, %reduce_max3A_618 masked %reduce_max3A_615 : vector<16xi32>, vector<16xi1> -> vector<16xi32>
      %reduce_max3A_620 = arith.xori %reduce_max3A_619, %reduce_max3A_617 : vector<16xi32>
      %reduce_max3A_621 = vector.extract %reduce_max3A_620[15] : i32 from vector<16xi32>
      %jit3A_622 = arith.constant 0 : i32
      %broadcast_in_dim3A_623 = vector.broadcast %jit3A_622 : i32 to vector<16xi32>
      %select_n3A_624 = arith.select %eq3A_610, %get3A_24, %broadcast_in_dim3A_623 : vector<16xi1>, vector<16xi32>
      %reduce_max3A_625 = arith.constant true
      %reduce_max3A_626 = vector.broadcast %reduce_max3A_625 : i1 to vector<16xi1>
      %reduce_max3A_627 = arith.constant -2147483648 : i32
      %reduce_max3A_628 = vector.broadcast %reduce_max3A_627 : i32 to vector<16xi32>
      %reduce_max3A_629 = arith.xori %select_n3A_624, %reduce_max3A_628 : vector<16xi32>
      %reduce_max3A_630 = tpu.scan <max>, %reduce_max3A_629 masked %reduce_max3A_626 : vector<16xi32>, vector<16xi1> -> vector<16xi32>
      %reduce_max3A_631 = arith.xori %reduce_max3A_630, %reduce_max3A_628 : vector<16xi32>
      %reduce_max3A_632 = vector.extract %reduce_max3A_631[15] : i32 from vector<16xi32>
      %and3A_633 = arith.constant 7 : i32
      %and3A_634 = arith.andi %reduce_max3A_621, %and3A_633 : i32
      %sub3A_635 = arith.subi %reduce_max3A_621, %and3A_634 : i32
      %multiple_of3A_636 = tpu.assume_multiple %sub3A_635, 8 : i32
      %and3A_637 = arith.constant 7 : i32
      %and3A_638 = arith.andi %reduce_max3A_632, %and3A_637 : i32
      %sub3A_639 = arith.subi %reduce_max3A_632, %and3A_638 : i32
      %multiple_of3A_640 = tpu.assume_multiple %sub3A_639, 8 : i32
      %dma_start3A_641 = arith.constant 10 : i32
      %dma_start3A_642 = arith.constant 0 : i32
      %dma_start3A_643 = arith.constant 0 : i32
      %dma_start3A_644 = tpu.memref_slice %arg12[%dma_start3A_641, %dma_start3A_642, %dma_start3A_643] : memref<16x8x64xf32, #tpu.memory_space<vmem>> -> memref<1x8x64xf32, #tpu.memory_space<vmem>>
      %dma_start3A_645 = tpu.memref_squeeze %dma_start3A_644 : memref<1x8x64xf32, #tpu.memory_space<vmem>> -> memref<8x64xf32, #tpu.memory_space<vmem>>
      %dma_start3A_646 = arith.constant 0 : i32
      %dma_start3A_647 = tpu.memref_slice %arg4[%multiple_of3A_636, %dma_start3A_646] : memref<1000000x64xf32, #tpu.memory_space<hbm>> -> memref<8x64xf32, #tpu.memory_space<hbm>>
      %dma_start3A_648 = arith.constant 0 : i32
      %dma_start3A_649 = arith.constant 0 : i32
      %dma_start3A_650 = tpu.memref_slice %arg12[%dma_start3A_641, %dma_start3A_648, %dma_start3A_649] : memref<16x8x64xf32, #tpu.memory_space<vmem>> -> memref<1x8x64xf32, #tpu.memory_space<vmem>>
      %dma_start3A_651 = tpu.memref_squeeze %dma_start3A_650 : memref<1x8x64xf32, #tpu.memory_space<vmem>> -> memref<8x64xf32, #tpu.memory_space<vmem>>
      %dma_start3A_652 = arith.constant 0 : i32
      %dma_start3A_653 = tpu.memref_slice %arg4[%multiple_of3A_636, %dma_start3A_652] : memref<1000000x64xf32, #tpu.memory_space<hbm>> -> memref<8x64xf32, #tpu.memory_space<hbm>>
      tpu.enqueue_dma source(%dma_start3A_653 : memref<8x64xf32, #tpu.memory_space<hbm>>) target(%dma_start3A_651 : memref<8x64xf32, #tpu.memory_space<vmem>>) target_semaphore(%arg18 : memref<!tpu.dma_semaphore, #tpu.memory_space<semaphore_mem>>)
      %dma_start3A_654 = arith.constant 10 : i32
      %dma_start3A_655 = arith.constant 0 : i32
      %dma_start3A_656 = arith.constant 0 : i32
      %dma_start3A_657 = tpu.memref_slice %arg13[%dma_start3A_654, %dma_start3A_655, %dma_start3A_656] : memref<16x8x64xf32, #tpu.memory_space<vmem>> -> memref<1x8x64xf32, #tpu.memory_space<vmem>>
      %dma_start3A_658 = tpu.memref_squeeze %dma_start3A_657 : memref<1x8x64xf32, #tpu.memory_space<vmem>> -> memref<8x64xf32, #tpu.memory_space<vmem>>
      %dma_start3A_659 = arith.constant 0 : i32
      %dma_start3A_660 = tpu.memref_slice %arg5[%multiple_of3A_640, %dma_start3A_659] : memref<100000x64xf32, #tpu.memory_space<hbm>> -> memref<8x64xf32, #tpu.memory_space<hbm>>
      %dma_start3A_661 = arith.constant 0 : i32
      %dma_start3A_662 = arith.constant 0 : i32
      %dma_start3A_663 = tpu.memref_slice %arg13[%dma_start3A_654, %dma_start3A_661, %dma_start3A_662] : memref<16x8x64xf32, #tpu.memory_space<vmem>> -> memref<1x8x64xf32, #tpu.memory_space<vmem>>
      %dma_start3A_664 = tpu.memref_squeeze %dma_start3A_663 : memref<1x8x64xf32, #tpu.memory_space<vmem>> -> memref<8x64xf32, #tpu.memory_space<vmem>>
      %dma_start3A_665 = arith.constant 0 : i32
      %dma_start3A_666 = tpu.memref_slice %arg5[%multiple_of3A_640, %dma_start3A_665] : memref<100000x64xf32, #tpu.memory_space<hbm>> -> memref<8x64xf32, #tpu.memory_space<hbm>>
      tpu.enqueue_dma source(%dma_start3A_666 : memref<8x64xf32, #tpu.memory_space<hbm>>) target(%dma_start3A_664 : memref<8x64xf32, #tpu.memory_space<vmem>>) target_semaphore(%arg18 : memref<!tpu.dma_semaphore, #tpu.memory_space<semaphore_mem>>)
      %eq3A_667 = arith.constant 11 : i32
      %eq3A_668 = vector.broadcast %eq3A_667 : i32 to vector<16xi32>
      %eq3A_669 = arith.cmpi eq, %iota3A, %eq3A_668 : vector<16xi32>
      %jit3A_670 = arith.constant 0 : i32
      %broadcast_in_dim3A_671 = vector.broadcast %jit3A_670 : i32 to vector<16xi32>
      %select_n3A_672 = arith.select %eq3A_669, %get3A_22, %broadcast_in_dim3A_671 : vector<16xi1>, vector<16xi32>
      %reduce_max3A_673 = arith.constant true
      %reduce_max3A_674 = vector.broadcast %reduce_max3A_673 : i1 to vector<16xi1>
      %reduce_max3A_675 = arith.constant -2147483648 : i32
      %reduce_max3A_676 = vector.broadcast %reduce_max3A_675 : i32 to vector<16xi32>
      %reduce_max3A_677 = arith.xori %select_n3A_672, %reduce_max3A_676 : vector<16xi32>
      %reduce_max3A_678 = tpu.scan <max>, %reduce_max3A_677 masked %reduce_max3A_674 : vector<16xi32>, vector<16xi1> -> vector<16xi32>
      %reduce_max3A_679 = arith.xori %reduce_max3A_678, %reduce_max3A_676 : vector<16xi32>
      %reduce_max3A_680 = vector.extract %reduce_max3A_679[15] : i32 from vector<16xi32>
      %jit3A_681 = arith.constant 0 : i32
      %broadcast_in_dim3A_682 = vector.broadcast %jit3A_681 : i32 to vector<16xi32>
      %select_n3A_683 = arith.select %eq3A_669, %get3A_24, %broadcast_in_dim3A_682 : vector<16xi1>, vector<16xi32>
      %reduce_max3A_684 = arith.constant true
      %reduce_max3A_685 = vector.broadcast %reduce_max3A_684 : i1 to vector<16xi1>
      %reduce_max3A_686 = arith.constant -2147483648 : i32
      %reduce_max3A_687 = vector.broadcast %reduce_max3A_686 : i32 to vector<16xi32>
      %reduce_max3A_688 = arith.xori %select_n3A_683, %reduce_max3A_687 : vector<16xi32>
      %reduce_max3A_689 = tpu.scan <max>, %reduce_max3A_688 masked %reduce_max3A_685 : vector<16xi32>, vector<16xi1> -> vector<16xi32>
      %reduce_max3A_690 = arith.xori %reduce_max3A_689, %reduce_max3A_687 : vector<16xi32>
      %reduce_max3A_691 = vector.extract %reduce_max3A_690[15] : i32 from vector<16xi32>
      %and3A_692 = arith.constant 7 : i32
      %and3A_693 = arith.andi %reduce_max3A_680, %and3A_692 : i32
      %sub3A_694 = arith.subi %reduce_max3A_680, %and3A_693 : i32
      %multiple_of3A_695 = tpu.assume_multiple %sub3A_694, 8 : i32
      %and3A_696 = arith.constant 7 : i32
      %and3A_697 = arith.andi %reduce_max3A_691, %and3A_696 : i32
      %sub3A_698 = arith.subi %reduce_max3A_691, %and3A_697 : i32
      %multiple_of3A_699 = tpu.assume_multiple %sub3A_698, 8 : i32
      %dma_start3A_700 = arith.constant 11 : i32
      %dma_start3A_701 = arith.constant 0 : i32
      %dma_start3A_702 = arith.constant 0 : i32
      %dma_start3A_703 = tpu.memref_slice %arg12[%dma_start3A_700, %dma_start3A_701, %dma_start3A_702] : memref<16x8x64xf32, #tpu.memory_space<vmem>> -> memref<1x8x64xf32, #tpu.memory_space<vmem>>
      %dma_start3A_704 = tpu.memref_squeeze %dma_start3A_703 : memref<1x8x64xf32, #tpu.memory_space<vmem>> -> memref<8x64xf32, #tpu.memory_space<vmem>>
      %dma_start3A_705 = arith.constant 0 : i32
      %dma_start3A_706 = tpu.memref_slice %arg4[%multiple_of3A_695, %dma_start3A_705] : memref<1000000x64xf32, #tpu.memory_space<hbm>> -> memref<8x64xf32, #tpu.memory_space<hbm>>
      %dma_start3A_707 = arith.constant 0 : i32
      %dma_start3A_708 = arith.constant 0 : i32
      %dma_start3A_709 = tpu.memref_slice %arg12[%dma_start3A_700, %dma_start3A_707, %dma_start3A_708] : memref<16x8x64xf32, #tpu.memory_space<vmem>> -> memref<1x8x64xf32, #tpu.memory_space<vmem>>
      %dma_start3A_710 = tpu.memref_squeeze %dma_start3A_709 : memref<1x8x64xf32, #tpu.memory_space<vmem>> -> memref<8x64xf32, #tpu.memory_space<vmem>>
      %dma_start3A_711 = arith.constant 0 : i32
      %dma_start3A_712 = tpu.memref_slice %arg4[%multiple_of3A_695, %dma_start3A_711] : memref<1000000x64xf32, #tpu.memory_space<hbm>> -> memref<8x64xf32, #tpu.memory_space<hbm>>
      tpu.enqueue_dma source(%dma_start3A_712 : memref<8x64xf32, #tpu.memory_space<hbm>>) target(%dma_start3A_710 : memref<8x64xf32, #tpu.memory_space<vmem>>) target_semaphore(%arg18 : memref<!tpu.dma_semaphore, #tpu.memory_space<semaphore_mem>>)
      %dma_start3A_713 = arith.constant 11 : i32
      %dma_start3A_714 = arith.constant 0 : i32
      %dma_start3A_715 = arith.constant 0 : i32
      %dma_start3A_716 = tpu.memref_slice %arg13[%dma_start3A_713, %dma_start3A_714, %dma_start3A_715] : memref<16x8x64xf32, #tpu.memory_space<vmem>> -> memref<1x8x64xf32, #tpu.memory_space<vmem>>
      %dma_start3A_717 = tpu.memref_squeeze %dma_start3A_716 : memref<1x8x64xf32, #tpu.memory_space<vmem>> -> memref<8x64xf32, #tpu.memory_space<vmem>>
      %dma_start3A_718 = arith.constant 0 : i32
      %dma_start3A_719 = tpu.memref_slice %arg5[%multiple_of3A_699, %dma_start3A_718] : memref<100000x64xf32, #tpu.memory_space<hbm>> -> memref<8x64xf32, #tpu.memory_space<hbm>>
      %dma_start3A_720 = arith.constant 0 : i32
      %dma_start3A_721 = arith.constant 0 : i32
      %dma_start3A_722 = tpu.memref_slice %arg13[%dma_start3A_713, %dma_start3A_720, %dma_start3A_721] : memref<16x8x64xf32, #tpu.memory_space<vmem>> -> memref<1x8x64xf32, #tpu.memory_space<vmem>>
      %dma_start3A_723 = tpu.memref_squeeze %dma_start3A_722 : memref<1x8x64xf32, #tpu.memory_space<vmem>> -> memref<8x64xf32, #tpu.memory_space<vmem>>
      %dma_start3A_724 = arith.constant 0 : i32
      %dma_start3A_725 = tpu.memref_slice %arg5[%multiple_of3A_699, %dma_start3A_724] : memref<100000x64xf32, #tpu.memory_space<hbm>> -> memref<8x64xf32, #tpu.memory_space<hbm>>
      tpu.enqueue_dma source(%dma_start3A_725 : memref<8x64xf32, #tpu.memory_space<hbm>>) target(%dma_start3A_723 : memref<8x64xf32, #tpu.memory_space<vmem>>) target_semaphore(%arg18 : memref<!tpu.dma_semaphore, #tpu.memory_space<semaphore_mem>>)
      %eq3A_726 = arith.constant 12 : i32
      %eq3A_727 = vector.broadcast %eq3A_726 : i32 to vector<16xi32>
      %eq3A_728 = arith.cmpi eq, %iota3A, %eq3A_727 : vector<16xi32>
      %jit3A_729 = arith.constant 0 : i32
      %broadcast_in_dim3A_730 = vector.broadcast %jit3A_729 : i32 to vector<16xi32>
      %select_n3A_731 = arith.select %eq3A_728, %get3A_22, %broadcast_in_dim3A_730 : vector<16xi1>, vector<16xi32>
      %reduce_max3A_732 = arith.constant true
      %reduce_max3A_733 = vector.broadcast %reduce_max3A_732 : i1 to vector<16xi1>
      %reduce_max3A_734 = arith.constant -2147483648 : i32
      %reduce_max3A_735 = vector.broadcast %reduce_max3A_734 : i32 to vector<16xi32>
      %reduce_max3A_736 = arith.xori %select_n3A_731, %reduce_max3A_735 : vector<16xi32>
      %reduce_max3A_737 = tpu.scan <max>, %reduce_max3A_736 masked %reduce_max3A_733 : vector<16xi32>, vector<16xi1> -> vector<16xi32>
      %reduce_max3A_738 = arith.xori %reduce_max3A_737, %reduce_max3A_735 : vector<16xi32>
      %reduce_max3A_739 = vector.extract %reduce_max3A_738[15] : i32 from vector<16xi32>
      %jit3A_740 = arith.constant 0 : i32
      %broadcast_in_dim3A_741 = vector.broadcast %jit3A_740 : i32 to vector<16xi32>
      %select_n3A_742 = arith.select %eq3A_728, %get3A_24, %broadcast_in_dim3A_741 : vector<16xi1>, vector<16xi32>
      %reduce_max3A_743 = arith.constant true
      %reduce_max3A_744 = vector.broadcast %reduce_max3A_743 : i1 to vector<16xi1>
      %reduce_max3A_745 = arith.constant -2147483648 : i32
      %reduce_max3A_746 = vector.broadcast %reduce_max3A_745 : i32 to vector<16xi32>
      %reduce_max3A_747 = arith.xori %select_n3A_742, %reduce_max3A_746 : vector<16xi32>
      %reduce_max3A_748 = tpu.scan <max>, %reduce_max3A_747 masked %reduce_max3A_744 : vector<16xi32>, vector<16xi1> -> vector<16xi32>
      %reduce_max3A_749 = arith.xori %reduce_max3A_748, %reduce_max3A_746 : vector<16xi32>
      %reduce_max3A_750 = vector.extract %reduce_max3A_749[15] : i32 from vector<16xi32>
      %and3A_751 = arith.constant 7 : i32
      %and3A_752 = arith.andi %reduce_max3A_739, %and3A_751 : i32
      %sub3A_753 = arith.subi %reduce_max3A_739, %and3A_752 : i32
      %multiple_of3A_754 = tpu.assume_multiple %sub3A_753, 8 : i32
      %and3A_755 = arith.constant 7 : i32
      %and3A_756 = arith.andi %reduce_max3A_750, %and3A_755 : i32
      %sub3A_757 = arith.subi %reduce_max3A_750, %and3A_756 : i32
      %multiple_of3A_758 = tpu.assume_multiple %sub3A_757, 8 : i32
      %dma_start3A_759 = arith.constant 12 : i32
      %dma_start3A_760 = arith.constant 0 : i32
      %dma_start3A_761 = arith.constant 0 : i32
      %dma_start3A_762 = tpu.memref_slice %arg12[%dma_start3A_759, %dma_start3A_760, %dma_start3A_761] : memref<16x8x64xf32, #tpu.memory_space<vmem>> -> memref<1x8x64xf32, #tpu.memory_space<vmem>>
      %dma_start3A_763 = tpu.memref_squeeze %dma_start3A_762 : memref<1x8x64xf32, #tpu.memory_space<vmem>> -> memref<8x64xf32, #tpu.memory_space<vmem>>
      %dma_start3A_764 = arith.constant 0 : i32
      %dma_start3A_765 = tpu.memref_slice %arg4[%multiple_of3A_754, %dma_start3A_764] : memref<1000000x64xf32, #tpu.memory_space<hbm>> -> memref<8x64xf32, #tpu.memory_space<hbm>>
      %dma_start3A_766 = arith.constant 0 : i32
      %dma_start3A_767 = arith.constant 0 : i32
      %dma_start3A_768 = tpu.memref_slice %arg12[%dma_start3A_759, %dma_start3A_766, %dma_start3A_767] : memref<16x8x64xf32, #tpu.memory_space<vmem>> -> memref<1x8x64xf32, #tpu.memory_space<vmem>>
      %dma_start3A_769 = tpu.memref_squeeze %dma_start3A_768 : memref<1x8x64xf32, #tpu.memory_space<vmem>> -> memref<8x64xf32, #tpu.memory_space<vmem>>
      %dma_start3A_770 = arith.constant 0 : i32
      %dma_start3A_771 = tpu.memref_slice %arg4[%multiple_of3A_754, %dma_start3A_770] : memref<1000000x64xf32, #tpu.memory_space<hbm>> -> memref<8x64xf32, #tpu.memory_space<hbm>>
      tpu.enqueue_dma source(%dma_start3A_771 : memref<8x64xf32, #tpu.memory_space<hbm>>) target(%dma_start3A_769 : memref<8x64xf32, #tpu.memory_space<vmem>>) target_semaphore(%arg18 : memref<!tpu.dma_semaphore, #tpu.memory_space<semaphore_mem>>)
      %dma_start3A_772 = arith.constant 12 : i32
      %dma_start3A_773 = arith.constant 0 : i32
      %dma_start3A_774 = arith.constant 0 : i32
      %dma_start3A_775 = tpu.memref_slice %arg13[%dma_start3A_772, %dma_start3A_773, %dma_start3A_774] : memref<16x8x64xf32, #tpu.memory_space<vmem>> -> memref<1x8x64xf32, #tpu.memory_space<vmem>>
      %dma_start3A_776 = tpu.memref_squeeze %dma_start3A_775 : memref<1x8x64xf32, #tpu.memory_space<vmem>> -> memref<8x64xf32, #tpu.memory_space<vmem>>
      %dma_start3A_777 = arith.constant 0 : i32
      %dma_start3A_778 = tpu.memref_slice %arg5[%multiple_of3A_758, %dma_start3A_777] : memref<100000x64xf32, #tpu.memory_space<hbm>> -> memref<8x64xf32, #tpu.memory_space<hbm>>
      %dma_start3A_779 = arith.constant 0 : i32
      %dma_start3A_780 = arith.constant 0 : i32
      %dma_start3A_781 = tpu.memref_slice %arg13[%dma_start3A_772, %dma_start3A_779, %dma_start3A_780] : memref<16x8x64xf32, #tpu.memory_space<vmem>> -> memref<1x8x64xf32, #tpu.memory_space<vmem>>
      %dma_start3A_782 = tpu.memref_squeeze %dma_start3A_781 : memref<1x8x64xf32, #tpu.memory_space<vmem>> -> memref<8x64xf32, #tpu.memory_space<vmem>>
      %dma_start3A_783 = arith.constant 0 : i32
      %dma_start3A_784 = tpu.memref_slice %arg5[%multiple_of3A_758, %dma_start3A_783] : memref<100000x64xf32, #tpu.memory_space<hbm>> -> memref<8x64xf32, #tpu.memory_space<hbm>>
      tpu.enqueue_dma source(%dma_start3A_784 : memref<8x64xf32, #tpu.memory_space<hbm>>) target(%dma_start3A_782 : memref<8x64xf32, #tpu.memory_space<vmem>>) target_semaphore(%arg18 : memref<!tpu.dma_semaphore, #tpu.memory_space<semaphore_mem>>)
      %eq3A_785 = arith.constant 13 : i32
      %eq3A_786 = vector.broadcast %eq3A_785 : i32 to vector<16xi32>
      %eq3A_787 = arith.cmpi eq, %iota3A, %eq3A_786 : vector<16xi32>
      %jit3A_788 = arith.constant 0 : i32
      %broadcast_in_dim3A_789 = vector.broadcast %jit3A_788 : i32 to vector<16xi32>
      %select_n3A_790 = arith.select %eq3A_787, %get3A_22, %broadcast_in_dim3A_789 : vector<16xi1>, vector<16xi32>
      %reduce_max3A_791 = arith.constant true
      %reduce_max3A_792 = vector.broadcast %reduce_max3A_791 : i1 to vector<16xi1>
      %reduce_max3A_793 = arith.constant -2147483648 : i32
      %reduce_max3A_794 = vector.broadcast %reduce_max3A_793 : i32 to vector<16xi32>
      %reduce_max3A_795 = arith.xori %select_n3A_790, %reduce_max3A_794 : vector<16xi32>
      %reduce_max3A_796 = tpu.scan <max>, %reduce_max3A_795 masked %reduce_max3A_792 : vector<16xi32>, vector<16xi1> -> vector<16xi32>
      %reduce_max3A_797 = arith.xori %reduce_max3A_796, %reduce_max3A_794 : vector<16xi32>
      %reduce_max3A_798 = vector.extract %reduce_max3A_797[15] : i32 from vector<16xi32>
      %jit3A_799 = arith.constant 0 : i32
      %broadcast_in_dim3A_800 = vector.broadcast %jit3A_799 : i32 to vector<16xi32>
      %select_n3A_801 = arith.select %eq3A_787, %get3A_24, %broadcast_in_dim3A_800 : vector<16xi1>, vector<16xi32>
      %reduce_max3A_802 = arith.constant true
      %reduce_max3A_803 = vector.broadcast %reduce_max3A_802 : i1 to vector<16xi1>
      %reduce_max3A_804 = arith.constant -2147483648 : i32
      %reduce_max3A_805 = vector.broadcast %reduce_max3A_804 : i32 to vector<16xi32>
      %reduce_max3A_806 = arith.xori %select_n3A_801, %reduce_max3A_805 : vector<16xi32>
      %reduce_max3A_807 = tpu.scan <max>, %reduce_max3A_806 masked %reduce_max3A_803 : vector<16xi32>, vector<16xi1> -> vector<16xi32>
      %reduce_max3A_808 = arith.xori %reduce_max3A_807, %reduce_max3A_805 : vector<16xi32>
      %reduce_max3A_809 = vector.extract %reduce_max3A_808[15] : i32 from vector<16xi32>
      %and3A_810 = arith.constant 7 : i32
      %and3A_811 = arith.andi %reduce_max3A_798, %and3A_810 : i32
      %sub3A_812 = arith.subi %reduce_max3A_798, %and3A_811 : i32
      %multiple_of3A_813 = tpu.assume_multiple %sub3A_812, 8 : i32
      %and3A_814 = arith.constant 7 : i32
      %and3A_815 = arith.andi %reduce_max3A_809, %and3A_814 : i32
      %sub3A_816 = arith.subi %reduce_max3A_809, %and3A_815 : i32
      %multiple_of3A_817 = tpu.assume_multiple %sub3A_816, 8 : i32
      %dma_start3A_818 = arith.constant 13 : i32
      %dma_start3A_819 = arith.constant 0 : i32
      %dma_start3A_820 = arith.constant 0 : i32
      %dma_start3A_821 = tpu.memref_slice %arg12[%dma_start3A_818, %dma_start3A_819, %dma_start3A_820] : memref<16x8x64xf32, #tpu.memory_space<vmem>> -> memref<1x8x64xf32, #tpu.memory_space<vmem>>
      %dma_start3A_822 = tpu.memref_squeeze %dma_start3A_821 : memref<1x8x64xf32, #tpu.memory_space<vmem>> -> memref<8x64xf32, #tpu.memory_space<vmem>>
      %dma_start3A_823 = arith.constant 0 : i32
      %dma_start3A_824 = tpu.memref_slice %arg4[%multiple_of3A_813, %dma_start3A_823] : memref<1000000x64xf32, #tpu.memory_space<hbm>> -> memref<8x64xf32, #tpu.memory_space<hbm>>
      %dma_start3A_825 = arith.constant 0 : i32
      %dma_start3A_826 = arith.constant 0 : i32
      %dma_start3A_827 = tpu.memref_slice %arg12[%dma_start3A_818, %dma_start3A_825, %dma_start3A_826] : memref<16x8x64xf32, #tpu.memory_space<vmem>> -> memref<1x8x64xf32, #tpu.memory_space<vmem>>
      %dma_start3A_828 = tpu.memref_squeeze %dma_start3A_827 : memref<1x8x64xf32, #tpu.memory_space<vmem>> -> memref<8x64xf32, #tpu.memory_space<vmem>>
      %dma_start3A_829 = arith.constant 0 : i32
      %dma_start3A_830 = tpu.memref_slice %arg4[%multiple_of3A_813, %dma_start3A_829] : memref<1000000x64xf32, #tpu.memory_space<hbm>> -> memref<8x64xf32, #tpu.memory_space<hbm>>
      tpu.enqueue_dma source(%dma_start3A_830 : memref<8x64xf32, #tpu.memory_space<hbm>>) target(%dma_start3A_828 : memref<8x64xf32, #tpu.memory_space<vmem>>) target_semaphore(%arg18 : memref<!tpu.dma_semaphore, #tpu.memory_space<semaphore_mem>>)
      %dma_start3A_831 = arith.constant 13 : i32
      %dma_start3A_832 = arith.constant 0 : i32
      %dma_start3A_833 = arith.constant 0 : i32
      %dma_start3A_834 = tpu.memref_slice %arg13[%dma_start3A_831, %dma_start3A_832, %dma_start3A_833] : memref<16x8x64xf32, #tpu.memory_space<vmem>> -> memref<1x8x64xf32, #tpu.memory_space<vmem>>
      %dma_start3A_835 = tpu.memref_squeeze %dma_start3A_834 : memref<1x8x64xf32, #tpu.memory_space<vmem>> -> memref<8x64xf32, #tpu.memory_space<vmem>>
      %dma_start3A_836 = arith.constant 0 : i32
      %dma_start3A_837 = tpu.memref_slice %arg5[%multiple_of3A_817, %dma_start3A_836] : memref<100000x64xf32, #tpu.memory_space<hbm>> -> memref<8x64xf32, #tpu.memory_space<hbm>>
      %dma_start3A_838 = arith.constant 0 : i32
      %dma_start3A_839 = arith.constant 0 : i32
      %dma_start3A_840 = tpu.memref_slice %arg13[%dma_start3A_831, %dma_start3A_838, %dma_start3A_839] : memref<16x8x64xf32, #tpu.memory_space<vmem>> -> memref<1x8x64xf32, #tpu.memory_space<vmem>>
      %dma_start3A_841 = tpu.memref_squeeze %dma_start3A_840 : memref<1x8x64xf32, #tpu.memory_space<vmem>> -> memref<8x64xf32, #tpu.memory_space<vmem>>
      %dma_start3A_842 = arith.constant 0 : i32
      %dma_start3A_843 = tpu.memref_slice %arg5[%multiple_of3A_817, %dma_start3A_842] : memref<100000x64xf32, #tpu.memory_space<hbm>> -> memref<8x64xf32, #tpu.memory_space<hbm>>
      tpu.enqueue_dma source(%dma_start3A_843 : memref<8x64xf32, #tpu.memory_space<hbm>>) target(%dma_start3A_841 : memref<8x64xf32, #tpu.memory_space<vmem>>) target_semaphore(%arg18 : memref<!tpu.dma_semaphore, #tpu.memory_space<semaphore_mem>>)
      %eq3A_844 = arith.constant 14 : i32
      %eq3A_845 = vector.broadcast %eq3A_844 : i32 to vector<16xi32>
      %eq3A_846 = arith.cmpi eq, %iota3A, %eq3A_845 : vector<16xi32>
      %jit3A_847 = arith.constant 0 : i32
      %broadcast_in_dim3A_848 = vector.broadcast %jit3A_847 : i32 to vector<16xi32>
      %select_n3A_849 = arith.select %eq3A_846, %get3A_22, %broadcast_in_dim3A_848 : vector<16xi1>, vector<16xi32>
      %reduce_max3A_850 = arith.constant true
      %reduce_max3A_851 = vector.broadcast %reduce_max3A_850 : i1 to vector<16xi1>
      %reduce_max3A_852 = arith.constant -2147483648 : i32
      %reduce_max3A_853 = vector.broadcast %reduce_max3A_852 : i32 to vector<16xi32>
      %reduce_max3A_854 = arith.xori %select_n3A_849, %reduce_max3A_853 : vector<16xi32>
      %reduce_max3A_855 = tpu.scan <max>, %reduce_max3A_854 masked %reduce_max3A_851 : vector<16xi32>, vector<16xi1> -> vector<16xi32>
      %reduce_max3A_856 = arith.xori %reduce_max3A_855, %reduce_max3A_853 : vector<16xi32>
      %reduce_max3A_857 = vector.extract %reduce_max3A_856[15] : i32 from vector<16xi32>
      %jit3A_858 = arith.constant 0 : i32
      %broadcast_in_dim3A_859 = vector.broadcast %jit3A_858 : i32 to vector<16xi32>
      %select_n3A_860 = arith.select %eq3A_846, %get3A_24, %broadcast_in_dim3A_859 : vector<16xi1>, vector<16xi32>
      %reduce_max3A_861 = arith.constant true
      %reduce_max3A_862 = vector.broadcast %reduce_max3A_861 : i1 to vector<16xi1>
      %reduce_max3A_863 = arith.constant -2147483648 : i32
      %reduce_max3A_864 = vector.broadcast %reduce_max3A_863 : i32 to vector<16xi32>
      %reduce_max3A_865 = arith.xori %select_n3A_860, %reduce_max3A_864 : vector<16xi32>
      %reduce_max3A_866 = tpu.scan <max>, %reduce_max3A_865 masked %reduce_max3A_862 : vector<16xi32>, vector<16xi1> -> vector<16xi32>
      %reduce_max3A_867 = arith.xori %reduce_max3A_866, %reduce_max3A_864 : vector<16xi32>
      %reduce_max3A_868 = vector.extract %reduce_max3A_867[15] : i32 from vector<16xi32>
      %and3A_869 = arith.constant 7 : i32
      %and3A_870 = arith.andi %reduce_max3A_857, %and3A_869 : i32
      %sub3A_871 = arith.subi %reduce_max3A_857, %and3A_870 : i32
      %multiple_of3A_872 = tpu.assume_multiple %sub3A_871, 8 : i32
      %and3A_873 = arith.constant 7 : i32
      %and3A_874 = arith.andi %reduce_max3A_868, %and3A_873 : i32
      %sub3A_875 = arith.subi %reduce_max3A_868, %and3A_874 : i32
      %multiple_of3A_876 = tpu.assume_multiple %sub3A_875, 8 : i32
      %dma_start3A_877 = arith.constant 14 : i32
      %dma_start3A_878 = arith.constant 0 : i32
      %dma_start3A_879 = arith.constant 0 : i32
      %dma_start3A_880 = tpu.memref_slice %arg12[%dma_start3A_877, %dma_start3A_878, %dma_start3A_879] : memref<16x8x64xf32, #tpu.memory_space<vmem>> -> memref<1x8x64xf32, #tpu.memory_space<vmem>>
      %dma_start3A_881 = tpu.memref_squeeze %dma_start3A_880 : memref<1x8x64xf32, #tpu.memory_space<vmem>> -> memref<8x64xf32, #tpu.memory_space<vmem>>
      %dma_start3A_882 = arith.constant 0 : i32
      %dma_start3A_883 = tpu.memref_slice %arg4[%multiple_of3A_872, %dma_start3A_882] : memref<1000000x64xf32, #tpu.memory_space<hbm>> -> memref<8x64xf32, #tpu.memory_space<hbm>>
      %dma_start3A_884 = arith.constant 0 : i32
      %dma_start3A_885 = arith.constant 0 : i32
      %dma_start3A_886 = tpu.memref_slice %arg12[%dma_start3A_877, %dma_start3A_884, %dma_start3A_885] : memref<16x8x64xf32, #tpu.memory_space<vmem>> -> memref<1x8x64xf32, #tpu.memory_space<vmem>>
      %dma_start3A_887 = tpu.memref_squeeze %dma_start3A_886 : memref<1x8x64xf32, #tpu.memory_space<vmem>> -> memref<8x64xf32, #tpu.memory_space<vmem>>
      %dma_start3A_888 = arith.constant 0 : i32
      %dma_start3A_889 = tpu.memref_slice %arg4[%multiple_of3A_872, %dma_start3A_888] : memref<1000000x64xf32, #tpu.memory_space<hbm>> -> memref<8x64xf32, #tpu.memory_space<hbm>>
      tpu.enqueue_dma source(%dma_start3A_889 : memref<8x64xf32, #tpu.memory_space<hbm>>) target(%dma_start3A_887 : memref<8x64xf32, #tpu.memory_space<vmem>>) target_semaphore(%arg18 : memref<!tpu.dma_semaphore, #tpu.memory_space<semaphore_mem>>)
      %dma_start3A_890 = arith.constant 14 : i32
      %dma_start3A_891 = arith.constant 0 : i32
      %dma_start3A_892 = arith.constant 0 : i32
      %dma_start3A_893 = tpu.memref_slice %arg13[%dma_start3A_890, %dma_start3A_891, %dma_start3A_892] : memref<16x8x64xf32, #tpu.memory_space<vmem>> -> memref<1x8x64xf32, #tpu.memory_space<vmem>>
      %dma_start3A_894 = tpu.memref_squeeze %dma_start3A_893 : memref<1x8x64xf32, #tpu.memory_space<vmem>> -> memref<8x64xf32, #tpu.memory_space<vmem>>
      %dma_start3A_895 = arith.constant 0 : i32
      %dma_start3A_896 = tpu.memref_slice %arg5[%multiple_of3A_876, %dma_start3A_895] : memref<100000x64xf32, #tpu.memory_space<hbm>> -> memref<8x64xf32, #tpu.memory_space<hbm>>
      %dma_start3A_897 = arith.constant 0 : i32
      %dma_start3A_898 = arith.constant 0 : i32
      %dma_start3A_899 = tpu.memref_slice %arg13[%dma_start3A_890, %dma_start3A_897, %dma_start3A_898] : memref<16x8x64xf32, #tpu.memory_space<vmem>> -> memref<1x8x64xf32, #tpu.memory_space<vmem>>
      %dma_start3A_900 = tpu.memref_squeeze %dma_start3A_899 : memref<1x8x64xf32, #tpu.memory_space<vmem>> -> memref<8x64xf32, #tpu.memory_space<vmem>>
      %dma_start3A_901 = arith.constant 0 : i32
      %dma_start3A_902 = tpu.memref_slice %arg5[%multiple_of3A_876, %dma_start3A_901] : memref<100000x64xf32, #tpu.memory_space<hbm>> -> memref<8x64xf32, #tpu.memory_space<hbm>>
      tpu.enqueue_dma source(%dma_start3A_902 : memref<8x64xf32, #tpu.memory_space<hbm>>) target(%dma_start3A_900 : memref<8x64xf32, #tpu.memory_space<vmem>>) target_semaphore(%arg18 : memref<!tpu.dma_semaphore, #tpu.memory_space<semaphore_mem>>)
      %eq3A_903 = arith.constant 15 : i32
      %eq3A_904 = vector.broadcast %eq3A_903 : i32 to vector<16xi32>
      %eq3A_905 = arith.cmpi eq, %iota3A, %eq3A_904 : vector<16xi32>
      %jit3A_906 = arith.constant 0 : i32
      %broadcast_in_dim3A_907 = vector.broadcast %jit3A_906 : i32 to vector<16xi32>
      %select_n3A_908 = arith.select %eq3A_905, %get3A_22, %broadcast_in_dim3A_907 : vector<16xi1>, vector<16xi32>
      %reduce_max3A_909 = arith.constant true
      %reduce_max3A_910 = vector.broadcast %reduce_max3A_909 : i1 to vector<16xi1>
      %reduce_max3A_911 = arith.constant -2147483648 : i32
      %reduce_max3A_912 = vector.broadcast %reduce_max3A_911 : i32 to vector<16xi32>
      %reduce_max3A_913 = arith.xori %select_n3A_908, %reduce_max3A_912 : vector<16xi32>
      %reduce_max3A_914 = tpu.scan <max>, %reduce_max3A_913 masked %reduce_max3A_910 : vector<16xi32>, vector<16xi1> -> vector<16xi32>
      %reduce_max3A_915 = arith.xori %reduce_max3A_914, %reduce_max3A_912 : vector<16xi32>
      %reduce_max3A_916 = vector.extract %reduce_max3A_915[15] : i32 from vector<16xi32>
      %jit3A_917 = arith.constant 0 : i32
      %broadcast_in_dim3A_918 = vector.broadcast %jit3A_917 : i32 to vector<16xi32>
      %select_n3A_919 = arith.select %eq3A_905, %get3A_24, %broadcast_in_dim3A_918 : vector<16xi1>, vector<16xi32>
      %reduce_max3A_920 = arith.constant true
      %reduce_max3A_921 = vector.broadcast %reduce_max3A_920 : i1 to vector<16xi1>
      %reduce_max3A_922 = arith.constant -2147483648 : i32
      %reduce_max3A_923 = vector.broadcast %reduce_max3A_922 : i32 to vector<16xi32>
      %reduce_max3A_924 = arith.xori %select_n3A_919, %reduce_max3A_923 : vector<16xi32>
      %reduce_max3A_925 = tpu.scan <max>, %reduce_max3A_924 masked %reduce_max3A_921 : vector<16xi32>, vector<16xi1> -> vector<16xi32>
      %reduce_max3A_926 = arith.xori %reduce_max3A_925, %reduce_max3A_923 : vector<16xi32>
      %reduce_max3A_927 = vector.extract %reduce_max3A_926[15] : i32 from vector<16xi32>
      %and3A_928 = arith.constant 7 : i32
      %and3A_929 = arith.andi %reduce_max3A_916, %and3A_928 : i32
      %sub3A_930 = arith.subi %reduce_max3A_916, %and3A_929 : i32
      %multiple_of3A_931 = tpu.assume_multiple %sub3A_930, 8 : i32
      %and3A_932 = arith.constant 7 : i32
      %and3A_933 = arith.andi %reduce_max3A_927, %and3A_932 : i32
      %sub3A_934 = arith.subi %reduce_max3A_927, %and3A_933 : i32
      %multiple_of3A_935 = tpu.assume_multiple %sub3A_934, 8 : i32
      %dma_start3A_936 = arith.constant 15 : i32
      %dma_start3A_937 = arith.constant 0 : i32
      %dma_start3A_938 = arith.constant 0 : i32
      %dma_start3A_939 = tpu.memref_slice %arg12[%dma_start3A_936, %dma_start3A_937, %dma_start3A_938] : memref<16x8x64xf32, #tpu.memory_space<vmem>> -> memref<1x8x64xf32, #tpu.memory_space<vmem>>
      %dma_start3A_940 = tpu.memref_squeeze %dma_start3A_939 : memref<1x8x64xf32, #tpu.memory_space<vmem>> -> memref<8x64xf32, #tpu.memory_space<vmem>>
      %dma_start3A_941 = arith.constant 0 : i32
      %dma_start3A_942 = tpu.memref_slice %arg4[%multiple_of3A_931, %dma_start3A_941] : memref<1000000x64xf32, #tpu.memory_space<hbm>> -> memref<8x64xf32, #tpu.memory_space<hbm>>
      %dma_start3A_943 = arith.constant 0 : i32
      %dma_start3A_944 = arith.constant 0 : i32
      %dma_start3A_945 = tpu.memref_slice %arg12[%dma_start3A_936, %dma_start3A_943, %dma_start3A_944] : memref<16x8x64xf32, #tpu.memory_space<vmem>> -> memref<1x8x64xf32, #tpu.memory_space<vmem>>
      %dma_start3A_946 = tpu.memref_squeeze %dma_start3A_945 : memref<1x8x64xf32, #tpu.memory_space<vmem>> -> memref<8x64xf32, #tpu.memory_space<vmem>>
      %dma_start3A_947 = arith.constant 0 : i32
      %dma_start3A_948 = tpu.memref_slice %arg4[%multiple_of3A_931, %dma_start3A_947] : memref<1000000x64xf32, #tpu.memory_space<hbm>> -> memref<8x64xf32, #tpu.memory_space<hbm>>
      tpu.enqueue_dma source(%dma_start3A_948 : memref<8x64xf32, #tpu.memory_space<hbm>>) target(%dma_start3A_946 : memref<8x64xf32, #tpu.memory_space<vmem>>) target_semaphore(%arg18 : memref<!tpu.dma_semaphore, #tpu.memory_space<semaphore_mem>>)
      %dma_start3A_949 = arith.constant 15 : i32
      %dma_start3A_950 = arith.constant 0 : i32
      %dma_start3A_951 = arith.constant 0 : i32
      %dma_start3A_952 = tpu.memref_slice %arg13[%dma_start3A_949, %dma_start3A_950, %dma_start3A_951] : memref<16x8x64xf32, #tpu.memory_space<vmem>> -> memref<1x8x64xf32, #tpu.memory_space<vmem>>
      %dma_start3A_953 = tpu.memref_squeeze %dma_start3A_952 : memref<1x8x64xf32, #tpu.memory_space<vmem>> -> memref<8x64xf32, #tpu.memory_space<vmem>>
      %dma_start3A_954 = arith.constant 0 : i32
      %dma_start3A_955 = tpu.memref_slice %arg5[%multiple_of3A_935, %dma_start3A_954] : memref<100000x64xf32, #tpu.memory_space<hbm>> -> memref<8x64xf32, #tpu.memory_space<hbm>>
      %dma_start3A_956 = arith.constant 0 : i32
      %dma_start3A_957 = arith.constant 0 : i32
      %dma_start3A_958 = tpu.memref_slice %arg13[%dma_start3A_949, %dma_start3A_956, %dma_start3A_957] : memref<16x8x64xf32, #tpu.memory_space<vmem>> -> memref<1x8x64xf32, #tpu.memory_space<vmem>>
      %dma_start3A_959 = tpu.memref_squeeze %dma_start3A_958 : memref<1x8x64xf32, #tpu.memory_space<vmem>> -> memref<8x64xf32, #tpu.memory_space<vmem>>
      %dma_start3A_960 = arith.constant 0 : i32
      %dma_start3A_961 = tpu.memref_slice %arg5[%multiple_of3A_935, %dma_start3A_960] : memref<100000x64xf32, #tpu.memory_space<hbm>> -> memref<8x64xf32, #tpu.memory_space<hbm>>
      tpu.enqueue_dma source(%dma_start3A_961 : memref<8x64xf32, #tpu.memory_space<hbm>>) target(%dma_start3A_959 : memref<8x64xf32, #tpu.memory_space<vmem>>) target_semaphore(%arg18 : memref<!tpu.dma_semaphore, #tpu.memory_space<semaphore_mem>>)
      %dma_wait3A_962 = arith.constant 0 : i32
      %dma_wait3A_963 = arith.constant 0 : i32
      %dma_wait3A_964 = arith.constant 0 : i32
      %dma_wait3A_965 = tpu.memref_slice %arg12[%dma_wait3A_962, %dma_wait3A_963, %dma_wait3A_964] : memref<16x8x64xf32, #tpu.memory_space<vmem>> -> memref<1x8x64xf32, #tpu.memory_space<vmem>>
      %dma_wait3A_966 = tpu.memref_squeeze %dma_wait3A_965 : memref<1x8x64xf32, #tpu.memory_space<vmem>> -> memref<8x64xf32, #tpu.memory_space<vmem>>
      %dma_wait3A_967 = arith.constant 0 : i32
      %dma_wait3A_968 = tpu.memref_slice %arg4[%multiple_of3A, %dma_wait3A_967] : memref<1000000x64xf32, #tpu.memory_space<hbm>> -> memref<8x64xf32, #tpu.memory_space<hbm>>
      %dma_wait3A_969 = arith.constant 0 : i32
      %dma_wait3A_970 = arith.constant 0 : i32
      %dma_wait3A_971 = tpu.memref_slice %arg12[%dma_wait3A_962, %dma_wait3A_969, %dma_wait3A_970] : memref<16x8x64xf32, #tpu.memory_space<vmem>> -> memref<1x8x64xf32, #tpu.memory_space<vmem>>
      %dma_wait3A_972 = tpu.memref_squeeze %dma_wait3A_971 : memref<1x8x64xf32, #tpu.memory_space<vmem>> -> memref<8x64xf32, #tpu.memory_space<vmem>>
      %dma_wait3A_973 = arith.constant 0 : i32
      %dma_wait3A_974 = tpu.memref_slice %arg4[%multiple_of3A, %dma_wait3A_973] : memref<1000000x64xf32, #tpu.memory_space<hbm>> -> memref<8x64xf32, #tpu.memory_space<hbm>>
      tpu.wait_dma2 semaphore(%arg18 : memref<!tpu.dma_semaphore, #tpu.memory_space<semaphore_mem>>) src(%dma_wait3A_974 : memref<8x64xf32, #tpu.memory_space<hbm>>) dst(%dma_wait3A_972 : memref<8x64xf32, #tpu.memory_space<vmem>>)
      %dma_wait3A_975 = arith.constant 0 : i32
      %dma_wait3A_976 = arith.constant 0 : i32
      %dma_wait3A_977 = arith.constant 0 : i32
      %dma_wait3A_978 = tpu.memref_slice %arg13[%dma_wait3A_975, %dma_wait3A_976, %dma_wait3A_977] : memref<16x8x64xf32, #tpu.memory_space<vmem>> -> memref<1x8x64xf32, #tpu.memory_space<vmem>>
      %dma_wait3A_979 = tpu.memref_squeeze %dma_wait3A_978 : memref<1x8x64xf32, #tpu.memory_space<vmem>> -> memref<8x64xf32, #tpu.memory_space<vmem>>
      %dma_wait3A_980 = arith.constant 0 : i32
      %dma_wait3A_981 = tpu.memref_slice %arg5[%multiple_of3A_50, %dma_wait3A_980] : memref<100000x64xf32, #tpu.memory_space<hbm>> -> memref<8x64xf32, #tpu.memory_space<hbm>>
      %dma_wait3A_982 = arith.constant 0 : i32
      %dma_wait3A_983 = arith.constant 0 : i32
      %dma_wait3A_984 = tpu.memref_slice %arg13[%dma_wait3A_975, %dma_wait3A_982, %dma_wait3A_983] : memref<16x8x64xf32, #tpu.memory_space<vmem>> -> memref<1x8x64xf32, #tpu.memory_space<vmem>>
      %dma_wait3A_985 = tpu.memref_squeeze %dma_wait3A_984 : memref<1x8x64xf32, #tpu.memory_space<vmem>> -> memref<8x64xf32, #tpu.memory_space<vmem>>
      %dma_wait3A_986 = arith.constant 0 : i32
      %dma_wait3A_987 = tpu.memref_slice %arg5[%multiple_of3A_50, %dma_wait3A_986] : memref<100000x64xf32, #tpu.memory_space<hbm>> -> memref<8x64xf32, #tpu.memory_space<hbm>>
      tpu.wait_dma2 semaphore(%arg18 : memref<!tpu.dma_semaphore, #tpu.memory_space<semaphore_mem>>) src(%dma_wait3A_987 : memref<8x64xf32, #tpu.memory_space<hbm>>) dst(%dma_wait3A_985 : memref<8x64xf32, #tpu.memory_space<vmem>>)
      %dma_wait3A_988 = arith.constant 1 : i32
      %dma_wait3A_989 = arith.constant 0 : i32
      %dma_wait3A_990 = arith.constant 0 : i32
      %dma_wait3A_991 = tpu.memref_slice %arg12[%dma_wait3A_988, %dma_wait3A_989, %dma_wait3A_990] : memref<16x8x64xf32, #tpu.memory_space<vmem>> -> memref<1x8x64xf32, #tpu.memory_space<vmem>>
      %dma_wait3A_992 = tpu.memref_squeeze %dma_wait3A_991 : memref<1x8x64xf32, #tpu.memory_space<vmem>> -> memref<8x64xf32, #tpu.memory_space<vmem>>
      %dma_wait3A_993 = arith.constant 0 : i32
      %dma_wait3A_994 = tpu.memref_slice %arg4[%multiple_of3A_105, %dma_wait3A_993] : memref<1000000x64xf32, #tpu.memory_space<hbm>> -> memref<8x64xf32, #tpu.memory_space<hbm>>
      %dma_wait3A_995 = arith.constant 0 : i32
      %dma_wait3A_996 = arith.constant 0 : i32
      %dma_wait3A_997 = tpu.memref_slice %arg12[%dma_wait3A_988, %dma_wait3A_995, %dma_wait3A_996] : memref<16x8x64xf32, #tpu.memory_space<vmem>> -> memref<1x8x64xf32, #tpu.memory_space<vmem>>
      %dma_wait3A_998 = tpu.memref_squeeze %dma_wait3A_997 : memref<1x8x64xf32, #tpu.memory_space<vmem>> -> memref<8x64xf32, #tpu.memory_space<vmem>>
      %dma_wait3A_999 = arith.constant 0 : i32
      %dma_wait3A_1000 = tpu.memref_slice %arg4[%multiple_of3A_105, %dma_wait3A_999] : memref<1000000x64xf32, #tpu.memory_space<hbm>> -> memref<8x64xf32, #tpu.memory_space<hbm>>
      tpu.wait_dma2 semaphore(%arg18 : memref<!tpu.dma_semaphore, #tpu.memory_space<semaphore_mem>>) src(%dma_wait3A_1000 : memref<8x64xf32, #tpu.memory_space<hbm>>) dst(%dma_wait3A_998 : memref<8x64xf32, #tpu.memory_space<vmem>>)
      %dma_wait3A_1001 = arith.constant 1 : i32
      %dma_wait3A_1002 = arith.constant 0 : i32
      %dma_wait3A_1003 = arith.constant 0 : i32
      %dma_wait3A_1004 = tpu.memref_slice %arg13[%dma_wait3A_1001, %dma_wait3A_1002, %dma_wait3A_1003] : memref<16x8x64xf32, #tpu.memory_space<vmem>> -> memref<1x8x64xf32, #tpu.memory_space<vmem>>
      %dma_wait3A_1005 = tpu.memref_squeeze %dma_wait3A_1004 : memref<1x8x64xf32, #tpu.memory_space<vmem>> -> memref<8x64xf32, #tpu.memory_space<vmem>>
      %dma_wait3A_1006 = arith.constant 0 : i32
      %dma_wait3A_1007 = tpu.memref_slice %arg5[%multiple_of3A_109, %dma_wait3A_1006] : memref<100000x64xf32, #tpu.memory_space<hbm>> -> memref<8x64xf32, #tpu.memory_space<hbm>>
      %dma_wait3A_1008 = arith.constant 0 : i32
      %dma_wait3A_1009 = arith.constant 0 : i32
      %dma_wait3A_1010 = tpu.memref_slice %arg13[%dma_wait3A_1001, %dma_wait3A_1008, %dma_wait3A_1009] : memref<16x8x64xf32, #tpu.memory_space<vmem>> -> memref<1x8x64xf32, #tpu.memory_space<vmem>>
      %dma_wait3A_1011 = tpu.memref_squeeze %dma_wait3A_1010 : memref<1x8x64xf32, #tpu.memory_space<vmem>> -> memref<8x64xf32, #tpu.memory_space<vmem>>
      %dma_wait3A_1012 = arith.constant 0 : i32
      %dma_wait3A_1013 = tpu.memref_slice %arg5[%multiple_of3A_109, %dma_wait3A_1012] : memref<100000x64xf32, #tpu.memory_space<hbm>> -> memref<8x64xf32, #tpu.memory_space<hbm>>
      tpu.wait_dma2 semaphore(%arg18 : memref<!tpu.dma_semaphore, #tpu.memory_space<semaphore_mem>>) src(%dma_wait3A_1013 : memref<8x64xf32, #tpu.memory_space<hbm>>) dst(%dma_wait3A_1011 : memref<8x64xf32, #tpu.memory_space<vmem>>)
      %dma_wait3A_1014 = arith.constant 2 : i32
      %dma_wait3A_1015 = arith.constant 0 : i32
      %dma_wait3A_1016 = arith.constant 0 : i32
      %dma_wait3A_1017 = tpu.memref_slice %arg12[%dma_wait3A_1014, %dma_wait3A_1015, %dma_wait3A_1016] : memref<16x8x64xf32, #tpu.memory_space<vmem>> -> memref<1x8x64xf32, #tpu.memory_space<vmem>>
      %dma_wait3A_1018 = tpu.memref_squeeze %dma_wait3A_1017 : memref<1x8x64xf32, #tpu.memory_space<vmem>> -> memref<8x64xf32, #tpu.memory_space<vmem>>
      %dma_wait3A_1019 = arith.constant 0 : i32
      %dma_wait3A_1020 = tpu.memref_slice %arg4[%multiple_of3A_164, %dma_wait3A_1019] : memref<1000000x64xf32, #tpu.memory_space<hbm>> -> memref<8x64xf32, #tpu.memory_space<hbm>>
      %dma_wait3A_1021 = arith.constant 0 : i32
      %dma_wait3A_1022 = arith.constant 0 : i32
      %dma_wait3A_1023 = tpu.memref_slice %arg12[%dma_wait3A_1014, %dma_wait3A_1021, %dma_wait3A_1022] : memref<16x8x64xf32, #tpu.memory_space<vmem>> -> memref<1x8x64xf32, #tpu.memory_space<vmem>>
      %dma_wait3A_1024 = tpu.memref_squeeze %dma_wait3A_1023 : memref<1x8x64xf32, #tpu.memory_space<vmem>> -> memref<8x64xf32, #tpu.memory_space<vmem>>
      %dma_wait3A_1025 = arith.constant 0 : i32
      %dma_wait3A_1026 = tpu.memref_slice %arg4[%multiple_of3A_164, %dma_wait3A_1025] : memref<1000000x64xf32, #tpu.memory_space<hbm>> -> memref<8x64xf32, #tpu.memory_space<hbm>>
      tpu.wait_dma2 semaphore(%arg18 : memref<!tpu.dma_semaphore, #tpu.memory_space<semaphore_mem>>) src(%dma_wait3A_1026 : memref<8x64xf32, #tpu.memory_space<hbm>>) dst(%dma_wait3A_1024 : memref<8x64xf32, #tpu.memory_space<vmem>>)
      %dma_wait3A_1027 = arith.constant 2 : i32
      %dma_wait3A_1028 = arith.constant 0 : i32
      %dma_wait3A_1029 = arith.constant 0 : i32
      %dma_wait3A_1030 = tpu.memref_slice %arg13[%dma_wait3A_1027, %dma_wait3A_1028, %dma_wait3A_1029] : memref<16x8x64xf32, #tpu.memory_space<vmem>> -> memref<1x8x64xf32, #tpu.memory_space<vmem>>
      %dma_wait3A_1031 = tpu.memref_squeeze %dma_wait3A_1030 : memref<1x8x64xf32, #tpu.memory_space<vmem>> -> memref<8x64xf32, #tpu.memory_space<vmem>>
      %dma_wait3A_1032 = arith.constant 0 : i32
      %dma_wait3A_1033 = tpu.memref_slice %arg5[%multiple_of3A_168, %dma_wait3A_1032] : memref<100000x64xf32, #tpu.memory_space<hbm>> -> memref<8x64xf32, #tpu.memory_space<hbm>>
      %dma_wait3A_1034 = arith.constant 0 : i32
      %dma_wait3A_1035 = arith.constant 0 : i32
      %dma_wait3A_1036 = tpu.memref_slice %arg13[%dma_wait3A_1027, %dma_wait3A_1034, %dma_wait3A_1035] : memref<16x8x64xf32, #tpu.memory_space<vmem>> -> memref<1x8x64xf32, #tpu.memory_space<vmem>>
      %dma_wait3A_1037 = tpu.memref_squeeze %dma_wait3A_1036 : memref<1x8x64xf32, #tpu.memory_space<vmem>> -> memref<8x64xf32, #tpu.memory_space<vmem>>
      %dma_wait3A_1038 = arith.constant 0 : i32
      %dma_wait3A_1039 = tpu.memref_slice %arg5[%multiple_of3A_168, %dma_wait3A_1038] : memref<100000x64xf32, #tpu.memory_space<hbm>> -> memref<8x64xf32, #tpu.memory_space<hbm>>
      tpu.wait_dma2 semaphore(%arg18 : memref<!tpu.dma_semaphore, #tpu.memory_space<semaphore_mem>>) src(%dma_wait3A_1039 : memref<8x64xf32, #tpu.memory_space<hbm>>) dst(%dma_wait3A_1037 : memref<8x64xf32, #tpu.memory_space<vmem>>)
      %dma_wait3A_1040 = arith.constant 3 : i32
      %dma_wait3A_1041 = arith.constant 0 : i32
      %dma_wait3A_1042 = arith.constant 0 : i32
      %dma_wait3A_1043 = tpu.memref_slice %arg12[%dma_wait3A_1040, %dma_wait3A_1041, %dma_wait3A_1042] : memref<16x8x64xf32, #tpu.memory_space<vmem>> -> memref<1x8x64xf32, #tpu.memory_space<vmem>>
      %dma_wait3A_1044 = tpu.memref_squeeze %dma_wait3A_1043 : memref<1x8x64xf32, #tpu.memory_space<vmem>> -> memref<8x64xf32, #tpu.memory_space<vmem>>
      %dma_wait3A_1045 = arith.constant 0 : i32
      %dma_wait3A_1046 = tpu.memref_slice %arg4[%multiple_of3A_223, %dma_wait3A_1045] : memref<1000000x64xf32, #tpu.memory_space<hbm>> -> memref<8x64xf32, #tpu.memory_space<hbm>>
      %dma_wait3A_1047 = arith.constant 0 : i32
      %dma_wait3A_1048 = arith.constant 0 : i32
      %dma_wait3A_1049 = tpu.memref_slice %arg12[%dma_wait3A_1040, %dma_wait3A_1047, %dma_wait3A_1048] : memref<16x8x64xf32, #tpu.memory_space<vmem>> -> memref<1x8x64xf32, #tpu.memory_space<vmem>>
      %dma_wait3A_1050 = tpu.memref_squeeze %dma_wait3A_1049 : memref<1x8x64xf32, #tpu.memory_space<vmem>> -> memref<8x64xf32, #tpu.memory_space<vmem>>
      %dma_wait3A_1051 = arith.constant 0 : i32
      %dma_wait3A_1052 = tpu.memref_slice %arg4[%multiple_of3A_223, %dma_wait3A_1051] : memref<1000000x64xf32, #tpu.memory_space<hbm>> -> memref<8x64xf32, #tpu.memory_space<hbm>>
      tpu.wait_dma2 semaphore(%arg18 : memref<!tpu.dma_semaphore, #tpu.memory_space<semaphore_mem>>) src(%dma_wait3A_1052 : memref<8x64xf32, #tpu.memory_space<hbm>>) dst(%dma_wait3A_1050 : memref<8x64xf32, #tpu.memory_space<vmem>>)
      %dma_wait3A_1053 = arith.constant 3 : i32
      %dma_wait3A_1054 = arith.constant 0 : i32
      %dma_wait3A_1055 = arith.constant 0 : i32
      %dma_wait3A_1056 = tpu.memref_slice %arg13[%dma_wait3A_1053, %dma_wait3A_1054, %dma_wait3A_1055] : memref<16x8x64xf32, #tpu.memory_space<vmem>> -> memref<1x8x64xf32, #tpu.memory_space<vmem>>
      %dma_wait3A_1057 = tpu.memref_squeeze %dma_wait3A_1056 : memref<1x8x64xf32, #tpu.memory_space<vmem>> -> memref<8x64xf32, #tpu.memory_space<vmem>>
      %dma_wait3A_1058 = arith.constant 0 : i32
      %dma_wait3A_1059 = tpu.memref_slice %arg5[%multiple_of3A_227, %dma_wait3A_1058] : memref<100000x64xf32, #tpu.memory_space<hbm>> -> memref<8x64xf32, #tpu.memory_space<hbm>>
      %dma_wait3A_1060 = arith.constant 0 : i32
      %dma_wait3A_1061 = arith.constant 0 : i32
      %dma_wait3A_1062 = tpu.memref_slice %arg13[%dma_wait3A_1053, %dma_wait3A_1060, %dma_wait3A_1061] : memref<16x8x64xf32, #tpu.memory_space<vmem>> -> memref<1x8x64xf32, #tpu.memory_space<vmem>>
      %dma_wait3A_1063 = tpu.memref_squeeze %dma_wait3A_1062 : memref<1x8x64xf32, #tpu.memory_space<vmem>> -> memref<8x64xf32, #tpu.memory_space<vmem>>
      %dma_wait3A_1064 = arith.constant 0 : i32
      %dma_wait3A_1065 = tpu.memref_slice %arg5[%multiple_of3A_227, %dma_wait3A_1064] : memref<100000x64xf32, #tpu.memory_space<hbm>> -> memref<8x64xf32, #tpu.memory_space<hbm>>
      tpu.wait_dma2 semaphore(%arg18 : memref<!tpu.dma_semaphore, #tpu.memory_space<semaphore_mem>>) src(%dma_wait3A_1065 : memref<8x64xf32, #tpu.memory_space<hbm>>) dst(%dma_wait3A_1063 : memref<8x64xf32, #tpu.memory_space<vmem>>)
      %dma_wait3A_1066 = arith.constant 4 : i32
      %dma_wait3A_1067 = arith.constant 0 : i32
      %dma_wait3A_1068 = arith.constant 0 : i32
      %dma_wait3A_1069 = tpu.memref_slice %arg12[%dma_wait3A_1066, %dma_wait3A_1067, %dma_wait3A_1068] : memref<16x8x64xf32, #tpu.memory_space<vmem>> -> memref<1x8x64xf32, #tpu.memory_space<vmem>>
      %dma_wait3A_1070 = tpu.memref_squeeze %dma_wait3A_1069 : memref<1x8x64xf32, #tpu.memory_space<vmem>> -> memref<8x64xf32, #tpu.memory_space<vmem>>
      %dma_wait3A_1071 = arith.constant 0 : i32
      %dma_wait3A_1072 = tpu.memref_slice %arg4[%multiple_of3A_282, %dma_wait3A_1071] : memref<1000000x64xf32, #tpu.memory_space<hbm>> -> memref<8x64xf32, #tpu.memory_space<hbm>>
      %dma_wait3A_1073 = arith.constant 0 : i32
      %dma_wait3A_1074 = arith.constant 0 : i32
      %dma_wait3A_1075 = tpu.memref_slice %arg12[%dma_wait3A_1066, %dma_wait3A_1073, %dma_wait3A_1074] : memref<16x8x64xf32, #tpu.memory_space<vmem>> -> memref<1x8x64xf32, #tpu.memory_space<vmem>>
      %dma_wait3A_1076 = tpu.memref_squeeze %dma_wait3A_1075 : memref<1x8x64xf32, #tpu.memory_space<vmem>> -> memref<8x64xf32, #tpu.memory_space<vmem>>
      %dma_wait3A_1077 = arith.constant 0 : i32
      %dma_wait3A_1078 = tpu.memref_slice %arg4[%multiple_of3A_282, %dma_wait3A_1077] : memref<1000000x64xf32, #tpu.memory_space<hbm>> -> memref<8x64xf32, #tpu.memory_space<hbm>>
      tpu.wait_dma2 semaphore(%arg18 : memref<!tpu.dma_semaphore, #tpu.memory_space<semaphore_mem>>) src(%dma_wait3A_1078 : memref<8x64xf32, #tpu.memory_space<hbm>>) dst(%dma_wait3A_1076 : memref<8x64xf32, #tpu.memory_space<vmem>>)
      %dma_wait3A_1079 = arith.constant 4 : i32
      %dma_wait3A_1080 = arith.constant 0 : i32
      %dma_wait3A_1081 = arith.constant 0 : i32
      %dma_wait3A_1082 = tpu.memref_slice %arg13[%dma_wait3A_1079, %dma_wait3A_1080, %dma_wait3A_1081] : memref<16x8x64xf32, #tpu.memory_space<vmem>> -> memref<1x8x64xf32, #tpu.memory_space<vmem>>
      %dma_wait3A_1083 = tpu.memref_squeeze %dma_wait3A_1082 : memref<1x8x64xf32, #tpu.memory_space<vmem>> -> memref<8x64xf32, #tpu.memory_space<vmem>>
      %dma_wait3A_1084 = arith.constant 0 : i32
      %dma_wait3A_1085 = tpu.memref_slice %arg5[%multiple_of3A_286, %dma_wait3A_1084] : memref<100000x64xf32, #tpu.memory_space<hbm>> -> memref<8x64xf32, #tpu.memory_space<hbm>>
      %dma_wait3A_1086 = arith.constant 0 : i32
      %dma_wait3A_1087 = arith.constant 0 : i32
      %dma_wait3A_1088 = tpu.memref_slice %arg13[%dma_wait3A_1079, %dma_wait3A_1086, %dma_wait3A_1087] : memref<16x8x64xf32, #tpu.memory_space<vmem>> -> memref<1x8x64xf32, #tpu.memory_space<vmem>>
      %dma_wait3A_1089 = tpu.memref_squeeze %dma_wait3A_1088 : memref<1x8x64xf32, #tpu.memory_space<vmem>> -> memref<8x64xf32, #tpu.memory_space<vmem>>
      %dma_wait3A_1090 = arith.constant 0 : i32
      %dma_wait3A_1091 = tpu.memref_slice %arg5[%multiple_of3A_286, %dma_wait3A_1090] : memref<100000x64xf32, #tpu.memory_space<hbm>> -> memref<8x64xf32, #tpu.memory_space<hbm>>
      tpu.wait_dma2 semaphore(%arg18 : memref<!tpu.dma_semaphore, #tpu.memory_space<semaphore_mem>>) src(%dma_wait3A_1091 : memref<8x64xf32, #tpu.memory_space<hbm>>) dst(%dma_wait3A_1089 : memref<8x64xf32, #tpu.memory_space<vmem>>)
      %dma_wait3A_1092 = arith.constant 5 : i32
      %dma_wait3A_1093 = arith.constant 0 : i32
      %dma_wait3A_1094 = arith.constant 0 : i32
      %dma_wait3A_1095 = tpu.memref_slice %arg12[%dma_wait3A_1092, %dma_wait3A_1093, %dma_wait3A_1094] : memref<16x8x64xf32, #tpu.memory_space<vmem>> -> memref<1x8x64xf32, #tpu.memory_space<vmem>>
      %dma_wait3A_1096 = tpu.memref_squeeze %dma_wait3A_1095 : memref<1x8x64xf32, #tpu.memory_space<vmem>> -> memref<8x64xf32, #tpu.memory_space<vmem>>
      %dma_wait3A_1097 = arith.constant 0 : i32
      %dma_wait3A_1098 = tpu.memref_slice %arg4[%multiple_of3A_341, %dma_wait3A_1097] : memref<1000000x64xf32, #tpu.memory_space<hbm>> -> memref<8x64xf32, #tpu.memory_space<hbm>>
      %dma_wait3A_1099 = arith.constant 0 : i32
      %dma_wait3A_1100 = arith.constant 0 : i32
      %dma_wait3A_1101 = tpu.memref_slice %arg12[%dma_wait3A_1092, %dma_wait3A_1099, %dma_wait3A_1100] : memref<16x8x64xf32, #tpu.memory_space<vmem>> -> memref<1x8x64xf32, #tpu.memory_space<vmem>>
      %dma_wait3A_1102 = tpu.memref_squeeze %dma_wait3A_1101 : memref<1x8x64xf32, #tpu.memory_space<vmem>> -> memref<8x64xf32, #tpu.memory_space<vmem>>
      %dma_wait3A_1103 = arith.constant 0 : i32
      %dma_wait3A_1104 = tpu.memref_slice %arg4[%multiple_of3A_341, %dma_wait3A_1103] : memref<1000000x64xf32, #tpu.memory_space<hbm>> -> memref<8x64xf32, #tpu.memory_space<hbm>>
      tpu.wait_dma2 semaphore(%arg18 : memref<!tpu.dma_semaphore, #tpu.memory_space<semaphore_mem>>) src(%dma_wait3A_1104 : memref<8x64xf32, #tpu.memory_space<hbm>>) dst(%dma_wait3A_1102 : memref<8x64xf32, #tpu.memory_space<vmem>>)
      %dma_wait3A_1105 = arith.constant 5 : i32
      %dma_wait3A_1106 = arith.constant 0 : i32
      %dma_wait3A_1107 = arith.constant 0 : i32
      %dma_wait3A_1108 = tpu.memref_slice %arg13[%dma_wait3A_1105, %dma_wait3A_1106, %dma_wait3A_1107] : memref<16x8x64xf32, #tpu.memory_space<vmem>> -> memref<1x8x64xf32, #tpu.memory_space<vmem>>
      %dma_wait3A_1109 = tpu.memref_squeeze %dma_wait3A_1108 : memref<1x8x64xf32, #tpu.memory_space<vmem>> -> memref<8x64xf32, #tpu.memory_space<vmem>>
      %dma_wait3A_1110 = arith.constant 0 : i32
      %dma_wait3A_1111 = tpu.memref_slice %arg5[%multiple_of3A_345, %dma_wait3A_1110] : memref<100000x64xf32, #tpu.memory_space<hbm>> -> memref<8x64xf32, #tpu.memory_space<hbm>>
      %dma_wait3A_1112 = arith.constant 0 : i32
      %dma_wait3A_1113 = arith.constant 0 : i32
      %dma_wait3A_1114 = tpu.memref_slice %arg13[%dma_wait3A_1105, %dma_wait3A_1112, %dma_wait3A_1113] : memref<16x8x64xf32, #tpu.memory_space<vmem>> -> memref<1x8x64xf32, #tpu.memory_space<vmem>>
      %dma_wait3A_1115 = tpu.memref_squeeze %dma_wait3A_1114 : memref<1x8x64xf32, #tpu.memory_space<vmem>> -> memref<8x64xf32, #tpu.memory_space<vmem>>
      %dma_wait3A_1116 = arith.constant 0 : i32
      %dma_wait3A_1117 = tpu.memref_slice %arg5[%multiple_of3A_345, %dma_wait3A_1116] : memref<100000x64xf32, #tpu.memory_space<hbm>> -> memref<8x64xf32, #tpu.memory_space<hbm>>
      tpu.wait_dma2 semaphore(%arg18 : memref<!tpu.dma_semaphore, #tpu.memory_space<semaphore_mem>>) src(%dma_wait3A_1117 : memref<8x64xf32, #tpu.memory_space<hbm>>) dst(%dma_wait3A_1115 : memref<8x64xf32, #tpu.memory_space<vmem>>)
      %dma_wait3A_1118 = arith.constant 6 : i32
      %dma_wait3A_1119 = arith.constant 0 : i32
      %dma_wait3A_1120 = arith.constant 0 : i32
      %dma_wait3A_1121 = tpu.memref_slice %arg12[%dma_wait3A_1118, %dma_wait3A_1119, %dma_wait3A_1120] : memref<16x8x64xf32, #tpu.memory_space<vmem>> -> memref<1x8x64xf32, #tpu.memory_space<vmem>>
      %dma_wait3A_1122 = tpu.memref_squeeze %dma_wait3A_1121 : memref<1x8x64xf32, #tpu.memory_space<vmem>> -> memref<8x64xf32, #tpu.memory_space<vmem>>
      %dma_wait3A_1123 = arith.constant 0 : i32
      %dma_wait3A_1124 = tpu.memref_slice %arg4[%multiple_of3A_400, %dma_wait3A_1123] : memref<1000000x64xf32, #tpu.memory_space<hbm>> -> memref<8x64xf32, #tpu.memory_space<hbm>>
      %dma_wait3A_1125 = arith.constant 0 : i32
      %dma_wait3A_1126 = arith.constant 0 : i32
      %dma_wait3A_1127 = tpu.memref_slice %arg12[%dma_wait3A_1118, %dma_wait3A_1125, %dma_wait3A_1126] : memref<16x8x64xf32, #tpu.memory_space<vmem>> -> memref<1x8x64xf32, #tpu.memory_space<vmem>>
      %dma_wait3A_1128 = tpu.memref_squeeze %dma_wait3A_1127 : memref<1x8x64xf32, #tpu.memory_space<vmem>> -> memref<8x64xf32, #tpu.memory_space<vmem>>
      %dma_wait3A_1129 = arith.constant 0 : i32
      %dma_wait3A_1130 = tpu.memref_slice %arg4[%multiple_of3A_400, %dma_wait3A_1129] : memref<1000000x64xf32, #tpu.memory_space<hbm>> -> memref<8x64xf32, #tpu.memory_space<hbm>>
      tpu.wait_dma2 semaphore(%arg18 : memref<!tpu.dma_semaphore, #tpu.memory_space<semaphore_mem>>) src(%dma_wait3A_1130 : memref<8x64xf32, #tpu.memory_space<hbm>>) dst(%dma_wait3A_1128 : memref<8x64xf32, #tpu.memory_space<vmem>>)
      %dma_wait3A_1131 = arith.constant 6 : i32
      %dma_wait3A_1132 = arith.constant 0 : i32
      %dma_wait3A_1133 = arith.constant 0 : i32
      %dma_wait3A_1134 = tpu.memref_slice %arg13[%dma_wait3A_1131, %dma_wait3A_1132, %dma_wait3A_1133] : memref<16x8x64xf32, #tpu.memory_space<vmem>> -> memref<1x8x64xf32, #tpu.memory_space<vmem>>
      %dma_wait3A_1135 = tpu.memref_squeeze %dma_wait3A_1134 : memref<1x8x64xf32, #tpu.memory_space<vmem>> -> memref<8x64xf32, #tpu.memory_space<vmem>>
      %dma_wait3A_1136 = arith.constant 0 : i32
      %dma_wait3A_1137 = tpu.memref_slice %arg5[%multiple_of3A_404, %dma_wait3A_1136] : memref<100000x64xf32, #tpu.memory_space<hbm>> -> memref<8x64xf32, #tpu.memory_space<hbm>>
      %dma_wait3A_1138 = arith.constant 0 : i32
      %dma_wait3A_1139 = arith.constant 0 : i32
      %dma_wait3A_1140 = tpu.memref_slice %arg13[%dma_wait3A_1131, %dma_wait3A_1138, %dma_wait3A_1139] : memref<16x8x64xf32, #tpu.memory_space<vmem>> -> memref<1x8x64xf32, #tpu.memory_space<vmem>>
      %dma_wait3A_1141 = tpu.memref_squeeze %dma_wait3A_1140 : memref<1x8x64xf32, #tpu.memory_space<vmem>> -> memref<8x64xf32, #tpu.memory_space<vmem>>
      %dma_wait3A_1142 = arith.constant 0 : i32
      %dma_wait3A_1143 = tpu.memref_slice %arg5[%multiple_of3A_404, %dma_wait3A_1142] : memref<100000x64xf32, #tpu.memory_space<hbm>> -> memref<8x64xf32, #tpu.memory_space<hbm>>
      tpu.wait_dma2 semaphore(%arg18 : memref<!tpu.dma_semaphore, #tpu.memory_space<semaphore_mem>>) src(%dma_wait3A_1143 : memref<8x64xf32, #tpu.memory_space<hbm>>) dst(%dma_wait3A_1141 : memref<8x64xf32, #tpu.memory_space<vmem>>)
      %dma_wait3A_1144 = arith.constant 7 : i32
      %dma_wait3A_1145 = arith.constant 0 : i32
      %dma_wait3A_1146 = arith.constant 0 : i32
      %dma_wait3A_1147 = tpu.memref_slice %arg12[%dma_wait3A_1144, %dma_wait3A_1145, %dma_wait3A_1146] : memref<16x8x64xf32, #tpu.memory_space<vmem>> -> memref<1x8x64xf32, #tpu.memory_space<vmem>>
      %dma_wait3A_1148 = tpu.memref_squeeze %dma_wait3A_1147 : memref<1x8x64xf32, #tpu.memory_space<vmem>> -> memref<8x64xf32, #tpu.memory_space<vmem>>
      %dma_wait3A_1149 = arith.constant 0 : i32
      %dma_wait3A_1150 = tpu.memref_slice %arg4[%multiple_of3A_459, %dma_wait3A_1149] : memref<1000000x64xf32, #tpu.memory_space<hbm>> -> memref<8x64xf32, #tpu.memory_space<hbm>>
      %dma_wait3A_1151 = arith.constant 0 : i32
      %dma_wait3A_1152 = arith.constant 0 : i32
      %dma_wait3A_1153 = tpu.memref_slice %arg12[%dma_wait3A_1144, %dma_wait3A_1151, %dma_wait3A_1152] : memref<16x8x64xf32, #tpu.memory_space<vmem>> -> memref<1x8x64xf32, #tpu.memory_space<vmem>>
      %dma_wait3A_1154 = tpu.memref_squeeze %dma_wait3A_1153 : memref<1x8x64xf32, #tpu.memory_space<vmem>> -> memref<8x64xf32, #tpu.memory_space<vmem>>
      %dma_wait3A_1155 = arith.constant 0 : i32
      %dma_wait3A_1156 = tpu.memref_slice %arg4[%multiple_of3A_459, %dma_wait3A_1155] : memref<1000000x64xf32, #tpu.memory_space<hbm>> -> memref<8x64xf32, #tpu.memory_space<hbm>>
      tpu.wait_dma2 semaphore(%arg18 : memref<!tpu.dma_semaphore, #tpu.memory_space<semaphore_mem>>) src(%dma_wait3A_1156 : memref<8x64xf32, #tpu.memory_space<hbm>>) dst(%dma_wait3A_1154 : memref<8x64xf32, #tpu.memory_space<vmem>>)
      %dma_wait3A_1157 = arith.constant 7 : i32
      %dma_wait3A_1158 = arith.constant 0 : i32
      %dma_wait3A_1159 = arith.constant 0 : i32
      %dma_wait3A_1160 = tpu.memref_slice %arg13[%dma_wait3A_1157, %dma_wait3A_1158, %dma_wait3A_1159] : memref<16x8x64xf32, #tpu.memory_space<vmem>> -> memref<1x8x64xf32, #tpu.memory_space<vmem>>
      %dma_wait3A_1161 = tpu.memref_squeeze %dma_wait3A_1160 : memref<1x8x64xf32, #tpu.memory_space<vmem>> -> memref<8x64xf32, #tpu.memory_space<vmem>>
      %dma_wait3A_1162 = arith.constant 0 : i32
      %dma_wait3A_1163 = tpu.memref_slice %arg5[%multiple_of3A_463, %dma_wait3A_1162] : memref<100000x64xf32, #tpu.memory_space<hbm>> -> memref<8x64xf32, #tpu.memory_space<hbm>>
      %dma_wait3A_1164 = arith.constant 0 : i32
      %dma_wait3A_1165 = arith.constant 0 : i32
      %dma_wait3A_1166 = tpu.memref_slice %arg13[%dma_wait3A_1157, %dma_wait3A_1164, %dma_wait3A_1165] : memref<16x8x64xf32, #tpu.memory_space<vmem>> -> memref<1x8x64xf32, #tpu.memory_space<vmem>>
      %dma_wait3A_1167 = tpu.memref_squeeze %dma_wait3A_1166 : memref<1x8x64xf32, #tpu.memory_space<vmem>> -> memref<8x64xf32, #tpu.memory_space<vmem>>
      %dma_wait3A_1168 = arith.constant 0 : i32
      %dma_wait3A_1169 = tpu.memref_slice %arg5[%multiple_of3A_463, %dma_wait3A_1168] : memref<100000x64xf32, #tpu.memory_space<hbm>> -> memref<8x64xf32, #tpu.memory_space<hbm>>
      tpu.wait_dma2 semaphore(%arg18 : memref<!tpu.dma_semaphore, #tpu.memory_space<semaphore_mem>>) src(%dma_wait3A_1169 : memref<8x64xf32, #tpu.memory_space<hbm>>) dst(%dma_wait3A_1167 : memref<8x64xf32, #tpu.memory_space<vmem>>)
      %dma_wait3A_1170 = arith.constant 8 : i32
      %dma_wait3A_1171 = arith.constant 0 : i32
      %dma_wait3A_1172 = arith.constant 0 : i32
      %dma_wait3A_1173 = tpu.memref_slice %arg12[%dma_wait3A_1170, %dma_wait3A_1171, %dma_wait3A_1172] : memref<16x8x64xf32, #tpu.memory_space<vmem>> -> memref<1x8x64xf32, #tpu.memory_space<vmem>>
      %dma_wait3A_1174 = tpu.memref_squeeze %dma_wait3A_1173 : memref<1x8x64xf32, #tpu.memory_space<vmem>> -> memref<8x64xf32, #tpu.memory_space<vmem>>
      %dma_wait3A_1175 = arith.constant 0 : i32
      %dma_wait3A_1176 = tpu.memref_slice %arg4[%multiple_of3A_518, %dma_wait3A_1175] : memref<1000000x64xf32, #tpu.memory_space<hbm>> -> memref<8x64xf32, #tpu.memory_space<hbm>>
      %dma_wait3A_1177 = arith.constant 0 : i32
      %dma_wait3A_1178 = arith.constant 0 : i32
      %dma_wait3A_1179 = tpu.memref_slice %arg12[%dma_wait3A_1170, %dma_wait3A_1177, %dma_wait3A_1178] : memref<16x8x64xf32, #tpu.memory_space<vmem>> -> memref<1x8x64xf32, #tpu.memory_space<vmem>>
      %dma_wait3A_1180 = tpu.memref_squeeze %dma_wait3A_1179 : memref<1x8x64xf32, #tpu.memory_space<vmem>> -> memref<8x64xf32, #tpu.memory_space<vmem>>
      %dma_wait3A_1181 = arith.constant 0 : i32
      %dma_wait3A_1182 = tpu.memref_slice %arg4[%multiple_of3A_518, %dma_wait3A_1181] : memref<1000000x64xf32, #tpu.memory_space<hbm>> -> memref<8x64xf32, #tpu.memory_space<hbm>>
      tpu.wait_dma2 semaphore(%arg18 : memref<!tpu.dma_semaphore, #tpu.memory_space<semaphore_mem>>) src(%dma_wait3A_1182 : memref<8x64xf32, #tpu.memory_space<hbm>>) dst(%dma_wait3A_1180 : memref<8x64xf32, #tpu.memory_space<vmem>>)
      %dma_wait3A_1183 = arith.constant 8 : i32
      %dma_wait3A_1184 = arith.constant 0 : i32
      %dma_wait3A_1185 = arith.constant 0 : i32
      %dma_wait3A_1186 = tpu.memref_slice %arg13[%dma_wait3A_1183, %dma_wait3A_1184, %dma_wait3A_1185] : memref<16x8x64xf32, #tpu.memory_space<vmem>> -> memref<1x8x64xf32, #tpu.memory_space<vmem>>
      %dma_wait3A_1187 = tpu.memref_squeeze %dma_wait3A_1186 : memref<1x8x64xf32, #tpu.memory_space<vmem>> -> memref<8x64xf32, #tpu.memory_space<vmem>>
      %dma_wait3A_1188 = arith.constant 0 : i32
      %dma_wait3A_1189 = tpu.memref_slice %arg5[%multiple_of3A_522, %dma_wait3A_1188] : memref<100000x64xf32, #tpu.memory_space<hbm>> -> memref<8x64xf32, #tpu.memory_space<hbm>>
      %dma_wait3A_1190 = arith.constant 0 : i32
      %dma_wait3A_1191 = arith.constant 0 : i32
      %dma_wait3A_1192 = tpu.memref_slice %arg13[%dma_wait3A_1183, %dma_wait3A_1190, %dma_wait3A_1191] : memref<16x8x64xf32, #tpu.memory_space<vmem>> -> memref<1x8x64xf32, #tpu.memory_space<vmem>>
      %dma_wait3A_1193 = tpu.memref_squeeze %dma_wait3A_1192 : memref<1x8x64xf32, #tpu.memory_space<vmem>> -> memref<8x64xf32, #tpu.memory_space<vmem>>
      %dma_wait3A_1194 = arith.constant 0 : i32
      %dma_wait3A_1195 = tpu.memref_slice %arg5[%multiple_of3A_522, %dma_wait3A_1194] : memref<100000x64xf32, #tpu.memory_space<hbm>> -> memref<8x64xf32, #tpu.memory_space<hbm>>
      tpu.wait_dma2 semaphore(%arg18 : memref<!tpu.dma_semaphore, #tpu.memory_space<semaphore_mem>>) src(%dma_wait3A_1195 : memref<8x64xf32, #tpu.memory_space<hbm>>) dst(%dma_wait3A_1193 : memref<8x64xf32, #tpu.memory_space<vmem>>)
      %dma_wait3A_1196 = arith.constant 9 : i32
      %dma_wait3A_1197 = arith.constant 0 : i32
      %dma_wait3A_1198 = arith.constant 0 : i32
      %dma_wait3A_1199 = tpu.memref_slice %arg12[%dma_wait3A_1196, %dma_wait3A_1197, %dma_wait3A_1198] : memref<16x8x64xf32, #tpu.memory_space<vmem>> -> memref<1x8x64xf32, #tpu.memory_space<vmem>>
      %dma_wait3A_1200 = tpu.memref_squeeze %dma_wait3A_1199 : memref<1x8x64xf32, #tpu.memory_space<vmem>> -> memref<8x64xf32, #tpu.memory_space<vmem>>
      %dma_wait3A_1201 = arith.constant 0 : i32
      %dma_wait3A_1202 = tpu.memref_slice %arg4[%multiple_of3A_577, %dma_wait3A_1201] : memref<1000000x64xf32, #tpu.memory_space<hbm>> -> memref<8x64xf32, #tpu.memory_space<hbm>>
      %dma_wait3A_1203 = arith.constant 0 : i32
      %dma_wait3A_1204 = arith.constant 0 : i32
      %dma_wait3A_1205 = tpu.memref_slice %arg12[%dma_wait3A_1196, %dma_wait3A_1203, %dma_wait3A_1204] : memref<16x8x64xf32, #tpu.memory_space<vmem>> -> memref<1x8x64xf32, #tpu.memory_space<vmem>>
      %dma_wait3A_1206 = tpu.memref_squeeze %dma_wait3A_1205 : memref<1x8x64xf32, #tpu.memory_space<vmem>> -> memref<8x64xf32, #tpu.memory_space<vmem>>
      %dma_wait3A_1207 = arith.constant 0 : i32
      %dma_wait3A_1208 = tpu.memref_slice %arg4[%multiple_of3A_577, %dma_wait3A_1207] : memref<1000000x64xf32, #tpu.memory_space<hbm>> -> memref<8x64xf32, #tpu.memory_space<hbm>>
      tpu.wait_dma2 semaphore(%arg18 : memref<!tpu.dma_semaphore, #tpu.memory_space<semaphore_mem>>) src(%dma_wait3A_1208 : memref<8x64xf32, #tpu.memory_space<hbm>>) dst(%dma_wait3A_1206 : memref<8x64xf32, #tpu.memory_space<vmem>>)
      %dma_wait3A_1209 = arith.constant 9 : i32
      %dma_wait3A_1210 = arith.constant 0 : i32
      %dma_wait3A_1211 = arith.constant 0 : i32
      %dma_wait3A_1212 = tpu.memref_slice %arg13[%dma_wait3A_1209, %dma_wait3A_1210, %dma_wait3A_1211] : memref<16x8x64xf32, #tpu.memory_space<vmem>> -> memref<1x8x64xf32, #tpu.memory_space<vmem>>
      %dma_wait3A_1213 = tpu.memref_squeeze %dma_wait3A_1212 : memref<1x8x64xf32, #tpu.memory_space<vmem>> -> memref<8x64xf32, #tpu.memory_space<vmem>>
      %dma_wait3A_1214 = arith.constant 0 : i32
      %dma_wait3A_1215 = tpu.memref_slice %arg5[%multiple_of3A_581, %dma_wait3A_1214] : memref<100000x64xf32, #tpu.memory_space<hbm>> -> memref<8x64xf32, #tpu.memory_space<hbm>>
      %dma_wait3A_1216 = arith.constant 0 : i32
      %dma_wait3A_1217 = arith.constant 0 : i32
      %dma_wait3A_1218 = tpu.memref_slice %arg13[%dma_wait3A_1209, %dma_wait3A_1216, %dma_wait3A_1217] : memref<16x8x64xf32, #tpu.memory_space<vmem>> -> memref<1x8x64xf32, #tpu.memory_space<vmem>>
      %dma_wait3A_1219 = tpu.memref_squeeze %dma_wait3A_1218 : memref<1x8x64xf32, #tpu.memory_space<vmem>> -> memref<8x64xf32, #tpu.memory_space<vmem>>
      %dma_wait3A_1220 = arith.constant 0 : i32
      %dma_wait3A_1221 = tpu.memref_slice %arg5[%multiple_of3A_581, %dma_wait3A_1220] : memref<100000x64xf32, #tpu.memory_space<hbm>> -> memref<8x64xf32, #tpu.memory_space<hbm>>
      tpu.wait_dma2 semaphore(%arg18 : memref<!tpu.dma_semaphore, #tpu.memory_space<semaphore_mem>>) src(%dma_wait3A_1221 : memref<8x64xf32, #tpu.memory_space<hbm>>) dst(%dma_wait3A_1219 : memref<8x64xf32, #tpu.memory_space<vmem>>)
      %dma_wait3A_1222 = arith.constant 10 : i32
      %dma_wait3A_1223 = arith.constant 0 : i32
      %dma_wait3A_1224 = arith.constant 0 : i32
      %dma_wait3A_1225 = tpu.memref_slice %arg12[%dma_wait3A_1222, %dma_wait3A_1223, %dma_wait3A_1224] : memref<16x8x64xf32, #tpu.memory_space<vmem>> -> memref<1x8x64xf32, #tpu.memory_space<vmem>>
      %dma_wait3A_1226 = tpu.memref_squeeze %dma_wait3A_1225 : memref<1x8x64xf32, #tpu.memory_space<vmem>> -> memref<8x64xf32, #tpu.memory_space<vmem>>
      %dma_wait3A_1227 = arith.constant 0 : i32
      %dma_wait3A_1228 = tpu.memref_slice %arg4[%multiple_of3A_636, %dma_wait3A_1227] : memref<1000000x64xf32, #tpu.memory_space<hbm>> -> memref<8x64xf32, #tpu.memory_space<hbm>>
      %dma_wait3A_1229 = arith.constant 0 : i32
      %dma_wait3A_1230 = arith.constant 0 : i32
      %dma_wait3A_1231 = tpu.memref_slice %arg12[%dma_wait3A_1222, %dma_wait3A_1229, %dma_wait3A_1230] : memref<16x8x64xf32, #tpu.memory_space<vmem>> -> memref<1x8x64xf32, #tpu.memory_space<vmem>>
      %dma_wait3A_1232 = tpu.memref_squeeze %dma_wait3A_1231 : memref<1x8x64xf32, #tpu.memory_space<vmem>> -> memref<8x64xf32, #tpu.memory_space<vmem>>
      %dma_wait3A_1233 = arith.constant 0 : i32
      %dma_wait3A_1234 = tpu.memref_slice %arg4[%multiple_of3A_636, %dma_wait3A_1233] : memref<1000000x64xf32, #tpu.memory_space<hbm>> -> memref<8x64xf32, #tpu.memory_space<hbm>>
      tpu.wait_dma2 semaphore(%arg18 : memref<!tpu.dma_semaphore, #tpu.memory_space<semaphore_mem>>) src(%dma_wait3A_1234 : memref<8x64xf32, #tpu.memory_space<hbm>>) dst(%dma_wait3A_1232 : memref<8x64xf32, #tpu.memory_space<vmem>>)
      %dma_wait3A_1235 = arith.constant 10 : i32
      %dma_wait3A_1236 = arith.constant 0 : i32
      %dma_wait3A_1237 = arith.constant 0 : i32
      %dma_wait3A_1238 = tpu.memref_slice %arg13[%dma_wait3A_1235, %dma_wait3A_1236, %dma_wait3A_1237] : memref<16x8x64xf32, #tpu.memory_space<vmem>> -> memref<1x8x64xf32, #tpu.memory_space<vmem>>
      %dma_wait3A_1239 = tpu.memref_squeeze %dma_wait3A_1238 : memref<1x8x64xf32, #tpu.memory_space<vmem>> -> memref<8x64xf32, #tpu.memory_space<vmem>>
      %dma_wait3A_1240 = arith.constant 0 : i32
      %dma_wait3A_1241 = tpu.memref_slice %arg5[%multiple_of3A_640, %dma_wait3A_1240] : memref<100000x64xf32, #tpu.memory_space<hbm>> -> memref<8x64xf32, #tpu.memory_space<hbm>>
      %dma_wait3A_1242 = arith.constant 0 : i32
      %dma_wait3A_1243 = arith.constant 0 : i32
      %dma_wait3A_1244 = tpu.memref_slice %arg13[%dma_wait3A_1235, %dma_wait3A_1242, %dma_wait3A_1243] : memref<16x8x64xf32, #tpu.memory_space<vmem>> -> memref<1x8x64xf32, #tpu.memory_space<vmem>>
      %dma_wait3A_1245 = tpu.memref_squeeze %dma_wait3A_1244 : memref<1x8x64xf32, #tpu.memory_space<vmem>> -> memref<8x64xf32, #tpu.memory_space<vmem>>
      %dma_wait3A_1246 = arith.constant 0 : i32
      %dma_wait3A_1247 = tpu.memref_slice %arg5[%multiple_of3A_640, %dma_wait3A_1246] : memref<100000x64xf32, #tpu.memory_space<hbm>> -> memref<8x64xf32, #tpu.memory_space<hbm>>
      tpu.wait_dma2 semaphore(%arg18 : memref<!tpu.dma_semaphore, #tpu.memory_space<semaphore_mem>>) src(%dma_wait3A_1247 : memref<8x64xf32, #tpu.memory_space<hbm>>) dst(%dma_wait3A_1245 : memref<8x64xf32, #tpu.memory_space<vmem>>)
      %dma_wait3A_1248 = arith.constant 11 : i32
      %dma_wait3A_1249 = arith.constant 0 : i32
      %dma_wait3A_1250 = arith.constant 0 : i32
      %dma_wait3A_1251 = tpu.memref_slice %arg12[%dma_wait3A_1248, %dma_wait3A_1249, %dma_wait3A_1250] : memref<16x8x64xf32, #tpu.memory_space<vmem>> -> memref<1x8x64xf32, #tpu.memory_space<vmem>>
      %dma_wait3A_1252 = tpu.memref_squeeze %dma_wait3A_1251 : memref<1x8x64xf32, #tpu.memory_space<vmem>> -> memref<8x64xf32, #tpu.memory_space<vmem>>
      %dma_wait3A_1253 = arith.constant 0 : i32
      %dma_wait3A_1254 = tpu.memref_slice %arg4[%multiple_of3A_695, %dma_wait3A_1253] : memref<1000000x64xf32, #tpu.memory_space<hbm>> -> memref<8x64xf32, #tpu.memory_space<hbm>>
      %dma_wait3A_1255 = arith.constant 0 : i32
      %dma_wait3A_1256 = arith.constant 0 : i32
      %dma_wait3A_1257 = tpu.memref_slice %arg12[%dma_wait3A_1248, %dma_wait3A_1255, %dma_wait3A_1256] : memref<16x8x64xf32, #tpu.memory_space<vmem>> -> memref<1x8x64xf32, #tpu.memory_space<vmem>>
      %dma_wait3A_1258 = tpu.memref_squeeze %dma_wait3A_1257 : memref<1x8x64xf32, #tpu.memory_space<vmem>> -> memref<8x64xf32, #tpu.memory_space<vmem>>
      %dma_wait3A_1259 = arith.constant 0 : i32
      %dma_wait3A_1260 = tpu.memref_slice %arg4[%multiple_of3A_695, %dma_wait3A_1259] : memref<1000000x64xf32, #tpu.memory_space<hbm>> -> memref<8x64xf32, #tpu.memory_space<hbm>>
      tpu.wait_dma2 semaphore(%arg18 : memref<!tpu.dma_semaphore, #tpu.memory_space<semaphore_mem>>) src(%dma_wait3A_1260 : memref<8x64xf32, #tpu.memory_space<hbm>>) dst(%dma_wait3A_1258 : memref<8x64xf32, #tpu.memory_space<vmem>>)
      %dma_wait3A_1261 = arith.constant 11 : i32
      %dma_wait3A_1262 = arith.constant 0 : i32
      %dma_wait3A_1263 = arith.constant 0 : i32
      %dma_wait3A_1264 = tpu.memref_slice %arg13[%dma_wait3A_1261, %dma_wait3A_1262, %dma_wait3A_1263] : memref<16x8x64xf32, #tpu.memory_space<vmem>> -> memref<1x8x64xf32, #tpu.memory_space<vmem>>
      %dma_wait3A_1265 = tpu.memref_squeeze %dma_wait3A_1264 : memref<1x8x64xf32, #tpu.memory_space<vmem>> -> memref<8x64xf32, #tpu.memory_space<vmem>>
      %dma_wait3A_1266 = arith.constant 0 : i32
      %dma_wait3A_1267 = tpu.memref_slice %arg5[%multiple_of3A_699, %dma_wait3A_1266] : memref<100000x64xf32, #tpu.memory_space<hbm>> -> memref<8x64xf32, #tpu.memory_space<hbm>>
      %dma_wait3A_1268 = arith.constant 0 : i32
      %dma_wait3A_1269 = arith.constant 0 : i32
      %dma_wait3A_1270 = tpu.memref_slice %arg13[%dma_wait3A_1261, %dma_wait3A_1268, %dma_wait3A_1269] : memref<16x8x64xf32, #tpu.memory_space<vmem>> -> memref<1x8x64xf32, #tpu.memory_space<vmem>>
      %dma_wait3A_1271 = tpu.memref_squeeze %dma_wait3A_1270 : memref<1x8x64xf32, #tpu.memory_space<vmem>> -> memref<8x64xf32, #tpu.memory_space<vmem>>
      %dma_wait3A_1272 = arith.constant 0 : i32
      %dma_wait3A_1273 = tpu.memref_slice %arg5[%multiple_of3A_699, %dma_wait3A_1272] : memref<100000x64xf32, #tpu.memory_space<hbm>> -> memref<8x64xf32, #tpu.memory_space<hbm>>
      tpu.wait_dma2 semaphore(%arg18 : memref<!tpu.dma_semaphore, #tpu.memory_space<semaphore_mem>>) src(%dma_wait3A_1273 : memref<8x64xf32, #tpu.memory_space<hbm>>) dst(%dma_wait3A_1271 : memref<8x64xf32, #tpu.memory_space<vmem>>)
      %dma_wait3A_1274 = arith.constant 12 : i32
      %dma_wait3A_1275 = arith.constant 0 : i32
      %dma_wait3A_1276 = arith.constant 0 : i32
      %dma_wait3A_1277 = tpu.memref_slice %arg12[%dma_wait3A_1274, %dma_wait3A_1275, %dma_wait3A_1276] : memref<16x8x64xf32, #tpu.memory_space<vmem>> -> memref<1x8x64xf32, #tpu.memory_space<vmem>>
      %dma_wait3A_1278 = tpu.memref_squeeze %dma_wait3A_1277 : memref<1x8x64xf32, #tpu.memory_space<vmem>> -> memref<8x64xf32, #tpu.memory_space<vmem>>
      %dma_wait3A_1279 = arith.constant 0 : i32
      %dma_wait3A_1280 = tpu.memref_slice %arg4[%multiple_of3A_754, %dma_wait3A_1279] : memref<1000000x64xf32, #tpu.memory_space<hbm>> -> memref<8x64xf32, #tpu.memory_space<hbm>>
      %dma_wait3A_1281 = arith.constant 0 : i32
      %dma_wait3A_1282 = arith.constant 0 : i32
      %dma_wait3A_1283 = tpu.memref_slice %arg12[%dma_wait3A_1274, %dma_wait3A_1281, %dma_wait3A_1282] : memref<16x8x64xf32, #tpu.memory_space<vmem>> -> memref<1x8x64xf32, #tpu.memory_space<vmem>>
      %dma_wait3A_1284 = tpu.memref_squeeze %dma_wait3A_1283 : memref<1x8x64xf32, #tpu.memory_space<vmem>> -> memref<8x64xf32, #tpu.memory_space<vmem>>
      %dma_wait3A_1285 = arith.constant 0 : i32
      %dma_wait3A_1286 = tpu.memref_slice %arg4[%multiple_of3A_754, %dma_wait3A_1285] : memref<1000000x64xf32, #tpu.memory_space<hbm>> -> memref<8x64xf32, #tpu.memory_space<hbm>>
      tpu.wait_dma2 semaphore(%arg18 : memref<!tpu.dma_semaphore, #tpu.memory_space<semaphore_mem>>) src(%dma_wait3A_1286 : memref<8x64xf32, #tpu.memory_space<hbm>>) dst(%dma_wait3A_1284 : memref<8x64xf32, #tpu.memory_space<vmem>>)
      %dma_wait3A_1287 = arith.constant 12 : i32
      %dma_wait3A_1288 = arith.constant 0 : i32
      %dma_wait3A_1289 = arith.constant 0 : i32
      %dma_wait3A_1290 = tpu.memref_slice %arg13[%dma_wait3A_1287, %dma_wait3A_1288, %dma_wait3A_1289] : memref<16x8x64xf32, #tpu.memory_space<vmem>> -> memref<1x8x64xf32, #tpu.memory_space<vmem>>
      %dma_wait3A_1291 = tpu.memref_squeeze %dma_wait3A_1290 : memref<1x8x64xf32, #tpu.memory_space<vmem>> -> memref<8x64xf32, #tpu.memory_space<vmem>>
      %dma_wait3A_1292 = arith.constant 0 : i32
      %dma_wait3A_1293 = tpu.memref_slice %arg5[%multiple_of3A_758, %dma_wait3A_1292] : memref<100000x64xf32, #tpu.memory_space<hbm>> -> memref<8x64xf32, #tpu.memory_space<hbm>>
      %dma_wait3A_1294 = arith.constant 0 : i32
      %dma_wait3A_1295 = arith.constant 0 : i32
      %dma_wait3A_1296 = tpu.memref_slice %arg13[%dma_wait3A_1287, %dma_wait3A_1294, %dma_wait3A_1295] : memref<16x8x64xf32, #tpu.memory_space<vmem>> -> memref<1x8x64xf32, #tpu.memory_space<vmem>>
      %dma_wait3A_1297 = tpu.memref_squeeze %dma_wait3A_1296 : memref<1x8x64xf32, #tpu.memory_space<vmem>> -> memref<8x64xf32, #tpu.memory_space<vmem>>
      %dma_wait3A_1298 = arith.constant 0 : i32
      %dma_wait3A_1299 = tpu.memref_slice %arg5[%multiple_of3A_758, %dma_wait3A_1298] : memref<100000x64xf32, #tpu.memory_space<hbm>> -> memref<8x64xf32, #tpu.memory_space<hbm>>
      tpu.wait_dma2 semaphore(%arg18 : memref<!tpu.dma_semaphore, #tpu.memory_space<semaphore_mem>>) src(%dma_wait3A_1299 : memref<8x64xf32, #tpu.memory_space<hbm>>) dst(%dma_wait3A_1297 : memref<8x64xf32, #tpu.memory_space<vmem>>)
      %dma_wait3A_1300 = arith.constant 13 : i32
      %dma_wait3A_1301 = arith.constant 0 : i32
      %dma_wait3A_1302 = arith.constant 0 : i32
      %dma_wait3A_1303 = tpu.memref_slice %arg12[%dma_wait3A_1300, %dma_wait3A_1301, %dma_wait3A_1302] : memref<16x8x64xf32, #tpu.memory_space<vmem>> -> memref<1x8x64xf32, #tpu.memory_space<vmem>>
      %dma_wait3A_1304 = tpu.memref_squeeze %dma_wait3A_1303 : memref<1x8x64xf32, #tpu.memory_space<vmem>> -> memref<8x64xf32, #tpu.memory_space<vmem>>
      %dma_wait3A_1305 = arith.constant 0 : i32
      %dma_wait3A_1306 = tpu.memref_slice %arg4[%multiple_of3A_813, %dma_wait3A_1305] : memref<1000000x64xf32, #tpu.memory_space<hbm>> -> memref<8x64xf32, #tpu.memory_space<hbm>>
      %dma_wait3A_1307 = arith.constant 0 : i32
      %dma_wait3A_1308 = arith.constant 0 : i32
      %dma_wait3A_1309 = tpu.memref_slice %arg12[%dma_wait3A_1300, %dma_wait3A_1307, %dma_wait3A_1308] : memref<16x8x64xf32, #tpu.memory_space<vmem>> -> memref<1x8x64xf32, #tpu.memory_space<vmem>>
      %dma_wait3A_1310 = tpu.memref_squeeze %dma_wait3A_1309 : memref<1x8x64xf32, #tpu.memory_space<vmem>> -> memref<8x64xf32, #tpu.memory_space<vmem>>
      %dma_wait3A_1311 = arith.constant 0 : i32
      %dma_wait3A_1312 = tpu.memref_slice %arg4[%multiple_of3A_813, %dma_wait3A_1311] : memref<1000000x64xf32, #tpu.memory_space<hbm>> -> memref<8x64xf32, #tpu.memory_space<hbm>>
      tpu.wait_dma2 semaphore(%arg18 : memref<!tpu.dma_semaphore, #tpu.memory_space<semaphore_mem>>) src(%dma_wait3A_1312 : memref<8x64xf32, #tpu.memory_space<hbm>>) dst(%dma_wait3A_1310 : memref<8x64xf32, #tpu.memory_space<vmem>>)
      %dma_wait3A_1313 = arith.constant 13 : i32
      %dma_wait3A_1314 = arith.constant 0 : i32
      %dma_wait3A_1315 = arith.constant 0 : i32
      %dma_wait3A_1316 = tpu.memref_slice %arg13[%dma_wait3A_1313, %dma_wait3A_1314, %dma_wait3A_1315] : memref<16x8x64xf32, #tpu.memory_space<vmem>> -> memref<1x8x64xf32, #tpu.memory_space<vmem>>
      %dma_wait3A_1317 = tpu.memref_squeeze %dma_wait3A_1316 : memref<1x8x64xf32, #tpu.memory_space<vmem>> -> memref<8x64xf32, #tpu.memory_space<vmem>>
      %dma_wait3A_1318 = arith.constant 0 : i32
      %dma_wait3A_1319 = tpu.memref_slice %arg5[%multiple_of3A_817, %dma_wait3A_1318] : memref<100000x64xf32, #tpu.memory_space<hbm>> -> memref<8x64xf32, #tpu.memory_space<hbm>>
      %dma_wait3A_1320 = arith.constant 0 : i32
      %dma_wait3A_1321 = arith.constant 0 : i32
      %dma_wait3A_1322 = tpu.memref_slice %arg13[%dma_wait3A_1313, %dma_wait3A_1320, %dma_wait3A_1321] : memref<16x8x64xf32, #tpu.memory_space<vmem>> -> memref<1x8x64xf32, #tpu.memory_space<vmem>>
      %dma_wait3A_1323 = tpu.memref_squeeze %dma_wait3A_1322 : memref<1x8x64xf32, #tpu.memory_space<vmem>> -> memref<8x64xf32, #tpu.memory_space<vmem>>
      %dma_wait3A_1324 = arith.constant 0 : i32
      %dma_wait3A_1325 = tpu.memref_slice %arg5[%multiple_of3A_817, %dma_wait3A_1324] : memref<100000x64xf32, #tpu.memory_space<hbm>> -> memref<8x64xf32, #tpu.memory_space<hbm>>
      tpu.wait_dma2 semaphore(%arg18 : memref<!tpu.dma_semaphore, #tpu.memory_space<semaphore_mem>>) src(%dma_wait3A_1325 : memref<8x64xf32, #tpu.memory_space<hbm>>) dst(%dma_wait3A_1323 : memref<8x64xf32, #tpu.memory_space<vmem>>)
      %dma_wait3A_1326 = arith.constant 14 : i32
      %dma_wait3A_1327 = arith.constant 0 : i32
      %dma_wait3A_1328 = arith.constant 0 : i32
      %dma_wait3A_1329 = tpu.memref_slice %arg12[%dma_wait3A_1326, %dma_wait3A_1327, %dma_wait3A_1328] : memref<16x8x64xf32, #tpu.memory_space<vmem>> -> memref<1x8x64xf32, #tpu.memory_space<vmem>>
      %dma_wait3A_1330 = tpu.memref_squeeze %dma_wait3A_1329 : memref<1x8x64xf32, #tpu.memory_space<vmem>> -> memref<8x64xf32, #tpu.memory_space<vmem>>
      %dma_wait3A_1331 = arith.constant 0 : i32
      %dma_wait3A_1332 = tpu.memref_slice %arg4[%multiple_of3A_872, %dma_wait3A_1331] : memref<1000000x64xf32, #tpu.memory_space<hbm>> -> memref<8x64xf32, #tpu.memory_space<hbm>>
      %dma_wait3A_1333 = arith.constant 0 : i32
      %dma_wait3A_1334 = arith.constant 0 : i32
      %dma_wait3A_1335 = tpu.memref_slice %arg12[%dma_wait3A_1326, %dma_wait3A_1333, %dma_wait3A_1334] : memref<16x8x64xf32, #tpu.memory_space<vmem>> -> memref<1x8x64xf32, #tpu.memory_space<vmem>>
      %dma_wait3A_1336 = tpu.memref_squeeze %dma_wait3A_1335 : memref<1x8x64xf32, #tpu.memory_space<vmem>> -> memref<8x64xf32, #tpu.memory_space<vmem>>
      %dma_wait3A_1337 = arith.constant 0 : i32
      %dma_wait3A_1338 = tpu.memref_slice %arg4[%multiple_of3A_872, %dma_wait3A_1337] : memref<1000000x64xf32, #tpu.memory_space<hbm>> -> memref<8x64xf32, #tpu.memory_space<hbm>>
      tpu.wait_dma2 semaphore(%arg18 : memref<!tpu.dma_semaphore, #tpu.memory_space<semaphore_mem>>) src(%dma_wait3A_1338 : memref<8x64xf32, #tpu.memory_space<hbm>>) dst(%dma_wait3A_1336 : memref<8x64xf32, #tpu.memory_space<vmem>>)
      %dma_wait3A_1339 = arith.constant 14 : i32
      %dma_wait3A_1340 = arith.constant 0 : i32
      %dma_wait3A_1341 = arith.constant 0 : i32
      %dma_wait3A_1342 = tpu.memref_slice %arg13[%dma_wait3A_1339, %dma_wait3A_1340, %dma_wait3A_1341] : memref<16x8x64xf32, #tpu.memory_space<vmem>> -> memref<1x8x64xf32, #tpu.memory_space<vmem>>
      %dma_wait3A_1343 = tpu.memref_squeeze %dma_wait3A_1342 : memref<1x8x64xf32, #tpu.memory_space<vmem>> -> memref<8x64xf32, #tpu.memory_space<vmem>>
      %dma_wait3A_1344 = arith.constant 0 : i32
      %dma_wait3A_1345 = tpu.memref_slice %arg5[%multiple_of3A_876, %dma_wait3A_1344] : memref<100000x64xf32, #tpu.memory_space<hbm>> -> memref<8x64xf32, #tpu.memory_space<hbm>>
      %dma_wait3A_1346 = arith.constant 0 : i32
      %dma_wait3A_1347 = arith.constant 0 : i32
      %dma_wait3A_1348 = tpu.memref_slice %arg13[%dma_wait3A_1339, %dma_wait3A_1346, %dma_wait3A_1347] : memref<16x8x64xf32, #tpu.memory_space<vmem>> -> memref<1x8x64xf32, #tpu.memory_space<vmem>>
      %dma_wait3A_1349 = tpu.memref_squeeze %dma_wait3A_1348 : memref<1x8x64xf32, #tpu.memory_space<vmem>> -> memref<8x64xf32, #tpu.memory_space<vmem>>
      %dma_wait3A_1350 = arith.constant 0 : i32
      %dma_wait3A_1351 = tpu.memref_slice %arg5[%multiple_of3A_876, %dma_wait3A_1350] : memref<100000x64xf32, #tpu.memory_space<hbm>> -> memref<8x64xf32, #tpu.memory_space<hbm>>
      tpu.wait_dma2 semaphore(%arg18 : memref<!tpu.dma_semaphore, #tpu.memory_space<semaphore_mem>>) src(%dma_wait3A_1351 : memref<8x64xf32, #tpu.memory_space<hbm>>) dst(%dma_wait3A_1349 : memref<8x64xf32, #tpu.memory_space<vmem>>)
      %dma_wait3A_1352 = arith.constant 15 : i32
      %dma_wait3A_1353 = arith.constant 0 : i32
      %dma_wait3A_1354 = arith.constant 0 : i32
      %dma_wait3A_1355 = tpu.memref_slice %arg12[%dma_wait3A_1352, %dma_wait3A_1353, %dma_wait3A_1354] : memref<16x8x64xf32, #tpu.memory_space<vmem>> -> memref<1x8x64xf32, #tpu.memory_space<vmem>>
      %dma_wait3A_1356 = tpu.memref_squeeze %dma_wait3A_1355 : memref<1x8x64xf32, #tpu.memory_space<vmem>> -> memref<8x64xf32, #tpu.memory_space<vmem>>
      %dma_wait3A_1357 = arith.constant 0 : i32
      %dma_wait3A_1358 = tpu.memref_slice %arg4[%multiple_of3A_931, %dma_wait3A_1357] : memref<1000000x64xf32, #tpu.memory_space<hbm>> -> memref<8x64xf32, #tpu.memory_space<hbm>>
      %dma_wait3A_1359 = arith.constant 0 : i32
      %dma_wait3A_1360 = arith.constant 0 : i32
      %dma_wait3A_1361 = tpu.memref_slice %arg12[%dma_wait3A_1352, %dma_wait3A_1359, %dma_wait3A_1360] : memref<16x8x64xf32, #tpu.memory_space<vmem>> -> memref<1x8x64xf32, #tpu.memory_space<vmem>>
      %dma_wait3A_1362 = tpu.memref_squeeze %dma_wait3A_1361 : memref<1x8x64xf32, #tpu.memory_space<vmem>> -> memref<8x64xf32, #tpu.memory_space<vmem>>
      %dma_wait3A_1363 = arith.constant 0 : i32
      %dma_wait3A_1364 = tpu.memref_slice %arg4[%multiple_of3A_931, %dma_wait3A_1363] : memref<1000000x64xf32, #tpu.memory_space<hbm>> -> memref<8x64xf32, #tpu.memory_space<hbm>>
      tpu.wait_dma2 semaphore(%arg18 : memref<!tpu.dma_semaphore, #tpu.memory_space<semaphore_mem>>) src(%dma_wait3A_1364 : memref<8x64xf32, #tpu.memory_space<hbm>>) dst(%dma_wait3A_1362 : memref<8x64xf32, #tpu.memory_space<vmem>>)
      %dma_wait3A_1365 = arith.constant 15 : i32
      %dma_wait3A_1366 = arith.constant 0 : i32
      %dma_wait3A_1367 = arith.constant 0 : i32
      %dma_wait3A_1368 = tpu.memref_slice %arg13[%dma_wait3A_1365, %dma_wait3A_1366, %dma_wait3A_1367] : memref<16x8x64xf32, #tpu.memory_space<vmem>> -> memref<1x8x64xf32, #tpu.memory_space<vmem>>
      %dma_wait3A_1369 = tpu.memref_squeeze %dma_wait3A_1368 : memref<1x8x64xf32, #tpu.memory_space<vmem>> -> memref<8x64xf32, #tpu.memory_space<vmem>>
      %dma_wait3A_1370 = arith.constant 0 : i32
      %dma_wait3A_1371 = tpu.memref_slice %arg5[%multiple_of3A_935, %dma_wait3A_1370] : memref<100000x64xf32, #tpu.memory_space<hbm>> -> memref<8x64xf32, #tpu.memory_space<hbm>>
      %dma_wait3A_1372 = arith.constant 0 : i32
      %dma_wait3A_1373 = arith.constant 0 : i32
      %dma_wait3A_1374 = tpu.memref_slice %arg13[%dma_wait3A_1365, %dma_wait3A_1372, %dma_wait3A_1373] : memref<16x8x64xf32, #tpu.memory_space<vmem>> -> memref<1x8x64xf32, #tpu.memory_space<vmem>>
      %dma_wait3A_1375 = tpu.memref_squeeze %dma_wait3A_1374 : memref<1x8x64xf32, #tpu.memory_space<vmem>> -> memref<8x64xf32, #tpu.memory_space<vmem>>
      %dma_wait3A_1376 = arith.constant 0 : i32
      %dma_wait3A_1377 = tpu.memref_slice %arg5[%multiple_of3A_935, %dma_wait3A_1376] : memref<100000x64xf32, #tpu.memory_space<hbm>> -> memref<8x64xf32, #tpu.memory_space<hbm>>
      tpu.wait_dma2 semaphore(%arg18 : memref<!tpu.dma_semaphore, #tpu.memory_space<semaphore_mem>>) src(%dma_wait3A_1377 : memref<8x64xf32, #tpu.memory_space<hbm>>) dst(%dma_wait3A_1375 : memref<8x64xf32, #tpu.memory_space<vmem>>)
      %and3A_1378 = arith.andi %get3A_22, %broadcast_in_dim3A_10 : vector<16xi32>
      %and3A_1379 = arith.andi %get3A_24, %broadcast_in_dim3A_10 : vector<16xi32>
      %get3A_1380 = arith.index_cast %mul3A_20 : i32 to index
      %get3A_1381 = tpu.vector_load %arg14[%get3A_1380] {strides = array<i32>} : memref<512xf32, #tpu.memory_space<vmem>>, vector<16xf32>,
      %add3A_1382 = arith.addf %get3A_9, %get3A_1381 : vector<16xf32>
      %get3A_1383 = arith.index_cast %mul3A_20 : i32 to index
      %get3A_1384 = tpu.vector_load %arg15[%get3A_1383] {strides = array<i32>} : memref<512xf32, #tpu.memory_space<vmem>>, vector<16xf32>,
      %add3A_1385 = arith.addf %add3A_1382, %get3A_1384 : vector<16xf32>
      %broadcast_in_dim3A_1386 = arith.constant 0 : i32
      %broadcast_in_dim3A_1387 = vector.broadcast %broadcast_in_dim3A_1386 : i32 to vector<16xi32>
      %gather3A = tpu.vector_load_idx %arg12[%iota3A, %and3A_1378, %broadcast_in_dim3A_1387] : memref<16x8x64xf32, #tpu.memory_space<vmem>>[vector<16xi32>, vector<16xi32>, vector<16xi32>], vector<16xf32>,
      %gather3A_1388 = tpu.vector_load_idx %arg13[%iota3A, %and3A_1379, %broadcast_in_dim3A_1387] : memref<16x8x64xf32, #tpu.memory_space<vmem>>[vector<16xi32>, vector<16xi32>, vector<16xi32>], vector<16xf32>,
      %mul3A_1389 = arith.mulf %gather3A, %gather3A_1388 : vector<16xf32>
      %add3A_1390 = arith.addf %add3A_1385, %mul3A_1389 : vector<16xf32>
      %broadcast_in_dim3A_1391 = arith.constant 1 : i32
      %broadcast_in_dim3A_1392 = vector.broadcast %broadcast_in_dim3A_1391 : i32 to vector<16xi32>
      %gather3A_1393 = tpu.vector_load_idx %arg12[%iota3A, %and3A_1378, %broadcast_in_dim3A_1392] : memref<16x8x64xf32, #tpu.memory_space<vmem>>[vector<16xi32>, vector<16xi32>, vector<16xi32>], vector<16xf32>,
      %gather3A_1394 = tpu.vector_load_idx %arg13[%iota3A, %and3A_1379, %broadcast_in_dim3A_1392] : memref<16x8x64xf32, #tpu.memory_space<vmem>>[vector<16xi32>, vector<16xi32>, vector<16xi32>], vector<16xf32>,
      %mul3A_1395 = arith.mulf %gather3A_1393, %gather3A_1394 : vector<16xf32>
      %add3A_1396 = arith.addf %add3A_1390, %mul3A_1395 : vector<16xf32>
      %broadcast_in_dim3A_1397 = arith.constant 2 : i32
      %broadcast_in_dim3A_1398 = vector.broadcast %broadcast_in_dim3A_1397 : i32 to vector<16xi32>
      %gather3A_1399 = tpu.vector_load_idx %arg12[%iota3A, %and3A_1378, %broadcast_in_dim3A_1398] : memref<16x8x64xf32, #tpu.memory_space<vmem>>[vector<16xi32>, vector<16xi32>, vector<16xi32>], vector<16xf32>,
      %gather3A_1400 = tpu.vector_load_idx %arg13[%iota3A, %and3A_1379, %broadcast_in_dim3A_1398] : memref<16x8x64xf32, #tpu.memory_space<vmem>>[vector<16xi32>, vector<16xi32>, vector<16xi32>], vector<16xf32>,
      %mul3A_1401 = arith.mulf %gather3A_1399, %gather3A_1400 : vector<16xf32>
      %add3A_1402 = arith.addf %add3A_1396, %mul3A_1401 : vector<16xf32>
      %broadcast_in_dim3A_1403 = arith.constant 3 : i32
      %broadcast_in_dim3A_1404 = vector.broadcast %broadcast_in_dim3A_1403 : i32 to vector<16xi32>
      %gather3A_1405 = tpu.vector_load_idx %arg12[%iota3A, %and3A_1378, %broadcast_in_dim3A_1404] : memref<16x8x64xf32, #tpu.memory_space<vmem>>[vector<16xi32>, vector<16xi32>, vector<16xi32>], vector<16xf32>,
      %gather3A_1406 = tpu.vector_load_idx %arg13[%iota3A, %and3A_1379, %broadcast_in_dim3A_1404] : memref<16x8x64xf32, #tpu.memory_space<vmem>>[vector<16xi32>, vector<16xi32>, vector<16xi32>], vector<16xf32>,
      %mul3A_1407 = arith.mulf %gather3A_1405, %gather3A_1406 : vector<16xf32>
      %add3A_1408 = arith.addf %add3A_1402, %mul3A_1407 : vector<16xf32>
      %broadcast_in_dim3A_1409 = arith.constant 4 : i32
      %broadcast_in_dim3A_1410 = vector.broadcast %broadcast_in_dim3A_1409 : i32 to vector<16xi32>
      %gather3A_1411 = tpu.vector_load_idx %arg12[%iota3A, %and3A_1378, %broadcast_in_dim3A_1410] : memref<16x8x64xf32, #tpu.memory_space<vmem>>[vector<16xi32>, vector<16xi32>, vector<16xi32>], vector<16xf32>,
      %gather3A_1412 = tpu.vector_load_idx %arg13[%iota3A, %and3A_1379, %broadcast_in_dim3A_1410] : memref<16x8x64xf32, #tpu.memory_space<vmem>>[vector<16xi32>, vector<16xi32>, vector<16xi32>], vector<16xf32>,
      %mul3A_1413 = arith.mulf %gather3A_1411, %gather3A_1412 : vector<16xf32>
      %add3A_1414 = arith.addf %add3A_1408, %mul3A_1413 : vector<16xf32>
      %broadcast_in_dim3A_1415 = arith.constant 5 : i32
      %broadcast_in_dim3A_1416 = vector.broadcast %broadcast_in_dim3A_1415 : i32 to vector<16xi32>
      %gather3A_1417 = tpu.vector_load_idx %arg12[%iota3A, %and3A_1378, %broadcast_in_dim3A_1416] : memref<16x8x64xf32, #tpu.memory_space<vmem>>[vector<16xi32>, vector<16xi32>, vector<16xi32>], vector<16xf32>,
      %gather3A_1418 = tpu.vector_load_idx %arg13[%iota3A, %and3A_1379, %broadcast_in_dim3A_1416] : memref<16x8x64xf32, #tpu.memory_space<vmem>>[vector<16xi32>, vector<16xi32>, vector<16xi32>], vector<16xf32>,
      %mul3A_1419 = arith.mulf %gather3A_1417, %gather3A_1418 : vector<16xf32>
      %add3A_1420 = arith.addf %add3A_1414, %mul3A_1419 : vector<16xf32>
      %broadcast_in_dim3A_1421 = arith.constant 6 : i32
      %broadcast_in_dim3A_1422 = vector.broadcast %broadcast_in_dim3A_1421 : i32 to vector<16xi32>
      %gather3A_1423 = tpu.vector_load_idx %arg12[%iota3A, %and3A_1378, %broadcast_in_dim3A_1422] : memref<16x8x64xf32, #tpu.memory_space<vmem>>[vector<16xi32>, vector<16xi32>, vector<16xi32>], vector<16xf32>,
      %gather3A_1424 = tpu.vector_load_idx %arg13[%iota3A, %and3A_1379, %broadcast_in_dim3A_1422] : memref<16x8x64xf32, #tpu.memory_space<vmem>>[vector<16xi32>, vector<16xi32>, vector<16xi32>], vector<16xf32>,
      %mul3A_1425 = arith.mulf %gather3A_1423, %gather3A_1424 : vector<16xf32>
      %add3A_1426 = arith.addf %add3A_1420, %mul3A_1425 : vector<16xf32>
      %broadcast_in_dim3A_1427 = arith.constant 7 : i32
      %broadcast_in_dim3A_1428 = vector.broadcast %broadcast_in_dim3A_1427 : i32 to vector<16xi32>
      %gather3A_1429 = tpu.vector_load_idx %arg12[%iota3A, %and3A_1378, %broadcast_in_dim3A_1428] : memref<16x8x64xf32, #tpu.memory_space<vmem>>[vector<16xi32>, vector<16xi32>, vector<16xi32>], vector<16xf32>,
      %gather3A_1430 = tpu.vector_load_idx %arg13[%iota3A, %and3A_1379, %broadcast_in_dim3A_1428] : memref<16x8x64xf32, #tpu.memory_space<vmem>>[vector<16xi32>, vector<16xi32>, vector<16xi32>], vector<16xf32>,
      %mul3A_1431 = arith.mulf %gather3A_1429, %gather3A_1430 : vector<16xf32>
      %add3A_1432 = arith.addf %add3A_1426, %mul3A_1431 : vector<16xf32>
      %broadcast_in_dim3A_1433 = arith.constant 8 : i32
      %broadcast_in_dim3A_1434 = vector.broadcast %broadcast_in_dim3A_1433 : i32 to vector<16xi32>
      %gather3A_1435 = tpu.vector_load_idx %arg12[%iota3A, %and3A_1378, %broadcast_in_dim3A_1434] : memref<16x8x64xf32, #tpu.memory_space<vmem>>[vector<16xi32>, vector<16xi32>, vector<16xi32>], vector<16xf32>,
      %gather3A_1436 = tpu.vector_load_idx %arg13[%iota3A, %and3A_1379, %broadcast_in_dim3A_1434] : memref<16x8x64xf32, #tpu.memory_space<vmem>>[vector<16xi32>, vector<16xi32>, vector<16xi32>], vector<16xf32>,
      %mul3A_1437 = arith.mulf %gather3A_1435, %gather3A_1436 : vector<16xf32>
      %add3A_1438 = arith.addf %add3A_1432, %mul3A_1437 : vector<16xf32>
      %broadcast_in_dim3A_1439 = arith.constant 9 : i32
      %broadcast_in_dim3A_1440 = vector.broadcast %broadcast_in_dim3A_1439 : i32 to vector<16xi32>
      %gather3A_1441 = tpu.vector_load_idx %arg12[%iota3A, %and3A_1378, %broadcast_in_dim3A_1440] : memref<16x8x64xf32, #tpu.memory_space<vmem>>[vector<16xi32>, vector<16xi32>, vector<16xi32>], vector<16xf32>,
      %gather3A_1442 = tpu.vector_load_idx %arg13[%iota3A, %and3A_1379, %broadcast_in_dim3A_1440] : memref<16x8x64xf32, #tpu.memory_space<vmem>>[vector<16xi32>, vector<16xi32>, vector<16xi32>], vector<16xf32>,
      %mul3A_1443 = arith.mulf %gather3A_1441, %gather3A_1442 : vector<16xf32>
      %add3A_1444 = arith.addf %add3A_1438, %mul3A_1443 : vector<16xf32>
      %broadcast_in_dim3A_1445 = arith.constant 10 : i32
      %broadcast_in_dim3A_1446 = vector.broadcast %broadcast_in_dim3A_1445 : i32 to vector<16xi32>
      %gather3A_1447 = tpu.vector_load_idx %arg12[%iota3A, %and3A_1378, %broadcast_in_dim3A_1446] : memref<16x8x64xf32, #tpu.memory_space<vmem>>[vector<16xi32>, vector<16xi32>, vector<16xi32>], vector<16xf32>,
      %gather3A_1448 = tpu.vector_load_idx %arg13[%iota3A, %and3A_1379, %broadcast_in_dim3A_1446] : memref<16x8x64xf32, #tpu.memory_space<vmem>>[vector<16xi32>, vector<16xi32>, vector<16xi32>], vector<16xf32>,
      %mul3A_1449 = arith.mulf %gather3A_1447, %gather3A_1448 : vector<16xf32>
      %add3A_1450 = arith.addf %add3A_1444, %mul3A_1449 : vector<16xf32>
      %broadcast_in_dim3A_1451 = arith.constant 11 : i32
      %broadcast_in_dim3A_1452 = vector.broadcast %broadcast_in_dim3A_1451 : i32 to vector<16xi32>
      %gather3A_1453 = tpu.vector_load_idx %arg12[%iota3A, %and3A_1378, %broadcast_in_dim3A_1452] : memref<16x8x64xf32, #tpu.memory_space<vmem>>[vector<16xi32>, vector<16xi32>, vector<16xi32>], vector<16xf32>,
      %gather3A_1454 = tpu.vector_load_idx %arg13[%iota3A, %and3A_1379, %broadcast_in_dim3A_1452] : memref<16x8x64xf32, #tpu.memory_space<vmem>>[vector<16xi32>, vector<16xi32>, vector<16xi32>], vector<16xf32>,
      %mul3A_1455 = arith.mulf %gather3A_1453, %gather3A_1454 : vector<16xf32>
      %add3A_1456 = arith.addf %add3A_1450, %mul3A_1455 : vector<16xf32>
      %broadcast_in_dim3A_1457 = arith.constant 12 : i32
      %broadcast_in_dim3A_1458 = vector.broadcast %broadcast_in_dim3A_1457 : i32 to vector<16xi32>
      %gather3A_1459 = tpu.vector_load_idx %arg12[%iota3A, %and3A_1378, %broadcast_in_dim3A_1458] : memref<16x8x64xf32, #tpu.memory_space<vmem>>[vector<16xi32>, vector<16xi32>, vector<16xi32>], vector<16xf32>,
      %gather3A_1460 = tpu.vector_load_idx %arg13[%iota3A, %and3A_1379, %broadcast_in_dim3A_1458] : memref<16x8x64xf32, #tpu.memory_space<vmem>>[vector<16xi32>, vector<16xi32>, vector<16xi32>], vector<16xf32>,
      %mul3A_1461 = arith.mulf %gather3A_1459, %gather3A_1460 : vector<16xf32>
      %add3A_1462 = arith.addf %add3A_1456, %mul3A_1461 : vector<16xf32>
      %broadcast_in_dim3A_1463 = arith.constant 13 : i32
      %broadcast_in_dim3A_1464 = vector.broadcast %broadcast_in_dim3A_1463 : i32 to vector<16xi32>
      %gather3A_1465 = tpu.vector_load_idx %arg12[%iota3A, %and3A_1378, %broadcast_in_dim3A_1464] : memref<16x8x64xf32, #tpu.memory_space<vmem>>[vector<16xi32>, vector<16xi32>, vector<16xi32>], vector<16xf32>,
      %gather3A_1466 = tpu.vector_load_idx %arg13[%iota3A, %and3A_1379, %broadcast_in_dim3A_1464] : memref<16x8x64xf32, #tpu.memory_space<vmem>>[vector<16xi32>, vector<16xi32>, vector<16xi32>], vector<16xf32>,
      %mul3A_1467 = arith.mulf %gather3A_1465, %gather3A_1466 : vector<16xf32>
      %add3A_1468 = arith.addf %add3A_1462, %mul3A_1467 : vector<16xf32>
      %broadcast_in_dim3A_1469 = arith.constant 14 : i32
      %broadcast_in_dim3A_1470 = vector.broadcast %broadcast_in_dim3A_1469 : i32 to vector<16xi32>
      %gather3A_1471 = tpu.vector_load_idx %arg12[%iota3A, %and3A_1378, %broadcast_in_dim3A_1470] : memref<16x8x64xf32, #tpu.memory_space<vmem>>[vector<16xi32>, vector<16xi32>, vector<16xi32>], vector<16xf32>,
      %gather3A_1472 = tpu.vector_load_idx %arg13[%iota3A, %and3A_1379, %broadcast_in_dim3A_1470] : memref<16x8x64xf32, #tpu.memory_space<vmem>>[vector<16xi32>, vector<16xi32>, vector<16xi32>], vector<16xf32>,
      %mul3A_1473 = arith.mulf %gather3A_1471, %gather3A_1472 : vector<16xf32>
      %add3A_1474 = arith.addf %add3A_1468, %mul3A_1473 : vector<16xf32>
      %broadcast_in_dim3A_1475 = arith.constant 15 : i32
      %broadcast_in_dim3A_1476 = vector.broadcast %broadcast_in_dim3A_1475 : i32 to vector<16xi32>
      %gather3A_1477 = tpu.vector_load_idx %arg12[%iota3A, %and3A_1378, %broadcast_in_dim3A_1476] : memref<16x8x64xf32, #tpu.memory_space<vmem>>[vector<16xi32>, vector<16xi32>, vector<16xi32>], vector<16xf32>,
      %gather3A_1478 = tpu.vector_load_idx %arg13[%iota3A, %and3A_1379, %broadcast_in_dim3A_1476] : memref<16x8x64xf32, #tpu.memory_space<vmem>>[vector<16xi32>, vector<16xi32>, vector<16xi32>], vector<16xf32>,
      %mul3A_1479 = arith.mulf %gather3A_1477, %gather3A_1478 : vector<16xf32>
      %add3A_1480 = arith.addf %add3A_1474, %mul3A_1479 : vector<16xf32>
      %broadcast_in_dim3A_1481 = arith.constant 16 : i32
      %broadcast_in_dim3A_1482 = vector.broadcast %broadcast_in_dim3A_1481 : i32 to vector<16xi32>
      %gather3A_1483 = tpu.vector_load_idx %arg12[%iota3A, %and3A_1378, %broadcast_in_dim3A_1482] : memref<16x8x64xf32, #tpu.memory_space<vmem>>[vector<16xi32>, vector<16xi32>, vector<16xi32>], vector<16xf32>,
      %gather3A_1484 = tpu.vector_load_idx %arg13[%iota3A, %and3A_1379, %broadcast_in_dim3A_1482] : memref<16x8x64xf32, #tpu.memory_space<vmem>>[vector<16xi32>, vector<16xi32>, vector<16xi32>], vector<16xf32>,
      %mul3A_1485 = arith.mulf %gather3A_1483, %gather3A_1484 : vector<16xf32>
      %add3A_1486 = arith.addf %add3A_1480, %mul3A_1485 : vector<16xf32>
      %broadcast_in_dim3A_1487 = arith.constant 17 : i32
      %broadcast_in_dim3A_1488 = vector.broadcast %broadcast_in_dim3A_1487 : i32 to vector<16xi32>
      %gather3A_1489 = tpu.vector_load_idx %arg12[%iota3A, %and3A_1378, %broadcast_in_dim3A_1488] : memref<16x8x64xf32, #tpu.memory_space<vmem>>[vector<16xi32>, vector<16xi32>, vector<16xi32>], vector<16xf32>,
      %gather3A_1490 = tpu.vector_load_idx %arg13[%iota3A, %and3A_1379, %broadcast_in_dim3A_1488] : memref<16x8x64xf32, #tpu.memory_space<vmem>>[vector<16xi32>, vector<16xi32>, vector<16xi32>], vector<16xf32>,
      %mul3A_1491 = arith.mulf %gather3A_1489, %gather3A_1490 : vector<16xf32>
      %add3A_1492 = arith.addf %add3A_1486, %mul3A_1491 : vector<16xf32>
      %broadcast_in_dim3A_1493 = arith.constant 18 : i32
      %broadcast_in_dim3A_1494 = vector.broadcast %broadcast_in_dim3A_1493 : i32 to vector<16xi32>
      %gather3A_1495 = tpu.vector_load_idx %arg12[%iota3A, %and3A_1378, %broadcast_in_dim3A_1494] : memref<16x8x64xf32, #tpu.memory_space<vmem>>[vector<16xi32>, vector<16xi32>, vector<16xi32>], vector<16xf32>,
      %gather3A_1496 = tpu.vector_load_idx %arg13[%iota3A, %and3A_1379, %broadcast_in_dim3A_1494] : memref<16x8x64xf32, #tpu.memory_space<vmem>>[vector<16xi32>, vector<16xi32>, vector<16xi32>], vector<16xf32>,
      %mul3A_1497 = arith.mulf %gather3A_1495, %gather3A_1496 : vector<16xf32>
      %add3A_1498 = arith.addf %add3A_1492, %mul3A_1497 : vector<16xf32>
      %broadcast_in_dim3A_1499 = arith.constant 19 : i32
      %broadcast_in_dim3A_1500 = vector.broadcast %broadcast_in_dim3A_1499 : i32 to vector<16xi32>
      %gather3A_1501 = tpu.vector_load_idx %arg12[%iota3A, %and3A_1378, %broadcast_in_dim3A_1500] : memref<16x8x64xf32, #tpu.memory_space<vmem>>[vector<16xi32>, vector<16xi32>, vector<16xi32>], vector<16xf32>,
      %gather3A_1502 = tpu.vector_load_idx %arg13[%iota3A, %and3A_1379, %broadcast_in_dim3A_1500] : memref<16x8x64xf32, #tpu.memory_space<vmem>>[vector<16xi32>, vector<16xi32>, vector<16xi32>], vector<16xf32>,
      %mul3A_1503 = arith.mulf %gather3A_1501, %gather3A_1502 : vector<16xf32>
      %add3A_1504 = arith.addf %add3A_1498, %mul3A_1503 : vector<16xf32>
      %broadcast_in_dim3A_1505 = arith.constant 20 : i32
      %broadcast_in_dim3A_1506 = vector.broadcast %broadcast_in_dim3A_1505 : i32 to vector<16xi32>
      %gather3A_1507 = tpu.vector_load_idx %arg12[%iota3A, %and3A_1378, %broadcast_in_dim3A_1506] : memref<16x8x64xf32, #tpu.memory_space<vmem>>[vector<16xi32>, vector<16xi32>, vector<16xi32>], vector<16xf32>,
      %gather3A_1508 = tpu.vector_load_idx %arg13[%iota3A, %and3A_1379, %broadcast_in_dim3A_1506] : memref<16x8x64xf32, #tpu.memory_space<vmem>>[vector<16xi32>, vector<16xi32>, vector<16xi32>], vector<16xf32>,
      %mul3A_1509 = arith.mulf %gather3A_1507, %gather3A_1508 : vector<16xf32>
      %add3A_1510 = arith.addf %add3A_1504, %mul3A_1509 : vector<16xf32>
      %broadcast_in_dim3A_1511 = arith.constant 21 : i32
      %broadcast_in_dim3A_1512 = vector.broadcast %broadcast_in_dim3A_1511 : i32 to vector<16xi32>
      %gather3A_1513 = tpu.vector_load_idx %arg12[%iota3A, %and3A_1378, %broadcast_in_dim3A_1512] : memref<16x8x64xf32, #tpu.memory_space<vmem>>[vector<16xi32>, vector<16xi32>, vector<16xi32>], vector<16xf32>,
      %gather3A_1514 = tpu.vector_load_idx %arg13[%iota3A, %and3A_1379, %broadcast_in_dim3A_1512] : memref<16x8x64xf32, #tpu.memory_space<vmem>>[vector<16xi32>, vector<16xi32>, vector<16xi32>], vector<16xf32>,
      %mul3A_1515 = arith.mulf %gather3A_1513, %gather3A_1514 : vector<16xf32>
      %add3A_1516 = arith.addf %add3A_1510, %mul3A_1515 : vector<16xf32>
      %broadcast_in_dim3A_1517 = arith.constant 22 : i32
      %broadcast_in_dim3A_1518 = vector.broadcast %broadcast_in_dim3A_1517 : i32 to vector<16xi32>
      %gather3A_1519 = tpu.vector_load_idx %arg12[%iota3A, %and3A_1378, %broadcast_in_dim3A_1518] : memref<16x8x64xf32, #tpu.memory_space<vmem>>[vector<16xi32>, vector<16xi32>, vector<16xi32>], vector<16xf32>,
      %gather3A_1520 = tpu.vector_load_idx %arg13[%iota3A, %and3A_1379, %broadcast_in_dim3A_1518] : memref<16x8x64xf32, #tpu.memory_space<vmem>>[vector<16xi32>, vector<16xi32>, vector<16xi32>], vector<16xf32>,
      %mul3A_1521 = arith.mulf %gather3A_1519, %gather3A_1520 : vector<16xf32>
      %add3A_1522 = arith.addf %add3A_1516, %mul3A_1521 : vector<16xf32>
      %broadcast_in_dim3A_1523 = arith.constant 23 : i32
      %broadcast_in_dim3A_1524 = vector.broadcast %broadcast_in_dim3A_1523 : i32 to vector<16xi32>
      %gather3A_1525 = tpu.vector_load_idx %arg12[%iota3A, %and3A_1378, %broadcast_in_dim3A_1524] : memref<16x8x64xf32, #tpu.memory_space<vmem>>[vector<16xi32>, vector<16xi32>, vector<16xi32>], vector<16xf32>,
      %gather3A_1526 = tpu.vector_load_idx %arg13[%iota3A, %and3A_1379, %broadcast_in_dim3A_1524] : memref<16x8x64xf32, #tpu.memory_space<vmem>>[vector<16xi32>, vector<16xi32>, vector<16xi32>], vector<16xf32>,
      %mul3A_1527 = arith.mulf %gather3A_1525, %gather3A_1526 : vector<16xf32>
      %add3A_1528 = arith.addf %add3A_1522, %mul3A_1527 : vector<16xf32>
      %broadcast_in_dim3A_1529 = arith.constant 24 : i32
      %broadcast_in_dim3A_1530 = vector.broadcast %broadcast_in_dim3A_1529 : i32 to vector<16xi32>
      %gather3A_1531 = tpu.vector_load_idx %arg12[%iota3A, %and3A_1378, %broadcast_in_dim3A_1530] : memref<16x8x64xf32, #tpu.memory_space<vmem>>[vector<16xi32>, vector<16xi32>, vector<16xi32>], vector<16xf32>,
      %gather3A_1532 = tpu.vector_load_idx %arg13[%iota3A, %and3A_1379, %broadcast_in_dim3A_1530] : memref<16x8x64xf32, #tpu.memory_space<vmem>>[vector<16xi32>, vector<16xi32>, vector<16xi32>], vector<16xf32>,
      %mul3A_1533 = arith.mulf %gather3A_1531, %gather3A_1532 : vector<16xf32>
      %add3A_1534 = arith.addf %add3A_1528, %mul3A_1533 : vector<16xf32>
      %broadcast_in_dim3A_1535 = arith.constant 25 : i32
      %broadcast_in_dim3A_1536 = vector.broadcast %broadcast_in_dim3A_1535 : i32 to vector<16xi32>
      %gather3A_1537 = tpu.vector_load_idx %arg12[%iota3A, %and3A_1378, %broadcast_in_dim3A_1536] : memref<16x8x64xf32, #tpu.memory_space<vmem>>[vector<16xi32>, vector<16xi32>, vector<16xi32>], vector<16xf32>,
      %gather3A_1538 = tpu.vector_load_idx %arg13[%iota3A, %and3A_1379, %broadcast_in_dim3A_1536] : memref<16x8x64xf32, #tpu.memory_space<vmem>>[vector<16xi32>, vector<16xi32>, vector<16xi32>], vector<16xf32>,
      %mul3A_1539 = arith.mulf %gather3A_1537, %gather3A_1538 : vector<16xf32>
      %add3A_1540 = arith.addf %add3A_1534, %mul3A_1539 : vector<16xf32>
      %broadcast_in_dim3A_1541 = arith.constant 26 : i32
      %broadcast_in_dim3A_1542 = vector.broadcast %broadcast_in_dim3A_1541 : i32 to vector<16xi32>
      %gather3A_1543 = tpu.vector_load_idx %arg12[%iota3A, %and3A_1378, %broadcast_in_dim3A_1542] : memref<16x8x64xf32, #tpu.memory_space<vmem>>[vector<16xi32>, vector<16xi32>, vector<16xi32>], vector<16xf32>,
      %gather3A_1544 = tpu.vector_load_idx %arg13[%iota3A, %and3A_1379, %broadcast_in_dim3A_1542] : memref<16x8x64xf32, #tpu.memory_space<vmem>>[vector<16xi32>, vector<16xi32>, vector<16xi32>], vector<16xf32>,
      %mul3A_1545 = arith.mulf %gather3A_1543, %gather3A_1544 : vector<16xf32>
      %add3A_1546 = arith.addf %add3A_1540, %mul3A_1545 : vector<16xf32>
      %broadcast_in_dim3A_1547 = arith.constant 27 : i32
      %broadcast_in_dim3A_1548 = vector.broadcast %broadcast_in_dim3A_1547 : i32 to vector<16xi32>
      %gather3A_1549 = tpu.vector_load_idx %arg12[%iota3A, %and3A_1378, %broadcast_in_dim3A_1548] : memref<16x8x64xf32, #tpu.memory_space<vmem>>[vector<16xi32>, vector<16xi32>, vector<16xi32>], vector<16xf32>,
      %gather3A_1550 = tpu.vector_load_idx %arg13[%iota3A, %and3A_1379, %broadcast_in_dim3A_1548] : memref<16x8x64xf32, #tpu.memory_space<vmem>>[vector<16xi32>, vector<16xi32>, vector<16xi32>], vector<16xf32>,
      %mul3A_1551 = arith.mulf %gather3A_1549, %gather3A_1550 : vector<16xf32>
      %add3A_1552 = arith.addf %add3A_1546, %mul3A_1551 : vector<16xf32>
      %broadcast_in_dim3A_1553 = arith.constant 28 : i32
      %broadcast_in_dim3A_1554 = vector.broadcast %broadcast_in_dim3A_1553 : i32 to vector<16xi32>
      %gather3A_1555 = tpu.vector_load_idx %arg12[%iota3A, %and3A_1378, %broadcast_in_dim3A_1554] : memref<16x8x64xf32, #tpu.memory_space<vmem>>[vector<16xi32>, vector<16xi32>, vector<16xi32>], vector<16xf32>,
      %gather3A_1556 = tpu.vector_load_idx %arg13[%iota3A, %and3A_1379, %broadcast_in_dim3A_1554] : memref<16x8x64xf32, #tpu.memory_space<vmem>>[vector<16xi32>, vector<16xi32>, vector<16xi32>], vector<16xf32>,
      %mul3A_1557 = arith.mulf %gather3A_1555, %gather3A_1556 : vector<16xf32>
      %add3A_1558 = arith.addf %add3A_1552, %mul3A_1557 : vector<16xf32>
      %broadcast_in_dim3A_1559 = arith.constant 29 : i32
      %broadcast_in_dim3A_1560 = vector.broadcast %broadcast_in_dim3A_1559 : i32 to vector<16xi32>
      %gather3A_1561 = tpu.vector_load_idx %arg12[%iota3A, %and3A_1378, %broadcast_in_dim3A_1560] : memref<16x8x64xf32, #tpu.memory_space<vmem>>[vector<16xi32>, vector<16xi32>, vector<16xi32>], vector<16xf32>,
      %gather3A_1562 = tpu.vector_load_idx %arg13[%iota3A, %and3A_1379, %broadcast_in_dim3A_1560] : memref<16x8x64xf32, #tpu.memory_space<vmem>>[vector<16xi32>, vector<16xi32>, vector<16xi32>], vector<16xf32>,
      %mul3A_1563 = arith.mulf %gather3A_1561, %gather3A_1562 : vector<16xf32>
      %add3A_1564 = arith.addf %add3A_1558, %mul3A_1563 : vector<16xf32>
      %broadcast_in_dim3A_1565 = arith.constant 30 : i32
      %broadcast_in_dim3A_1566 = vector.broadcast %broadcast_in_dim3A_1565 : i32 to vector<16xi32>
      %gather3A_1567 = tpu.vector_load_idx %arg12[%iota3A, %and3A_1378, %broadcast_in_dim3A_1566] : memref<16x8x64xf32, #tpu.memory_space<vmem>>[vector<16xi32>, vector<16xi32>, vector<16xi32>], vector<16xf32>,
      %gather3A_1568 = tpu.vector_load_idx %arg13[%iota3A, %and3A_1379, %broadcast_in_dim3A_1566] : memref<16x8x64xf32, #tpu.memory_space<vmem>>[vector<16xi32>, vector<16xi32>, vector<16xi32>], vector<16xf32>,
      %mul3A_1569 = arith.mulf %gather3A_1567, %gather3A_1568 : vector<16xf32>
      %add3A_1570 = arith.addf %add3A_1564, %mul3A_1569 : vector<16xf32>
      %broadcast_in_dim3A_1571 = arith.constant 31 : i32
      %broadcast_in_dim3A_1572 = vector.broadcast %broadcast_in_dim3A_1571 : i32 to vector<16xi32>
      %gather3A_1573 = tpu.vector_load_idx %arg12[%iota3A, %and3A_1378, %broadcast_in_dim3A_1572] : memref<16x8x64xf32, #tpu.memory_space<vmem>>[vector<16xi32>, vector<16xi32>, vector<16xi32>], vector<16xf32>,
      %gather3A_1574 = tpu.vector_load_idx %arg13[%iota3A, %and3A_1379, %broadcast_in_dim3A_1572] : memref<16x8x64xf32, #tpu.memory_space<vmem>>[vector<16xi32>, vector<16xi32>, vector<16xi32>], vector<16xf32>,
      %mul3A_1575 = arith.mulf %gather3A_1573, %gather3A_1574 : vector<16xf32>
      %add3A_1576 = arith.addf %add3A_1570, %mul3A_1575 : vector<16xf32>
      %broadcast_in_dim3A_1577 = arith.constant 32 : i32
      %broadcast_in_dim3A_1578 = vector.broadcast %broadcast_in_dim3A_1577 : i32 to vector<16xi32>
      %gather3A_1579 = tpu.vector_load_idx %arg12[%iota3A, %and3A_1378, %broadcast_in_dim3A_1578] : memref<16x8x64xf32, #tpu.memory_space<vmem>>[vector<16xi32>, vector<16xi32>, vector<16xi32>], vector<16xf32>,
      %gather3A_1580 = tpu.vector_load_idx %arg13[%iota3A, %and3A_1379, %broadcast_in_dim3A_1578] : memref<16x8x64xf32, #tpu.memory_space<vmem>>[vector<16xi32>, vector<16xi32>, vector<16xi32>], vector<16xf32>,
      %mul3A_1581 = arith.mulf %gather3A_1579, %gather3A_1580 : vector<16xf32>
      %add3A_1582 = arith.addf %add3A_1576, %mul3A_1581 : vector<16xf32>
      %broadcast_in_dim3A_1583 = arith.constant 33 : i32
      %broadcast_in_dim3A_1584 = vector.broadcast %broadcast_in_dim3A_1583 : i32 to vector<16xi32>
      %gather3A_1585 = tpu.vector_load_idx %arg12[%iota3A, %and3A_1378, %broadcast_in_dim3A_1584] : memref<16x8x64xf32, #tpu.memory_space<vmem>>[vector<16xi32>, vector<16xi32>, vector<16xi32>], vector<16xf32>,
      %gather3A_1586 = tpu.vector_load_idx %arg13[%iota3A, %and3A_1379, %broadcast_in_dim3A_1584] : memref<16x8x64xf32, #tpu.memory_space<vmem>>[vector<16xi32>, vector<16xi32>, vector<16xi32>], vector<16xf32>,
      %mul3A_1587 = arith.mulf %gather3A_1585, %gather3A_1586 : vector<16xf32>
      %add3A_1588 = arith.addf %add3A_1582, %mul3A_1587 : vector<16xf32>
      %broadcast_in_dim3A_1589 = arith.constant 34 : i32
      %broadcast_in_dim3A_1590 = vector.broadcast %broadcast_in_dim3A_1589 : i32 to vector<16xi32>
      %gather3A_1591 = tpu.vector_load_idx %arg12[%iota3A, %and3A_1378, %broadcast_in_dim3A_1590] : memref<16x8x64xf32, #tpu.memory_space<vmem>>[vector<16xi32>, vector<16xi32>, vector<16xi32>], vector<16xf32>,
      %gather3A_1592 = tpu.vector_load_idx %arg13[%iota3A, %and3A_1379, %broadcast_in_dim3A_1590] : memref<16x8x64xf32, #tpu.memory_space<vmem>>[vector<16xi32>, vector<16xi32>, vector<16xi32>], vector<16xf32>,
      %mul3A_1593 = arith.mulf %gather3A_1591, %gather3A_1592 : vector<16xf32>
      %add3A_1594 = arith.addf %add3A_1588, %mul3A_1593 : vector<16xf32>
      %broadcast_in_dim3A_1595 = arith.constant 35 : i32
      %broadcast_in_dim3A_1596 = vector.broadcast %broadcast_in_dim3A_1595 : i32 to vector<16xi32>
      %gather3A_1597 = tpu.vector_load_idx %arg12[%iota3A, %and3A_1378, %broadcast_in_dim3A_1596] : memref<16x8x64xf32, #tpu.memory_space<vmem>>[vector<16xi32>, vector<16xi32>, vector<16xi32>], vector<16xf32>,
      %gather3A_1598 = tpu.vector_load_idx %arg13[%iota3A, %and3A_1379, %broadcast_in_dim3A_1596] : memref<16x8x64xf32, #tpu.memory_space<vmem>>[vector<16xi32>, vector<16xi32>, vector<16xi32>], vector<16xf32>,
      %mul3A_1599 = arith.mulf %gather3A_1597, %gather3A_1598 : vector<16xf32>
      %add3A_1600 = arith.addf %add3A_1594, %mul3A_1599 : vector<16xf32>
      %broadcast_in_dim3A_1601 = arith.constant 36 : i32
      %broadcast_in_dim3A_1602 = vector.broadcast %broadcast_in_dim3A_1601 : i32 to vector<16xi32>
      %gather3A_1603 = tpu.vector_load_idx %arg12[%iota3A, %and3A_1378, %broadcast_in_dim3A_1602] : memref<16x8x64xf32, #tpu.memory_space<vmem>>[vector<16xi32>, vector<16xi32>, vector<16xi32>], vector<16xf32>,
      %gather3A_1604 = tpu.vector_load_idx %arg13[%iota3A, %and3A_1379, %broadcast_in_dim3A_1602] : memref<16x8x64xf32, #tpu.memory_space<vmem>>[vector<16xi32>, vector<16xi32>, vector<16xi32>], vector<16xf32>,
      %mul3A_1605 = arith.mulf %gather3A_1603, %gather3A_1604 : vector<16xf32>
      %add3A_1606 = arith.addf %add3A_1600, %mul3A_1605 : vector<16xf32>
      %broadcast_in_dim3A_1607 = arith.constant 37 : i32
      %broadcast_in_dim3A_1608 = vector.broadcast %broadcast_in_dim3A_1607 : i32 to vector<16xi32>
      %gather3A_1609 = tpu.vector_load_idx %arg12[%iota3A, %and3A_1378, %broadcast_in_dim3A_1608] : memref<16x8x64xf32, #tpu.memory_space<vmem>>[vector<16xi32>, vector<16xi32>, vector<16xi32>], vector<16xf32>,
      %gather3A_1610 = tpu.vector_load_idx %arg13[%iota3A, %and3A_1379, %broadcast_in_dim3A_1608] : memref<16x8x64xf32, #tpu.memory_space<vmem>>[vector<16xi32>, vector<16xi32>, vector<16xi32>], vector<16xf32>,
      %mul3A_1611 = arith.mulf %gather3A_1609, %gather3A_1610 : vector<16xf32>
      %add3A_1612 = arith.addf %add3A_1606, %mul3A_1611 : vector<16xf32>
      %broadcast_in_dim3A_1613 = arith.constant 38 : i32
      %broadcast_in_dim3A_1614 = vector.broadcast %broadcast_in_dim3A_1613 : i32 to vector<16xi32>
      %gather3A_1615 = tpu.vector_load_idx %arg12[%iota3A, %and3A_1378, %broadcast_in_dim3A_1614] : memref<16x8x64xf32, #tpu.memory_space<vmem>>[vector<16xi32>, vector<16xi32>, vector<16xi32>], vector<16xf32>,
      %gather3A_1616 = tpu.vector_load_idx %arg13[%iota3A, %and3A_1379, %broadcast_in_dim3A_1614] : memref<16x8x64xf32, #tpu.memory_space<vmem>>[vector<16xi32>, vector<16xi32>, vector<16xi32>], vector<16xf32>,
      %mul3A_1617 = arith.mulf %gather3A_1615, %gather3A_1616 : vector<16xf32>
      %add3A_1618 = arith.addf %add3A_1612, %mul3A_1617 : vector<16xf32>
      %broadcast_in_dim3A_1619 = arith.constant 39 : i32
      %broadcast_in_dim3A_1620 = vector.broadcast %broadcast_in_dim3A_1619 : i32 to vector<16xi32>
      %gather3A_1621 = tpu.vector_load_idx %arg12[%iota3A, %and3A_1378, %broadcast_in_dim3A_1620] : memref<16x8x64xf32, #tpu.memory_space<vmem>>[vector<16xi32>, vector<16xi32>, vector<16xi32>], vector<16xf32>,
      %gather3A_1622 = tpu.vector_load_idx %arg13[%iota3A, %and3A_1379, %broadcast_in_dim3A_1620] : memref<16x8x64xf32, #tpu.memory_space<vmem>>[vector<16xi32>, vector<16xi32>, vector<16xi32>], vector<16xf32>,
      %mul3A_1623 = arith.mulf %gather3A_1621, %gather3A_1622 : vector<16xf32>
      %add3A_1624 = arith.addf %add3A_1618, %mul3A_1623 : vector<16xf32>
      %broadcast_in_dim3A_1625 = arith.constant 40 : i32
      %broadcast_in_dim3A_1626 = vector.broadcast %broadcast_in_dim3A_1625 : i32 to vector<16xi32>
      %gather3A_1627 = tpu.vector_load_idx %arg12[%iota3A, %and3A_1378, %broadcast_in_dim3A_1626] : memref<16x8x64xf32, #tpu.memory_space<vmem>>[vector<16xi32>, vector<16xi32>, vector<16xi32>], vector<16xf32>,
      %gather3A_1628 = tpu.vector_load_idx %arg13[%iota3A, %and3A_1379, %broadcast_in_dim3A_1626] : memref<16x8x64xf32, #tpu.memory_space<vmem>>[vector<16xi32>, vector<16xi32>, vector<16xi32>], vector<16xf32>,
      %mul3A_1629 = arith.mulf %gather3A_1627, %gather3A_1628 : vector<16xf32>
      %add3A_1630 = arith.addf %add3A_1624, %mul3A_1629 : vector<16xf32>
      %broadcast_in_dim3A_1631 = arith.constant 41 : i32
      %broadcast_in_dim3A_1632 = vector.broadcast %broadcast_in_dim3A_1631 : i32 to vector<16xi32>
      %gather3A_1633 = tpu.vector_load_idx %arg12[%iota3A, %and3A_1378, %broadcast_in_dim3A_1632] : memref<16x8x64xf32, #tpu.memory_space<vmem>>[vector<16xi32>, vector<16xi32>, vector<16xi32>], vector<16xf32>,
      %gather3A_1634 = tpu.vector_load_idx %arg13[%iota3A, %and3A_1379, %broadcast_in_dim3A_1632] : memref<16x8x64xf32, #tpu.memory_space<vmem>>[vector<16xi32>, vector<16xi32>, vector<16xi32>], vector<16xf32>,
      %mul3A_1635 = arith.mulf %gather3A_1633, %gather3A_1634 : vector<16xf32>
      %add3A_1636 = arith.addf %add3A_1630, %mul3A_1635 : vector<16xf32>
      %broadcast_in_dim3A_1637 = arith.constant 42 : i32
      %broadcast_in_dim3A_1638 = vector.broadcast %broadcast_in_dim3A_1637 : i32 to vector<16xi32>
      %gather3A_1639 = tpu.vector_load_idx %arg12[%iota3A, %and3A_1378, %broadcast_in_dim3A_1638] : memref<16x8x64xf32, #tpu.memory_space<vmem>>[vector<16xi32>, vector<16xi32>, vector<16xi32>], vector<16xf32>,
      %gather3A_1640 = tpu.vector_load_idx %arg13[%iota3A, %and3A_1379, %broadcast_in_dim3A_1638] : memref<16x8x64xf32, #tpu.memory_space<vmem>>[vector<16xi32>, vector<16xi32>, vector<16xi32>], vector<16xf32>,
      %mul3A_1641 = arith.mulf %gather3A_1639, %gather3A_1640 : vector<16xf32>
      %add3A_1642 = arith.addf %add3A_1636, %mul3A_1641 : vector<16xf32>
      %broadcast_in_dim3A_1643 = arith.constant 43 : i32
      %broadcast_in_dim3A_1644 = vector.broadcast %broadcast_in_dim3A_1643 : i32 to vector<16xi32>
      %gather3A_1645 = tpu.vector_load_idx %arg12[%iota3A, %and3A_1378, %broadcast_in_dim3A_1644] : memref<16x8x64xf32, #tpu.memory_space<vmem>>[vector<16xi32>, vector<16xi32>, vector<16xi32>], vector<16xf32>,
      %gather3A_1646 = tpu.vector_load_idx %arg13[%iota3A, %and3A_1379, %broadcast_in_dim3A_1644] : memref<16x8x64xf32, #tpu.memory_space<vmem>>[vector<16xi32>, vector<16xi32>, vector<16xi32>], vector<16xf32>,
      %mul3A_1647 = arith.mulf %gather3A_1645, %gather3A_1646 : vector<16xf32>
      %add3A_1648 = arith.addf %add3A_1642, %mul3A_1647 : vector<16xf32>
      %broadcast_in_dim3A_1649 = arith.constant 44 : i32
      %broadcast_in_dim3A_1650 = vector.broadcast %broadcast_in_dim3A_1649 : i32 to vector<16xi32>
      %gather3A_1651 = tpu.vector_load_idx %arg12[%iota3A, %and3A_1378, %broadcast_in_dim3A_1650] : memref<16x8x64xf32, #tpu.memory_space<vmem>>[vector<16xi32>, vector<16xi32>, vector<16xi32>], vector<16xf32>,
      %gather3A_1652 = tpu.vector_load_idx %arg13[%iota3A, %and3A_1379, %broadcast_in_dim3A_1650] : memref<16x8x64xf32, #tpu.memory_space<vmem>>[vector<16xi32>, vector<16xi32>, vector<16xi32>], vector<16xf32>,
      %mul3A_1653 = arith.mulf %gather3A_1651, %gather3A_1652 : vector<16xf32>
      %add3A_1654 = arith.addf %add3A_1648, %mul3A_1653 : vector<16xf32>
      %broadcast_in_dim3A_1655 = arith.constant 45 : i32
      %broadcast_in_dim3A_1656 = vector.broadcast %broadcast_in_dim3A_1655 : i32 to vector<16xi32>
      %gather3A_1657 = tpu.vector_load_idx %arg12[%iota3A, %and3A_1378, %broadcast_in_dim3A_1656] : memref<16x8x64xf32, #tpu.memory_space<vmem>>[vector<16xi32>, vector<16xi32>, vector<16xi32>], vector<16xf32>,
      %gather3A_1658 = tpu.vector_load_idx %arg13[%iota3A, %and3A_1379, %broadcast_in_dim3A_1656] : memref<16x8x64xf32, #tpu.memory_space<vmem>>[vector<16xi32>, vector<16xi32>, vector<16xi32>], vector<16xf32>,
      %mul3A_1659 = arith.mulf %gather3A_1657, %gather3A_1658 : vector<16xf32>
      %add3A_1660 = arith.addf %add3A_1654, %mul3A_1659 : vector<16xf32>
      %broadcast_in_dim3A_1661 = arith.constant 46 : i32
      %broadcast_in_dim3A_1662 = vector.broadcast %broadcast_in_dim3A_1661 : i32 to vector<16xi32>
      %gather3A_1663 = tpu.vector_load_idx %arg12[%iota3A, %and3A_1378, %broadcast_in_dim3A_1662] : memref<16x8x64xf32, #tpu.memory_space<vmem>>[vector<16xi32>, vector<16xi32>, vector<16xi32>], vector<16xf32>,
      %gather3A_1664 = tpu.vector_load_idx %arg13[%iota3A, %and3A_1379, %broadcast_in_dim3A_1662] : memref<16x8x64xf32, #tpu.memory_space<vmem>>[vector<16xi32>, vector<16xi32>, vector<16xi32>], vector<16xf32>,
      %mul3A_1665 = arith.mulf %gather3A_1663, %gather3A_1664 : vector<16xf32>
      %add3A_1666 = arith.addf %add3A_1660, %mul3A_1665 : vector<16xf32>
      %broadcast_in_dim3A_1667 = arith.constant 47 : i32
      %broadcast_in_dim3A_1668 = vector.broadcast %broadcast_in_dim3A_1667 : i32 to vector<16xi32>
      %gather3A_1669 = tpu.vector_load_idx %arg12[%iota3A, %and3A_1378, %broadcast_in_dim3A_1668] : memref<16x8x64xf32, #tpu.memory_space<vmem>>[vector<16xi32>, vector<16xi32>, vector<16xi32>], vector<16xf32>,
      %gather3A_1670 = tpu.vector_load_idx %arg13[%iota3A, %and3A_1379, %broadcast_in_dim3A_1668] : memref<16x8x64xf32, #tpu.memory_space<vmem>>[vector<16xi32>, vector<16xi32>, vector<16xi32>], vector<16xf32>,
      %mul3A_1671 = arith.mulf %gather3A_1669, %gather3A_1670 : vector<16xf32>
      %add3A_1672 = arith.addf %add3A_1666, %mul3A_1671 : vector<16xf32>
      %broadcast_in_dim3A_1673 = arith.constant 48 : i32
      %broadcast_in_dim3A_1674 = vector.broadcast %broadcast_in_dim3A_1673 : i32 to vector<16xi32>
      %gather3A_1675 = tpu.vector_load_idx %arg12[%iota3A, %and3A_1378, %broadcast_in_dim3A_1674] : memref<16x8x64xf32, #tpu.memory_space<vmem>>[vector<16xi32>, vector<16xi32>, vector<16xi32>], vector<16xf32>,
      %gather3A_1676 = tpu.vector_load_idx %arg13[%iota3A, %and3A_1379, %broadcast_in_dim3A_1674] : memref<16x8x64xf32, #tpu.memory_space<vmem>>[vector<16xi32>, vector<16xi32>, vector<16xi32>], vector<16xf32>,
      %mul3A_1677 = arith.mulf %gather3A_1675, %gather3A_1676 : vector<16xf32>
      %add3A_1678 = arith.addf %add3A_1672, %mul3A_1677 : vector<16xf32>
      %broadcast_in_dim3A_1679 = arith.constant 49 : i32
      %broadcast_in_dim3A_1680 = vector.broadcast %broadcast_in_dim3A_1679 : i32 to vector<16xi32>
      %gather3A_1681 = tpu.vector_load_idx %arg12[%iota3A, %and3A_1378, %broadcast_in_dim3A_1680] : memref<16x8x64xf32, #tpu.memory_space<vmem>>[vector<16xi32>, vector<16xi32>, vector<16xi32>], vector<16xf32>,
      %gather3A_1682 = tpu.vector_load_idx %arg13[%iota3A, %and3A_1379, %broadcast_in_dim3A_1680] : memref<16x8x64xf32, #tpu.memory_space<vmem>>[vector<16xi32>, vector<16xi32>, vector<16xi32>], vector<16xf32>,
      %mul3A_1683 = arith.mulf %gather3A_1681, %gather3A_1682 : vector<16xf32>
      %add3A_1684 = arith.addf %add3A_1678, %mul3A_1683 : vector<16xf32>
      %broadcast_in_dim3A_1685 = arith.constant 50 : i32
      %broadcast_in_dim3A_1686 = vector.broadcast %broadcast_in_dim3A_1685 : i32 to vector<16xi32>
      %gather3A_1687 = tpu.vector_load_idx %arg12[%iota3A, %and3A_1378, %broadcast_in_dim3A_1686] : memref<16x8x64xf32, #tpu.memory_space<vmem>>[vector<16xi32>, vector<16xi32>, vector<16xi32>], vector<16xf32>,
      %gather3A_1688 = tpu.vector_load_idx %arg13[%iota3A, %and3A_1379, %broadcast_in_dim3A_1686] : memref<16x8x64xf32, #tpu.memory_space<vmem>>[vector<16xi32>, vector<16xi32>, vector<16xi32>], vector<16xf32>,
      %mul3A_1689 = arith.mulf %gather3A_1687, %gather3A_1688 : vector<16xf32>
      %add3A_1690 = arith.addf %add3A_1684, %mul3A_1689 : vector<16xf32>
      %broadcast_in_dim3A_1691 = arith.constant 51 : i32
      %broadcast_in_dim3A_1692 = vector.broadcast %broadcast_in_dim3A_1691 : i32 to vector<16xi32>
      %gather3A_1693 = tpu.vector_load_idx %arg12[%iota3A, %and3A_1378, %broadcast_in_dim3A_1692] : memref<16x8x64xf32, #tpu.memory_space<vmem>>[vector<16xi32>, vector<16xi32>, vector<16xi32>], vector<16xf32>,
      %gather3A_1694 = tpu.vector_load_idx %arg13[%iota3A, %and3A_1379, %broadcast_in_dim3A_1692] : memref<16x8x64xf32, #tpu.memory_space<vmem>>[vector<16xi32>, vector<16xi32>, vector<16xi32>], vector<16xf32>,
      %mul3A_1695 = arith.mulf %gather3A_1693, %gather3A_1694 : vector<16xf32>
      %add3A_1696 = arith.addf %add3A_1690, %mul3A_1695 : vector<16xf32>
      %broadcast_in_dim3A_1697 = arith.constant 52 : i32
      %broadcast_in_dim3A_1698 = vector.broadcast %broadcast_in_dim3A_1697 : i32 to vector<16xi32>
      %gather3A_1699 = tpu.vector_load_idx %arg12[%iota3A, %and3A_1378, %broadcast_in_dim3A_1698] : memref<16x8x64xf32, #tpu.memory_space<vmem>>[vector<16xi32>, vector<16xi32>, vector<16xi32>], vector<16xf32>,
      %gather3A_1700 = tpu.vector_load_idx %arg13[%iota3A, %and3A_1379, %broadcast_in_dim3A_1698] : memref<16x8x64xf32, #tpu.memory_space<vmem>>[vector<16xi32>, vector<16xi32>, vector<16xi32>], vector<16xf32>,
      %mul3A_1701 = arith.mulf %gather3A_1699, %gather3A_1700 : vector<16xf32>
      %add3A_1702 = arith.addf %add3A_1696, %mul3A_1701 : vector<16xf32>
      %broadcast_in_dim3A_1703 = arith.constant 53 : i32
      %broadcast_in_dim3A_1704 = vector.broadcast %broadcast_in_dim3A_1703 : i32 to vector<16xi32>
      %gather3A_1705 = tpu.vector_load_idx %arg12[%iota3A, %and3A_1378, %broadcast_in_dim3A_1704] : memref<16x8x64xf32, #tpu.memory_space<vmem>>[vector<16xi32>, vector<16xi32>, vector<16xi32>], vector<16xf32>,
      %gather3A_1706 = tpu.vector_load_idx %arg13[%iota3A, %and3A_1379, %broadcast_in_dim3A_1704] : memref<16x8x64xf32, #tpu.memory_space<vmem>>[vector<16xi32>, vector<16xi32>, vector<16xi32>], vector<16xf32>,
      %mul3A_1707 = arith.mulf %gather3A_1705, %gather3A_1706 : vector<16xf32>
      %add3A_1708 = arith.addf %add3A_1702, %mul3A_1707 : vector<16xf32>
      %broadcast_in_dim3A_1709 = arith.constant 54 : i32
      %broadcast_in_dim3A_1710 = vector.broadcast %broadcast_in_dim3A_1709 : i32 to vector<16xi32>
      %gather3A_1711 = tpu.vector_load_idx %arg12[%iota3A, %and3A_1378, %broadcast_in_dim3A_1710] : memref<16x8x64xf32, #tpu.memory_space<vmem>>[vector<16xi32>, vector<16xi32>, vector<16xi32>], vector<16xf32>,
      %gather3A_1712 = tpu.vector_load_idx %arg13[%iota3A, %and3A_1379, %broadcast_in_dim3A_1710] : memref<16x8x64xf32, #tpu.memory_space<vmem>>[vector<16xi32>, vector<16xi32>, vector<16xi32>], vector<16xf32>,
      %mul3A_1713 = arith.mulf %gather3A_1711, %gather3A_1712 : vector<16xf32>
      %add3A_1714 = arith.addf %add3A_1708, %mul3A_1713 : vector<16xf32>
      %broadcast_in_dim3A_1715 = arith.constant 55 : i32
      %broadcast_in_dim3A_1716 = vector.broadcast %broadcast_in_dim3A_1715 : i32 to vector<16xi32>
      %gather3A_1717 = tpu.vector_load_idx %arg12[%iota3A, %and3A_1378, %broadcast_in_dim3A_1716] : memref<16x8x64xf32, #tpu.memory_space<vmem>>[vector<16xi32>, vector<16xi32>, vector<16xi32>], vector<16xf32>,
      %gather3A_1718 = tpu.vector_load_idx %arg13[%iota3A, %and3A_1379, %broadcast_in_dim3A_1716] : memref<16x8x64xf32, #tpu.memory_space<vmem>>[vector<16xi32>, vector<16xi32>, vector<16xi32>], vector<16xf32>,
      %mul3A_1719 = arith.mulf %gather3A_1717, %gather3A_1718 : vector<16xf32>
      %add3A_1720 = arith.addf %add3A_1714, %mul3A_1719 : vector<16xf32>
      %broadcast_in_dim3A_1721 = arith.constant 56 : i32
      %broadcast_in_dim3A_1722 = vector.broadcast %broadcast_in_dim3A_1721 : i32 to vector<16xi32>
      %gather3A_1723 = tpu.vector_load_idx %arg12[%iota3A, %and3A_1378, %broadcast_in_dim3A_1722] : memref<16x8x64xf32, #tpu.memory_space<vmem>>[vector<16xi32>, vector<16xi32>, vector<16xi32>], vector<16xf32>,
      %gather3A_1724 = tpu.vector_load_idx %arg13[%iota3A, %and3A_1379, %broadcast_in_dim3A_1722] : memref<16x8x64xf32, #tpu.memory_space<vmem>>[vector<16xi32>, vector<16xi32>, vector<16xi32>], vector<16xf32>,
      %mul3A_1725 = arith.mulf %gather3A_1723, %gather3A_1724 : vector<16xf32>
      %add3A_1726 = arith.addf %add3A_1720, %mul3A_1725 : vector<16xf32>
      %broadcast_in_dim3A_1727 = arith.constant 57 : i32
      %broadcast_in_dim3A_1728 = vector.broadcast %broadcast_in_dim3A_1727 : i32 to vector<16xi32>
      %gather3A_1729 = tpu.vector_load_idx %arg12[%iota3A, %and3A_1378, %broadcast_in_dim3A_1728] : memref<16x8x64xf32, #tpu.memory_space<vmem>>[vector<16xi32>, vector<16xi32>, vector<16xi32>], vector<16xf32>,
      %gather3A_1730 = tpu.vector_load_idx %arg13[%iota3A, %and3A_1379, %broadcast_in_dim3A_1728] : memref<16x8x64xf32, #tpu.memory_space<vmem>>[vector<16xi32>, vector<16xi32>, vector<16xi32>], vector<16xf32>,
      %mul3A_1731 = arith.mulf %gather3A_1729, %gather3A_1730 : vector<16xf32>
      %add3A_1732 = arith.addf %add3A_1726, %mul3A_1731 : vector<16xf32>
      %broadcast_in_dim3A_1733 = arith.constant 58 : i32
      %broadcast_in_dim3A_1734 = vector.broadcast %broadcast_in_dim3A_1733 : i32 to vector<16xi32>
      %gather3A_1735 = tpu.vector_load_idx %arg12[%iota3A, %and3A_1378, %broadcast_in_dim3A_1734] : memref<16x8x64xf32, #tpu.memory_space<vmem>>[vector<16xi32>, vector<16xi32>, vector<16xi32>], vector<16xf32>,
      %gather3A_1736 = tpu.vector_load_idx %arg13[%iota3A, %and3A_1379, %broadcast_in_dim3A_1734] : memref<16x8x64xf32, #tpu.memory_space<vmem>>[vector<16xi32>, vector<16xi32>, vector<16xi32>], vector<16xf32>,
      %mul3A_1737 = arith.mulf %gather3A_1735, %gather3A_1736 : vector<16xf32>
      %add3A_1738 = arith.addf %add3A_1732, %mul3A_1737 : vector<16xf32>
      %broadcast_in_dim3A_1739 = arith.constant 59 : i32
      %broadcast_in_dim3A_1740 = vector.broadcast %broadcast_in_dim3A_1739 : i32 to vector<16xi32>
      %gather3A_1741 = tpu.vector_load_idx %arg12[%iota3A, %and3A_1378, %broadcast_in_dim3A_1740] : memref<16x8x64xf32, #tpu.memory_space<vmem>>[vector<16xi32>, vector<16xi32>, vector<16xi32>], vector<16xf32>,
      %gather3A_1742 = tpu.vector_load_idx %arg13[%iota3A, %and3A_1379, %broadcast_in_dim3A_1740] : memref<16x8x64xf32, #tpu.memory_space<vmem>>[vector<16xi32>, vector<16xi32>, vector<16xi32>], vector<16xf32>,
      %mul3A_1743 = arith.mulf %gather3A_1741, %gather3A_1742 : vector<16xf32>
      %add3A_1744 = arith.addf %add3A_1738, %mul3A_1743 : vector<16xf32>
      %broadcast_in_dim3A_1745 = arith.constant 60 : i32
      %broadcast_in_dim3A_1746 = vector.broadcast %broadcast_in_dim3A_1745 : i32 to vector<16xi32>
      %gather3A_1747 = tpu.vector_load_idx %arg12[%iota3A, %and3A_1378, %broadcast_in_dim3A_1746] : memref<16x8x64xf32, #tpu.memory_space<vmem>>[vector<16xi32>, vector<16xi32>, vector<16xi32>], vector<16xf32>,
      %gather3A_1748 = tpu.vector_load_idx %arg13[%iota3A, %and3A_1379, %broadcast_in_dim3A_1746] : memref<16x8x64xf32, #tpu.memory_space<vmem>>[vector<16xi32>, vector<16xi32>, vector<16xi32>], vector<16xf32>,
      %mul3A_1749 = arith.mulf %gather3A_1747, %gather3A_1748 : vector<16xf32>
      %add3A_1750 = arith.addf %add3A_1744, %mul3A_1749 : vector<16xf32>
      %broadcast_in_dim3A_1751 = arith.constant 61 : i32
      %broadcast_in_dim3A_1752 = vector.broadcast %broadcast_in_dim3A_1751 : i32 to vector<16xi32>
      %gather3A_1753 = tpu.vector_load_idx %arg12[%iota3A, %and3A_1378, %broadcast_in_dim3A_1752] : memref<16x8x64xf32, #tpu.memory_space<vmem>>[vector<16xi32>, vector<16xi32>, vector<16xi32>], vector<16xf32>,
      %gather3A_1754 = tpu.vector_load_idx %arg13[%iota3A, %and3A_1379, %broadcast_in_dim3A_1752] : memref<16x8x64xf32, #tpu.memory_space<vmem>>[vector<16xi32>, vector<16xi32>, vector<16xi32>], vector<16xf32>,
      %mul3A_1755 = arith.mulf %gather3A_1753, %gather3A_1754 : vector<16xf32>
      %add3A_1756 = arith.addf %add3A_1750, %mul3A_1755 : vector<16xf32>
      %broadcast_in_dim3A_1757 = arith.constant 62 : i32
      %broadcast_in_dim3A_1758 = vector.broadcast %broadcast_in_dim3A_1757 : i32 to vector<16xi32>
      %gather3A_1759 = tpu.vector_load_idx %arg12[%iota3A, %and3A_1378, %broadcast_in_dim3A_1758] : memref<16x8x64xf32, #tpu.memory_space<vmem>>[vector<16xi32>, vector<16xi32>, vector<16xi32>], vector<16xf32>,
      %gather3A_1760 = tpu.vector_load_idx %arg13[%iota3A, %and3A_1379, %broadcast_in_dim3A_1758] : memref<16x8x64xf32, #tpu.memory_space<vmem>>[vector<16xi32>, vector<16xi32>, vector<16xi32>], vector<16xf32>,
      %mul3A_1761 = arith.mulf %gather3A_1759, %gather3A_1760 : vector<16xf32>
      %add3A_1762 = arith.addf %add3A_1756, %mul3A_1761 : vector<16xf32>
      %broadcast_in_dim3A_1763 = arith.constant 63 : i32
      %broadcast_in_dim3A_1764 = vector.broadcast %broadcast_in_dim3A_1763 : i32 to vector<16xi32>
      %gather3A_1765 = tpu.vector_load_idx %arg12[%iota3A, %and3A_1378, %broadcast_in_dim3A_1764] : memref<16x8x64xf32, #tpu.memory_space<vmem>>[vector<16xi32>, vector<16xi32>, vector<16xi32>], vector<16xf32>,
      %gather3A_1766 = tpu.vector_load_idx %arg13[%iota3A, %and3A_1379, %broadcast_in_dim3A_1764] : memref<16x8x64xf32, #tpu.memory_space<vmem>>[vector<16xi32>, vector<16xi32>, vector<16xi32>], vector<16xf32>,
      %mul3A_1767 = arith.mulf %gather3A_1765, %gather3A_1766 : vector<16xf32>
      %add3A_1768 = arith.addf %add3A_1762, %mul3A_1767 : vector<16xf32>
      %swap3A = arith.index_cast %mul3A_20 : i32 to index
      %swap3A_1769 = tpu.vector_load %arg17[%swap3A] {strides = array<i32>} : memref<512xf32, #tpu.memory_space<vmem>>, vector<16xf32>,
      tpu.vector_store %arg17[%swap3A], %add3A_1768 {strides = array<i32>} : memref<512xf32, #tpu.memory_space<vmem>>, vector<16xf32>,
      %scan3A_1770 = arith.constant 0 : i32
      scf.yield %scan3A_1770 : i32
    }
    %scan3A_16 = arith.constant 32 : i32
    "tpu.region"() ({
      %run_scoped3A = tpu.sem_alloc : memref<!tpu.dma_semaphore, #tpu.memory_space<semaphore_mem>>
      %dma_start3A_17 = tpu.memref_slice %arg9[%mul3A_2] : memref<16384xf32, #tpu.memory_space<hbm>> -> memref<512xf32, #tpu.memory_space<hbm>>
      %dma_start3A_18 = tpu.memref_slice %arg9[%mul3A_2] : memref<16384xf32, #tpu.memory_space<hbm>> -> memref<512xf32, #tpu.memory_space<hbm>>
      tpu.enqueue_dma source(%arg17 : memref<512xf32, #tpu.memory_space<vmem>>) target(%dma_start3A_18 : memref<512xf32, #tpu.memory_space<hbm>>) target_semaphore(%run_scoped3A : memref<!tpu.dma_semaphore, #tpu.memory_space<semaphore_mem>>)
      %dma_wait3A_19 = tpu.memref_slice %arg9[%mul3A_2] : memref<16384xf32, #tpu.memory_space<hbm>> -> memref<512xf32, #tpu.memory_space<hbm>>
      %dma_wait3A_20 = tpu.memref_slice %arg9[%mul3A_2] : memref<16384xf32, #tpu.memory_space<hbm>> -> memref<512xf32, #tpu.memory_space<hbm>>
      tpu.wait_dma2 semaphore(%run_scoped3A : memref<!tpu.dma_semaphore, #tpu.memory_space<semaphore_mem>>) src(%arg17 : memref<512xf32, #tpu.memory_space<vmem>>) dst(%dma_wait3A_20 : memref<512xf32, #tpu.memory_space<hbm>>)
      tpu.yield
    }) : () -> ()
    return
  }
}

</mosaic_0001>

<sc_bundles>
// kernel: gather_offload_async_start.1
scs
__scs_entry_jumppad:
0x0: {  	(pc) =	sbr.rel $0x88, $3  }
0x1: {  	(tag) =	ssettag $0x0;
	lr =	simm.s32 $0x1  }
0x2: {  	[smem:$0x3F9A] =	sst lr;
	_ =	strace $0xD0000000  }
0x3: {  	_ = 	snop  }
0x4: {  	_ = 	snop  }
0x5: {  	_ = 	snop  }
0x6: {  	_ = 	snop  }
0x7: {  	_ = 	snop  }
__scs_overlays_trampoline_lowered:
0x8: {  	[smem:$0x3FA9] =	sst s0  }
0x9: {  	[smem:$0x3FAA] =	sst s1  }
0xa: {  	[smem:$0x3FAB] =	sst s2  }
0xb: {  	[smem:$0x3FAC] =	sst s3  }
0xc: {  	[smem:$0x3FAD] =	sst s4  }
0xd: {  	[smem:$0x3FAE] =	sst s5  }
0xe: {  	[smem:$0x3FAF] =	sst s6  }
0xf: {  	[smem:$0x3FB0] =	sst s7  }
0x10: {  	[smem:$0x3FB1] =	sst s8  }
0x11: {  	[smem:$0x3FB2] =	sst s9;
	s0 =	simm.s32 @!p0 $0x0  }
0x12: {  	s1 =	sld [smem:$0x3F98];
	s0 =	simm.s32 @p0 $0x1  }
0x13: {  	[smem:$0x3FB3] =	sst s0;
	s0 =	simm.s32 @!p1 $0x0  }
0x14: {  	s2 =	sld [smem:$0x3F97];
	s0 =	simm.s32 @p1 $0x1  }
0x15: {  	[smem:$0x3FB4] =	sst s0;
	s0 =	simm.s32 @!p2 $0x0  }
0x16: {  	s3 =	sld [smem:$0x3FDB];
	s0 =	simm.s32 @p2 $0x1  }
0x17: {  	s4 =	simm.s32 $0x1BF5;
	[smem:$0x3FB6] =	sst s0  }
0x18: {  	s0 =	sld [smem:$0x3F99];
	_ =	swait.ge [sflag:s4], $0x0  }
0x19: {  	s7 =	sld [smem:$0x3F9A]  }
0x1a: {  	s8 =	sadd.s32 $0xFFFFE003, lr  }
0x1b: {  	s9 =	sadd.s32 $0xFFFFFEF7, lr;
	s5 =	simm.s32 $0xFFFFFFFF;
	p2 =	slt.u32 s8, $0xFFFFF086  }
0x1c: {  	p1 =	slt.u32 s9, $0xF7A;
	s5 =	simm.s32 @!p2 $0x0  }
0x1d: {  	s5 =	simm.s32 @p1 $0x1;
	p0 =	seq.s32 s7, s2  }
0x1e: {  	s7 =	smul.u32 @!p0 $0xF7A, s2;
	p2 =	seq.s32 @!p0 s5, $0x0  }
0x1f: {  	s9 =	smul.u32 $0xF7A, s1;
	s8 =	simm.s32 @!p0 $0x1BF5;
	p2 =	por !p2, p0  }
0x20: {  	[sflag:s8] =	ssyncset.s32 @!p0 $0xFFFFF086;
	s6 =	sadd.s32 @!p0 s3, s7;
	s7 =	simm.s32 @!p0 $0x108  }
0x21: {  	s3 =	sadd.s32 s3, s9;
	s6 =	sadd.s32 @!p0 $0x88, s6;
	s7 =	simm.s32 @p2 $0x1082  }
0x22: {  	[simem:s7], [sflag:s8] =	dma.local @!p0 [hbm:s6], $0xF7A  }
0x23: {  	s9 =	sor.u32 $0xD0000000, s2;
	s6 =	simm.s32 $0x108;
	_ =	swait.ge @!p0 [sflag:s8], $0x0  }
0x24: {  	s3 =	sadd.s32 $0x88, s3;
	s6 =	simm.s32 @!p1 $0x1082;
	[sflag:s4] =	ssyncset.s32 $0xFFFFF086  }
0x25: {  	[simem:s6], [sflag:s4] =	dma.local [hbm:s3], $0xF7A  }
0x26: {  	[smem:$0x3F9A] =	sst s1;
	(tag) =	ssettag s2;
	_ =	strace s9  }
0x27: {  	s1 =	sld [smem:$0x3FAA]  }
0x28: {  	s2 =	sld [smem:$0x3FAB]  }
0x29: {  	s4 =	sld [smem:$0x3FAD]  }
0x2a: {  	p0 =	seq.s32 s5, $0x0;
	s5 =	sld [smem:$0x3FAE]  }
0x2b: {  	s6 =	sld [smem:$0x3FAF]  }
0x2c: {  	s7 =	sld [smem:$0x3FB0]  }
0x2d: {  	s3 =	simm.s32 $0x108;
	s8 =	sld [smem:$0x3FB1]  }
0x2e: {  	s3 =	simm.s32 @!p0 $0x1082;
	s9 =	sld [smem:$0x3FB2]  }
0x2f: {  	lr =	sadd.s32 s0, s3;
	s0 =	sld [smem:$0x3FA9]  }
0x30: {  	s3 =	sld [smem:$0x3FAC]  }
0x31: {  	[smem:$0x3FB5] =	sst s10  }
0x32: {  	s10 =	sld [smem:$0x3FB3];
	_ =	sdelay $0x3  }
0x33: {  	p0 =	seq.s32 s10, $0x1;
	s10 =	sld [smem:$0x3FB5];
	_ =	sdelay $0x3  }
0x34: {  	[smem:$0x3FB5] =	sst s10  }
0x35: {  	s10 =	sld [smem:$0x3FB4];
	_ =	sdelay $0x3  }
0x36: {  	p1 =	seq.s32 s10, $0x1;
	s10 =	sld [smem:$0x3FB5];
	_ =	sdelay $0x3  }
0x37: {  	[smem:$0x3FB5] =	sst s10  }
0x38: {  	s10 =	sld [smem:$0x3FB6]  }
0x39: {  	_ = 	snop;
	(pc) =	sbr.ind lr, $3  }
0x3a: {  	_ = 	snop  }
0x3b: {  	_ = 	snop  }
0x3c: {  	p2 =	seq.s32 s10, $0x1;
	s10 =	sld [smem:$0x3FB5]  }
0x3d: {  	_ =	shalt  }
0x3e: {  	_ =	shalt  }
0x3f: {  	_ =	shalt  }
0x40: {  	_ =	shalt  }
0x41: {  	_ =	shalt  }
0x42: {  	_ =	shalt  }
0x43: {  	_ =	shalt  }
0x44: {  	_ =	shalt  }
0x45: {  	_ =	shalt  }
0x46: {  	_ =	shalt  }
0x47: {  	_ =	shalt  }
0x48: {  	_ =	shalt  }
0x49: {  	_ =	shalt  }
0x4a: {  	_ =	shalt  }
0x4b: {  	_ =	shalt  }
0x4c: {  	_ =	shalt  }
0x4d: {  	_ =	shalt  }
0x4e: {  	_ =	shalt  }
0x4f: {  	_ =	shalt  }
0x50: {  	_ =	shalt  }
0x51: {  	_ =	shalt  }
0x52: {  	_ =	shalt  }
0x53: {  	_ =	shalt  }
0x54: {  	_ =	shalt  }
0x55: {  	_ =	shalt  }
0x56: {  	_ =	shalt  }
0x57: {  	_ =	shalt  }
0x58: {  	_ =	shalt  }
0x59: {  	_ =	shalt  }
0x5a: {  	_ =	shalt  }
0x5b: {  	_ =	shalt  }
0x5c: {  	_ =	shalt  }
0x5d: {  	_ =	shalt  }
0x5e: {  	_ =	shalt  }
0x5f: {  	_ =	shalt  }
0x60: {  	_ =	shalt  }
0x61: {  	_ =	shalt  }
0x62: {  	_ =	shalt  }
0x63: {  	_ =	shalt  }
0x64: {  	_ =	shalt  }
0x65: {  	_ =	shalt  }
0x66: {  	_ =	shalt  }
0x67: {  	_ =	shalt  }
0x68: {  	_ =	shalt  }
0x69: {  	_ =	shalt  }
0x6a: {  	_ =	shalt  }
0x6b: {  	_ =	shalt  }
0x6c: {  	_ =	shalt  }
0x6d: {  	_ =	shalt  }
0x6e: {  	_ =	shalt  }
0x6f: {  	_ =	shalt  }
0x70: {  	_ =	shalt  }
0x71: {  	_ =	shalt  }
0x72: {  	_ =	shalt  }
0x73: {  	_ =	shalt  }
0x74: {  	_ =	shalt  }
0x75: {  	_ =	shalt  }
0x76: {  	_ =	shalt  }
0x77: {  	_ =	shalt  }
0x78: {  	_ =	shalt  }
0x79: {  	_ =	shalt  }
0x7a: {  	_ =	shalt  }
0x7b: {  	_ =	shalt  }
0x7c: {  	_ =	shalt  }
0x7d: {  	_ =	shalt  }
0x7e: {  	_ =	shalt  }
0x7f: {  	_ =	shalt  }
0x80: {  	_ =	shalt  }
0x81: {  	_ =	shalt  }
0x82: {  	_ =	shalt  }
0x83: {  	_ =	shalt  }
0x84: {  	_ =	shalt  }
0x85: {  	_ =	shalt  }
0x86: {  	_ =	shalt  }
0x87: {  	_ =	shalt  }
.Lfunc_end0:
.L_simem_size_0:
called_computation.1_lowered:
.L_overlay_start_0:
0x88: {  	s2 =	sld [smem:$0x3FD9]  }
0x89: {  	s3 =	sld [smem:$0x3FFE];
	_ =	sdelay $0x1  }
0x8a: {  	s1 =	srdreg.scid  }
0x8b: {  	s0 =	sand.u32 $0x1, s1  }
0x8c: {  	s17 =	sshll.u32 s0, $0xA;
	s2 =	sadd.s32 s3, s2  }
0x8d: {  	s2 =	sadd.s32 s2, s17  }
0x8e: {  	[smem:$0x3FC1] =	sst s2  }
0x8f: {  	_ = 	snop  }
0x90: {  	s2 =	sld [smem:$0x3FD0];
	(tm) =	ssettm $0x1  }
0x91: {  	s18 =	sld [smem:$0x3FFB];
	_ =	sdelay $0x3  }
0x92: {  	_ =	strace s18  }
0x93: {  	s3 =	sld [smem:$0x3FFC];
	_ =	sdelay $0x3  }
0x94: {  	_ =	strace s3  }
0x95: {  	s3 =	sld [smem:$0x3FFD];
	_ =	sdelay $0x3  }
0x96: {  	_ =	strace s3  }
0x97: {  	_ =	strace $0x8FFFFFFF  }
0x98: {  	s19 =	sld [smem:$0x3FDB];
	_ =	sdelay $0x1  }
0x99: {  	s4 =	simm.s32 $_scs_section_size  }
0x9a: {  	s5 =	simm.s32 $_size__tile_overlayer_lowered;
	s6 =	simm.s32 $_tile_overlayer_lowered  }
0x9b: {  	s22 =	simm.s32 $0x1BFF;
	s21 =	sshll.u32 s6, $0x1;
	s3 =	sadd.s32 s4, s19  }
0x9c: {  	s7 =	simm.s32 $0x0;
	s20 =	sshll.u32 s5, $0x1;
	s5 =	sadd.s32 s21, s3  }
0x9d: {  	[timem:s7], [sflag:s22] =	dma.local [hbm:s5], s20  }
0x9e: {  	_ =	swait.ge [sflag:s22], s20  }
0x9f: {  	s4 =	ssub.s32 $0x0, s20;
	[sflag:s22] =	ssyncset.done $0x0  }
0xa0: {  	[sflag:s22] =	ssyncadd.s32 s4;
	_ =	sdelay $0x1  }
0xa1: {  	s23 =	simm.s32 $0x1B8B  }
0xa2: {  	_ =	swait.ge [sflag:s23], $0x1  }
0xa3: {  	[sflag:s23] =	ssyncset.done $0x0  }
0xa4: {  	s25 =	simm.s32 $0x1B8E;
	s24 =	sld [smem:$0x3FFE];
	[sflag:s23] =	ssyncadd.s32 $0xFFFFFFFF  }
0xa5: {  	s26 =	simm.s32 $execute0_lowered;
	[smem:$0x3FD2] =	sst s25  }
0xa6: {  	s5 =	sshll.u32 s26, $0x1;
	_ =	strace $0x80000046;
	[dreg:$0x1] =	wrdreg $0xFFFFFFFF  }
0xa7: {  	s28 =	simm.s32 $_size_execute0_lowered;
	s3 =	sadd.s32 s3, s5;
	[dreg:$0x0] =	wrdreg $0x0  }
0xa8: {  	s5 =	sshll.u32 s28, $0x1;
	[dreg:$0x2] =	wrdreg s3  }
0xa9: {  	[dreg:$0x3] =	wrdreg s5  }
0xaa: {  	[dreg:$0x4] =	wrdreg $0xC0  }
0xab: {  	_ =	task [dreg:s7], $0x5FFFF  }
0xac: {  	[dreg:$0x1] =	wrdreg $0xFFFFFFFF  }
0xad: {  	[dreg:$0x0] =	wrdreg $0x60  }
0xae: {  	[dreg:$0x2] =	wrdreg s24  }
0xaf: {  	[dreg:$0x3] =	wrdreg s2  }
0xb0: {  	[dreg:$0x4] =	wrdreg $0xA  }
0xb1: {  	_ =	task.clear_ibuf [dreg:s7], $0x5FFFF;
	_ =	strace $0x90000046  }
0xb2: {  	s29 =	simm.s32 $0xA;
	_ =	strace $0x80000048  }
0xb3: {  	_ =	swait.ge [sflag:s29], $0x1  }
0xb4: {  	[sflag:s29] =	ssyncadd.s32 $0xFFFFFFFF  }
0xb5: {  	_ =	strace $0x90000048  }
0xb6: {  	_ =	sfence  }
0xb7: {  	s30 =	sld [smem:$0x0];
	_ =	sdelay $0x2  }
0xb8: {  	s31 =	sshll.u32 s1, $0xD;
	s1 =	sshrl.u32 s1, $0x2  }
0xb9: {  	s3 =	sand.u32 $0x4000, s31;
	s1 =	sadd.s32 s1, s30  }
0xba: {  	s0 =	sor.u32 s3, s0;
	s1 =	sshll.u32 s1, $0x11  }
0xbb: {  	s0 =	sor.u32 s1, s0  }
0xbc: {  	s0 =	sadd.s32 $0x8F2B, s0  }
0xbd: {  	[sflag:s0] =	ssyncadd.remote.s32 $0x1  }
0xbe: {  	_ =	sfence.sel $0xFFFF  }
0xbf: {  	[dreg:$0x0] =	wrdreg $0xFFFFFFFF;
	(pc) =	sbr.abs _section_cstart, $3  }
0xc0: {  	[dreg:$0x1] =	wrdreg $0xFFFFFFFF  }
0xc1: {  	_ =	task.clear_ibuf [dreg:s7], $0x2FFFF;
	_ =	strace $0x9FFFFFFF  }
0xc2: {  	(tm) =	ssettm $0x7FFFFFFF  }
0xc3: {  	_ =	shalt  }
tec
execute0_lowered:
.L_overlay_start_1:
0x0: {  	(tag) =	ssettag $0x1  }
0x1: {  	s1 =	srdreg.scid;
	s5 =	rddreg [dreg:$0x0]  }
0x2: {  	s0 =	stileid.u32;
	s2 =	rddreg [dreg:$0x1];
	s6 =	simm.s32 $0x1  }
0x3: {  	s9 =	simm.s32 $0x1;
	s10 =	simm.s32 $0x3;
	s1 =	sshll.u32 s1, $0x8  }
0x4: {  	s13 =	simm.s32 $0x0;
	s3 =	sshll.u32 s0, $0x9;
	s4 =	sand.u32 $0x100, s1  }
0x5: {  	s12 =	simm.s32 $0x0;
	s1 =	rddreg [dreg:$0x2];
	s3 =	sor.u32 s3, s4  }
0x6: {  	_ =	strace $0x80000047;
	s4 =	sadd.s32 $0x1200, s5;
	s8 =	ssub.s32 $0x4000, s3  }
.Ltmp0:
0x7: {  	s5 =	sadd.s32 $0x1A9800, s5;
	s7 =	sand.u32 $0x1F00, s8;
	(pc) =	sbr.rel .LBB2_1-.Ltmp0, $4  }
0x8: {  	[sflag:s6] =	ssyncpa.u1 $0x0;
	s11 =	smov.u32 s3;
	p0 =	sne.s32 s7, $0x0  }
0x9: {  	s8 =	sshrl.u32 s8, $0xD;
	s7 =	simm.s32 $0x2;
	s9 =	simm.s32 @!p0 $0x0  }
0xa: {  	[sflag:s7] =	ssyncpa.u1 $0x0;
	p0 =	por $0x0, $0x0;
	s8 =	sadd.s32 s9, s8  }
0xb: {  	vm0 =	vmmov $0xffff;
	[sflag:s10] =	ssyncpa.u1 $0x0;
	s10 =	simm.s32 $0x0;
	s9 =	sadd.s32 $0x1, s8  }
.LBB2_4:
0xc: {  	v2 =	vnsel vm1, $0x0, v2  }
0xd: {  	vm1 =	vgt.s32 v0, $0x0;
	v2 =	vmin.u32 v2, $0x1869F  }
0xe: {  	v0 =	vnsel vm1, $0x0, v0  }
0xf: {  	v0 =	vmin.u32 v0, $0x1869F  }
0x10: {  	[tilespmem:s15], [sflag:$0x1] =	stream.indirect_vreg.gather [hbm4b:s4+s10], $0x1, v1, vm0, $0x4038;
	[tilespmem:$0x400] =	vst v63  }
0x11: {  	(ifvalue) =	ssetifvalue $0x7FFFFFFF  }
0x12: {  	[tilespmem:s16], [sflag:$0x1] =	stream.indirect_vreg.gather [hbm4b:s4+s10], $0x1, v2, vm0, $0x4038;
	[tilespmem:$0x400] =	vst v63  }
0x13: {  	s29 =	sadd.s32 $0x10, s16;
	(ifvalue) =	ssetifvalue $0x7FFFFFFF  }
0x14: {  	[tilespmem:s29], [sflag:$0x1] =	stream.indirect_vreg.gather [hbm4b:s4+s10], $0x1, v0, vm0, $0x4038;
	[tilespmem:$0x400] =	vst v63  }
0x15: {  	_ =	swait.ge [sflag:s6], $0x100  }
0x16: {  	s30 =	sshrl.u32 s13, $0x3;
	[sflag:s6] =	ssyncset.done $0x0  }
0x17: {  	s31 =	sand.u32 $0x7, s13;
	s15 =	sadd.s32 s5, s30;
	[sflag:s6] =	ssyncadd.s32 $0xFFFFFF00  }
0x18: {  	[hbm4b:s15+s31] =	stream.linear.scatter [tilespmem:s14], [sflag:$0x3], $0x100, $0x38;
	[tilespmem:$0x400] =	vst v63  }
.LBB2_5:
0x19: {  	s15 =	sadd.s32 $0x2000, s11  }
0x1a: {  	p2 =	sgt.s32 s15, $0x3FFF  }
0x1b: {  	s15 =	smov.u32 @p2 s3;
	p2 =	sne.s32 s12, s9  }
.Ltmp1:
0x1c: {  	p1 =	slt.u32 s12, $0x2;
	(pc) =	sbr.rel @!p2 .LBB2_6-.Ltmp1, $4  }
0x1d: {  	s14 =	simm.s32 @!p1 $0x3  }
0x1e: {  	s16 =	sadd.s32 $0x1, s12;
	_ =	swait.ge @!p1 [sflag:s14], $0x100  }
0x1f: {  	s13 =	smov.u32 s11;
	p0 =	por !p0, !p0;
	[sflag:s14] =	ssyncset.done @!p1 $0x0  }
0x20: {  	s12 =	smov.u32 s16;
	s11 =	smov.u32 s15;
	[sflag:s14] =	ssyncadd.s32 @!p1 $0xFFFFFF00  }
.LBB2_1:
0x21: {  	p1 =	sge.u32 s12, s8  }
0x22: {  	s14 =	sxor.u32 @!p1 $0xFFFFFFFF, s12  }
0x23: {  	s31 =	sadd.s32 $0xFFFFFFFF, s12;
	s15 =	sshrl.u32 @!p1 s11, $0x3;
	s14 =	sshll.u32 @!p1 s14, $0x8  }
0x24: {  	s16 =	sand.u32 @!p1 $0x7, s11;
	s15 =	sadd.s32 @!p1 s2, s15;
	s14 =	sand.u32 @!p1 $0x100, s14  }
0x25: {  	[tilespmem:s14], [sflag:$0x2] =	stream.linear.gather @!p1 [hbm4b:s15+s16], $0x100, $0x38;
	[tilespmem:$0x400] =	vst v63  }
0x26: {  	p1 =	sge.u32 s31, s8  }
.Ltmp2:
0x27: {  	_ = 	snop;
	(pc) =	sbr.rel @p1 .LBB2_5-.Ltmp2, $1  }
0x28: {  	_ =	sdelay $0x3  }
0x29: {  	s14 =	simm.s32 $0x1  }
0x2a: {  	_ =	swait.ge [sflag:s7], $0x100;
	s14 =	simm.s32 @!p0 $0x0  }
0x2b: {  	[sflag:s7] =	ssyncset.done $0x0;
	s14 =	sshll.u32 s14, $0x8  }
0x2c: {  	[sflag:s7] =	ssyncadd.s32 $0xFFFFFF00;
	(ifvalue) =	ssetifvalue $0x7FFFFFFF;
	v0 =	vld.msk [tilespmem:s14+$0x0 ss:$0x1], $0xffff;
	_ =	sdelay $0x4  }
0x2d: {  	s15 =	sadd.s32 $0x10, s14;
	vm1 =	vgt.s32 v0, $0x0  }
0x2e: {  	v2 =	vld.msk [tilespmem:s15+$0x0 ss:$0x1], $0xffff;
	v1 =	vnsel vm1, $0x0, v0  }
0x2f: {  	v1 =	vmin.u32 v1, $0x1869F;
	_ =	sdelay $0x1  }
0x30: {  	s16 =	sshll.u32 s12, $0x8;
	s18 =	simm.s32 $0x20  }
0x31: {  	s16 =	sand.u32 $0x100, s16;
	s17 =	sadd.s32 $0x10, s15;
	s15 =	sor.u32 $0x200, s14  }
0x32: {  	s14 =	sor.u32 $0x200, s16;
	s16 =	sadd.s32 $0x10, s15;
	v0 =	vld.msk [tilespmem:s17+$0x0 ss:$0x1], $0xffff;
	vm1 =	vgt.s32 v2, $0x0;
	(ifvalue) =	ssetifvalue $0x7FFFFFFF  }
.LBB2_3:
0x33: {  	[tilespmem:s15], [sflag:$0x1] =	stream.indirect_vreg.gather [hbm4b:s4+s10], $0x1, v1, vm0, $0x4038;
	[tilespmem:$0x400] =	vst v63  }
0x34: {  	s18 =	sadd.s32 $0x10, s18  }
0x35: {  	v2 =	vnsel vm1, $0x0, v2;
	p1 =	slt.u32 s18, $0xF0  }
.Ltmp3:
0x36: {  	s15 =	smov.u32 s16;
	v1 =	vmin.u32 v2, $0x1869F;
	(pc) =	sbr.rel @p1 .LBB2_3-.Ltmp3, $3  }
0x37: {  	_ =	sdelay $0x1  }
0x38: {  	s17 =	sadd.s32 $0x10, s17  }
0x39: {  	vm1 =	vgt.s32 v0, $0x0;
	s16 =	sadd.s32 $0x10, s16;
	v2 =	vmov v0;
	(ifvalue) =	ssetifvalue $0x7FFFFFFF;
	v0 =	vld.msk [tilespmem:s17+$0x0 ss:$0x1], $0xffff  }
.Ltmp4:
0x3a: {  	_ = 	snop;
	(pc) =	sbr.rel .LBB2_4-.Ltmp4, $1  }
0x3b: {  	_ =	sdelay $0x3  }
.LBB2_6:
0x3c: {  	_ =	sfence.sel $0x180000  }
0x3d: {  	s2 =	simm.s32 $0x2;
	[bflag:$0x0] =	sbarrier.arrive $0xFFFF  }
0x3e: {  	s30 =	simm.s32 $0x3;
	[sflag:s2] =	ssyncpa.u1 $0x1  }
0x3f: {  	s31 =	simm.s32 $0x1;
	[sflag:s30] =	ssyncpa.u1 $0x1  }
0x40: {  	[sflag:s31] =	ssyncpa.u1 $0x1  }
0x41: {  	p0 =	sne.s32 s0, $0x0;
	_ =	strace $0x90000047  }
0x42: {  	s0 =	sadd.s32 @!p0 $0x100000, s1;
	[bflag:$0x2] =	sbarrier.arrive $0xFFFF  }
0x43: {  	[sflag:s0] =	ssyncadd.tile.s32 @!p0 $0x1;
	_ =	shalt  }
.Lfunc_end2:
_tile_overlayer_lowered:
.L_overlay_start_2:
0x44: {  	(tag) =	ssettag $0x2  }
0x45: {  	s0 =	rddreg [dreg:$0x0];
	s2 =	stileid.u32  }
0x46: {  	s1 =	rddreg [dreg:$0x1];
	p0 =	sne.s32 s2, $0x0  }
0x47: {  	s3 =	rddreg [dreg:$0x2];
	[bflag:$0x3] =	sbarrier.arrive $0xFFFF;
	s2 =	simm.s32 @!p0 $0x1C01  }
0x48: {  	[timem:s3], [sflag:s2] =	dma.local @!p0 [hbm:s0], s1  }
0x49: {  	s0 =	simm.s32 @!p0 $0x1  }
0x4a: {  	_ =	swait.ge @!p0 [sflag:s0], s1  }
0x4b: {  	s1 =	ssub.s32 @!p0 $0x0, s1;
	[sflag:s0] =	ssyncset.done @!p0 $0x0  }
0x4c: {  	[sflag:s0] =	ssyncadd.s32 @!p0 s1  }
0x4d: {  	[bflag:$0x3] =	sbarrier.arrive $0xFFFF  }
0x4e: {  	_ =	shalt  }

// kernel: gather_offload_async_start
scs
__scs_entry_jumppad:
0x0: {  	(pc) =	sbr.rel $0x88, $3  }
0x1: {  	(tag) =	ssettag $0x0;
	lr =	simm.s32 $0x1  }
0x2: {  	[smem:$0x3F9A] =	sst lr;
	_ =	strace $0xD0000000  }
0x3: {  	_ = 	snop  }
0x4: {  	_ = 	snop  }
0x5: {  	_ = 	snop  }
0x6: {  	_ = 	snop  }
0x7: {  	_ = 	snop  }
__scs_overlays_trampoline_lowered:
0x8: {  	[smem:$0x3FA9] =	sst s0  }
0x9: {  	[smem:$0x3FAA] =	sst s1  }
0xa: {  	[smem:$0x3FAB] =	sst s2  }
0xb: {  	[smem:$0x3FAC] =	sst s3  }
0xc: {  	[smem:$0x3FAD] =	sst s4  }
0xd: {  	[smem:$0x3FAE] =	sst s5  }
0xe: {  	[smem:$0x3FAF] =	sst s6  }
0xf: {  	[smem:$0x3FB0] =	sst s7  }
0x10: {  	[smem:$0x3FB1] =	sst s8  }
0x11: {  	[smem:$0x3FB2] =	sst s9;
	s0 =	simm.s32 @!p0 $0x0  }
0x12: {  	s1 =	sld [smem:$0x3F98];
	s0 =	simm.s32 @p0 $0x1  }
0x13: {  	[smem:$0x3FB3] =	sst s0;
	s0 =	simm.s32 @!p1 $0x0  }
0x14: {  	s2 =	sld [smem:$0x3F97];
	s0 =	simm.s32 @p1 $0x1  }
0x15: {  	[smem:$0x3FB4] =	sst s0;
	s0 =	simm.s32 @!p2 $0x0  }
0x16: {  	s3 =	sld [smem:$0x3FDB];
	s0 =	simm.s32 @p2 $0x1  }
0x17: {  	s4 =	simm.s32 $0x1BF5;
	[smem:$0x3FB6] =	sst s0  }
0x18: {  	s0 =	sld [smem:$0x3F99];
	_ =	swait.ge [sflag:s4], $0x0  }
0x19: {  	s7 =	sld [smem:$0x3F9A]  }
0x1a: {  	s8 =	sadd.s32 $0xFFFFE003, lr  }
0x1b: {  	s9 =	sadd.s32 $0xFFFFFEF7, lr;
	s5 =	simm.s32 $0xFFFFFFFF;
	p2 =	slt.u32 s8, $0xFFFFF086  }
0x1c: {  	p1 =	slt.u32 s9, $0xF7A;
	s5 =	simm.s32 @!p2 $0x0  }
0x1d: {  	s5 =	simm.s32 @p1 $0x1;
	p0 =	seq.s32 s7, s2  }
0x1e: {  	s7 =	smul.u32 @!p0 $0xF7A, s2;
	p2 =	seq.s32 @!p0 s5, $0x0  }
0x1f: {  	s9 =	smul.u32 $0xF7A, s1;
	s8 =	simm.s32 @!p0 $0x1BF5;
	p2 =	por !p2, p0  }
0x20: {  	[sflag:s8] =	ssyncset.s32 @!p0 $0xFFFFF086;
	s6 =	sadd.s32 @!p0 s3, s7;
	s7 =	simm.s32 @!p0 $0x108  }
0x21: {  	s3 =	sadd.s32 s3, s9;
	s6 =	sadd.s32 @!p0 $0x88, s6;
	s7 =	simm.s32 @p2 $0x1082  }
0x22: {  	[simem:s7], [sflag:s8] =	dma.local @!p0 [hbm:s6], $0xF7A  }
0x23: {  	s9 =	sor.u32 $0xD0000000, s2;
	s6 =	simm.s32 $0x108;
	_ =	swait.ge @!p0 [sflag:s8], $0x0  }
0x24: {  	s3 =	sadd.s32 $0x88, s3;
	s6 =	simm.s32 @!p1 $0x1082;
	[sflag:s4] =	ssyncset.s32 $0xFFFFF086  }
0x25: {  	[simem:s6], [sflag:s4] =	dma.local [hbm:s3], $0xF7A  }
0x26: {  	[smem:$0x3F9A] =	sst s1;
	(tag) =	ssettag s2;
	_ =	strace s9  }
0x27: {  	s1 =	sld [smem:$0x3FAA]  }
0x28: {  	s2 =	sld [smem:$0x3FAB]  }
0x29: {  	s4 =	sld [smem:$0x3FAD]  }
0x2a: {  	p0 =	seq.s32 s5, $0x0;
	s5 =	sld [smem:$0x3FAE]  }
0x2b: {  	s6 =	sld [smem:$0x3FAF]  }
0x2c: {  	s7 =	sld [smem:$0x3FB0]  }
0x2d: {  	s3 =	simm.s32 $0x108;
	s8 =	sld [smem:$0x3FB1]  }
0x2e: {  	s3 =	simm.s32 @!p0 $0x1082;
	s9 =	sld [smem:$0x3FB2]  }
0x2f: {  	lr =	sadd.s32 s0, s3;
	s0 =	sld [smem:$0x3FA9]  }
0x30: {  	s3 =	sld [smem:$0x3FAC]  }
0x31: {  	[smem:$0x3FB5] =	sst s10  }
0x32: {  	s10 =	sld [smem:$0x3FB3];
	_ =	sdelay $0x3  }
0x33: {  	p0 =	seq.s32 s10, $0x1;
	s10 =	sld [smem:$0x3FB5];
	_ =	sdelay $0x3  }
0x34: {  	[smem:$0x3FB5] =	sst s10  }
0x35: {  	s10 =	sld [smem:$0x3FB4];
	_ =	sdelay $0x3  }
0x36: {  	p1 =	seq.s32 s10, $0x1;
	s10 =	sld [smem:$0x3FB5];
	_ =	sdelay $0x3  }
0x37: {  	[smem:$0x3FB5] =	sst s10  }
0x38: {  	s10 =	sld [smem:$0x3FB6]  }
0x39: {  	_ = 	snop;
	(pc) =	sbr.ind lr, $3  }
0x3a: {  	_ = 	snop  }
0x3b: {  	_ = 	snop  }
0x3c: {  	p2 =	seq.s32 s10, $0x1;
	s10 =	sld [smem:$0x3FB5]  }
0x3d: {  	_ =	shalt  }
0x3e: {  	_ =	shalt  }
0x3f: {  	_ =	shalt  }
0x40: {  	_ =	shalt  }
0x41: {  	_ =	shalt  }
0x42: {  	_ =	shalt  }
0x43: {  	_ =	shalt  }
0x44: {  	_ =	shalt  }
0x45: {  	_ =	shalt  }
0x46: {  	_ =	shalt  }
0x47: {  	_ =	shalt  }
0x48: {  	_ =	shalt  }
0x49: {  	_ =	shalt  }
0x4a: {  	_ =	shalt  }
0x4b: {  	_ =	shalt  }
0x4c: {  	_ =	shalt  }
0x4d: {  	_ =	shalt  }
0x4e: {  	_ =	shalt  }
0x4f: {  	_ =	shalt  }
0x50: {  	_ =	shalt  }
0x51: {  	_ =	shalt  }
0x52: {  	_ =	shalt  }
0x53: {  	_ =	shalt  }
0x54: {  	_ =	shalt  }
0x55: {  	_ =	shalt  }
0x56: {  	_ =	shalt  }
0x57: {  	_ =	shalt  }
0x58: {  	_ =	shalt  }
0x59: {  	_ =	shalt  }
0x5a: {  	_ =	shalt  }
0x5b: {  	_ =	shalt  }
0x5c: {  	_ =	shalt  }
0x5d: {  	_ =	shalt  }
0x5e: {  	_ =	shalt  }
0x5f: {  	_ =	shalt  }
0x60: {  	_ =	shalt  }
0x61: {  	_ =	shalt  }
0x62: {  	_ =	shalt  }
0x63: {  	_ =	shalt  }
0x64: {  	_ =	shalt  }
0x65: {  	_ =	shalt  }
0x66: {  	_ =	shalt  }
0x67: {  	_ =	shalt  }
0x68: {  	_ =	shalt  }
0x69: {  	_ =	shalt  }
0x6a: {  	_ =	shalt  }
0x6b: {  	_ =	shalt  }
0x6c: {  	_ =	shalt  }
0x6d: {  	_ =	shalt  }
0x6e: {  	_ =	shalt  }
0x6f: {  	_ =	shalt  }
0x70: {  	_ =	shalt  }
0x71: {  	_ =	shalt  }
0x72: {  	_ =	shalt  }
0x73: {  	_ =	shalt  }
0x74: {  	_ =	shalt  }
0x75: {  	_ =	shalt  }
0x76: {  	_ =	shalt  }
0x77: {  	_ =	shalt  }
0x78: {  	_ =	shalt  }
0x79: {  	_ =	shalt  }
0x7a: {  	_ =	shalt  }
0x7b: {  	_ =	shalt  }
0x7c: {  	_ =	shalt  }
0x7d: {  	_ =	shalt  }
0x7e: {  	_ =	shalt  }
0x7f: {  	_ =	shalt  }
0x80: {  	_ =	shalt  }
0x81: {  	_ =	shalt  }
0x82: {  	_ =	shalt  }
0x83: {  	_ =	shalt  }
0x84: {  	_ =	shalt  }
0x85: {  	_ =	shalt  }
0x86: {  	_ =	shalt  }
0x87: {  	_ =	shalt  }
.Lfunc_end0:
.L_simem_size_0:
called_computation_lowered:
.L_overlay_start_0:
0x88: {  	s2 =	sld [smem:$0x3FD9]  }
0x89: {  	s3 =	sld [smem:$0x3FFE];
	_ =	sdelay $0x1  }
0x8a: {  	s1 =	srdreg.scid  }
0x8b: {  	s0 =	sand.u32 $0x1, s1  }
0x8c: {  	s17 =	sshll.u32 s0, $0xA;
	s2 =	sadd.s32 s3, s2  }
0x8d: {  	s2 =	sadd.s32 s2, s17  }
0x8e: {  	[smem:$0x3FC1] =	sst s2  }
0x8f: {  	_ = 	snop  }
0x90: {  	(tm) =	ssettm $0x1  }
0x91: {  	s18 =	sld [smem:$0x3FFB];
	_ =	sdelay $0x3  }
0x92: {  	_ =	strace s18  }
0x93: {  	s2 =	sld [smem:$0x3FFC];
	_ =	sdelay $0x3  }
0x94: {  	_ =	strace s2  }
0x95: {  	s2 =	sld [smem:$0x3FFD];
	_ =	sdelay $0x3  }
0x96: {  	_ =	strace s2  }
0x97: {  	_ =	strace $0x8FFFFFFF  }
0x98: {  	s19 =	sld [smem:$0x3FDB];
	_ =	sdelay $0x1  }
0x99: {  	s20 =	simm.s32 $_scs_section_size  }
0x9a: {  	s4 =	simm.s32 $_size__tile_overlayer_lowered;
	s5 =	simm.s32 $_tile_overlayer_lowered  }
0x9b: {  	s6 =	simm.s32 $0x1BFF;
	s21 =	sshll.u32 s5, $0x1;
	s3 =	sadd.s32 s20, s19  }
0x9c: {  	s22 =	simm.s32 $0x0;
	s4 =	sshll.u32 s4, $0x1;
	s5 =	sadd.s32 s21, s3  }
0x9d: {  	[timem:s22], [sflag:s6] =	dma.local [hbm:s5], s4  }
0x9e: {  	_ =	swait.ge [sflag:s6], s4  }
0x9f: {  	s4 =	ssub.s32 $0x0, s4;
	[sflag:s6] =	ssyncset.done $0x0  }
0xa0: {  	[sflag:s6] =	ssyncadd.s32 s4;
	_ =	sdelay $0x1  }
0xa1: {  	s23 =	simm.s32 $0x1B8B  }
0xa2: {  	_ =	swait.ge [sflag:s23], $0x1  }
0xa3: {  	[sflag:s23] =	ssyncset.done $0x0  }
0xa4: {  	[sflag:s23] =	ssyncadd.s32 $0xFFFFFFFF  }
0xa5: {  	s4 =	sld [smem:$0x0]  }
0xa6: {  	s5 =	sand.u32 $0xFFFFFFFE, s1  }
0xa7: {  	p0 =	sne.s32 s1, s5  }
0xa8: {  	s5 =	sshll.u32 @p0 s5, $0xE  }
0xa9: {  	s5 =	sadd.s32 @p0 $0x11B8D, s5;
	s6 =	sshll.u32 @p0 s4, $0x11  }
0xaa: {  	s5 =	sor.u32 @p0 s6, s5  }
0xab: {  	[sflag:s5] =	ssyncadd.remote.s32 @p0 $0x1;
	_ =	sdelay $0x1  }
0xac: {  	s5 =	simm.s32 @p0 $0x1B8D  }
0xad: {  	_ =	swait.eq @p0 [sflag:s5], $0x1  }
0xae: {  	[sflag:s5] =	ssyncadd.s32 @p0 $0xFFFFFFFF  }
0xaf: {  	s6 =	sshll.u32 @!p0 s1, $0xE  }
0xb0: {  	s6 =	sor.u32 @!p0 $0x4000, s6;
	s5 =	simm.s32 @!p0 $0x1B8D  }
0xb1: {  	s4 =	sshll.u32 @!p0 s4, $0x11;
	s6 =	sadd.s32 @!p0 $0x11B8D, s6;
	_ =	swait.eq @!p0 [sflag:s5], $0x1  }
0xb2: {  	s4 =	sor.u32 @!p0 s4, s6;
	[sflag:s5] =	ssyncadd.s32 @!p0 $0xFFFFFFFF  }
0xb3: {  	s25 =	simm.s32 $0x1B8E;
	s24 =	sld [smem:$0x3FFE];
	[sflag:s4] =	ssyncadd.remote.s32 @!p0 $0x1  }
0xb4: {  	s26 =	simm.s32 $execute0_lowered;
	[smem:$0x3FD2] =	sst s25  }
0xb5: {  	s5 =	sshll.u32 s26, $0x1;
	_ =	strace $0x80000049;
	[dreg:$0x1] =	wrdreg $0xFFFFFFFF  }
0xb6: {  	s28 =	simm.s32 $_size_execute0_lowered;
	s3 =	sadd.s32 s3, s5;
	[dreg:$0x0] =	wrdreg $0x0  }
0xb7: {  	s5 =	sshll.u32 s28, $0x1;
	[dreg:$0x2] =	wrdreg s3  }
0xb8: {  	[dreg:$0x3] =	wrdreg s5  }
0xb9: {  	[dreg:$0x4] =	wrdreg $0xC0  }
0xba: {  	_ =	task [dreg:s22], $0x5FFFF  }
0xbb: {  	[dreg:$0x1] =	wrdreg $0xFFFFFFFF  }
0xbc: {  	[dreg:$0x0] =	wrdreg $0x60  }
0xbd: {  	[dreg:$0x2] =	wrdreg s24  }
0xbe: {  	[dreg:$0x3] =	wrdreg $0x9  }
0xbf: {  	_ =	task.clear_ibuf [dreg:s22], $0x4FFFF;
	_ =	strace $0x90000049  }
0xc0: {  	s29 =	simm.s32 $0x9;
	_ =	strace $0x8000004B  }
0xc1: {  	_ =	swait.ge [sflag:s29], $0x1  }
0xc2: {  	[sflag:s29] =	ssyncadd.s32 $0xFFFFFFFF  }
0xc3: {  	_ =	strace $0x9000004B  }
0xc4: {  	_ =	sfence  }
0xc5: {  	s30 =	sld [smem:$0x0];
	_ =	sdelay $0x2  }
0xc6: {  	s31 =	sshll.u32 s1, $0xD;
	s1 =	sshrl.u32 s1, $0x2  }
0xc7: {  	s4 =	sand.u32 $0x4000, s31;
	s1 =	sadd.s32 s1, s30  }
0xc8: {  	s0 =	sor.u32 s4, s0;
	s1 =	sshll.u32 s1, $0x11  }
0xc9: {  	s0 =	sor.u32 s1, s0  }
0xca: {  	s0 =	sadd.s32 $0x8F2B, s0  }
0xcb: {  	[sflag:s0] =	ssyncadd.remote.s32 $0x1  }
0xcc: {  	_ =	sfence.sel $0xFFFF  }
0xcd: {  	[dreg:$0x0] =	wrdreg $0xFFFFFFFF;
	(pc) =	sbr.abs _section_cstart, $3  }
0xce: {  	[dreg:$0x1] =	wrdreg $0xFFFFFFFF  }
0xcf: {  	_ =	task.clear_ibuf [dreg:s22], $0x2FFFF;
	_ =	strace $0x9FFFFFFF  }
0xd0: {  	(tm) =	ssettm $0x7FFFFFFF  }
0xd1: {  	_ =	shalt  }
tec
execute0_lowered:
.L_overlay_start_1:
0x0: {  	(tag) =	ssettag $0x1  }
0x1: {  	s0 =	srdreg.scid;
	s5 =	rddreg [dreg:$0x0]  }
0x2: {  	s1 =	stileid.u32;
	s6 =	simm.s32 $0x1;
	s9 =	simm.s32 $0x1  }
0x3: {  	s10 =	simm.s32 $0x3;
	s13 =	simm.s32 $0x0;
	s2 =	sshll.u32 s0, $0x8  }
0x4: {  	s12 =	simm.s32 $0x0;
	s3 =	sshll.u32 s1, $0x9;
	s2 =	sand.u32 $0x100, s2  }
0x5: {  	s0 =	rddreg [dreg:$0x1];
	_ =	strace $0x8000004A;
	s2 =	sor.u32 s3, s2  }
0x6: {  	s4 =	sadd.s32 $0xA00, s5;
	[sflag:s6] =	ssyncpa.u1 $0x0;
	s8 =	ssub.s32 $0x4000, s2  }
.Ltmp0:
0x7: {  	s3 =	sadd.s32 $0x4400, s5;
	s7 =	sand.u32 $0x1F00, s8;
	(pc) =	sbr.rel .LBB2_1-.Ltmp0, $4  }
0x8: {  	s5 =	sadd.s32 $0x10EC400, s5;
	s11 =	smov.u32 s2;
	p0 =	sne.s32 s7, $0x0  }
0x9: {  	s8 =	sshrl.u32 s8, $0xD;
	s7 =	simm.s32 $0x2;
	s9 =	simm.s32 @!p0 $0x0  }
0xa: {  	[sflag:s7] =	ssyncpa.u1 $0x0;
	p0 =	por $0x0, $0x0;
	s8 =	sadd.s32 s9, s8  }
0xb: {  	vm0 =	vmmov $0xffff;
	[sflag:s10] =	ssyncpa.u1 $0x0;
	s10 =	simm.s32 $0x0;
	s9 =	sadd.s32 $0x1, s8  }
.LBB2_4:
0xc: {  	v2 =	vnsel vm1, $0x0, v2  }
0xd: {  	vm1 =	vgt.s32 v0, $0x0;
	v2 =	vmin.u32 v2, $0xF423F  }
0xe: {  	v0 =	vnsel vm1, $0x0, v0  }
0xf: {  	v0 =	vmin.u32 v0, $0xF423F  }
0x10: {  	[tilespmem:s15], [sflag:$0x1] =	stream.indirect_vreg.gather [hbm4b:s3+s10], $0x1, v1, vm0, $0x4038;
	[tilespmem:$0x400] =	vst v63  }
0x11: {  	(ifvalue) =	ssetifvalue $0x7FFFFFFF  }
0x12: {  	[tilespmem:s16], [sflag:$0x1] =	stream.indirect_vreg.gather [hbm4b:s3+s10], $0x1, v2, vm0, $0x4038;
	[tilespmem:$0x400] =	vst v63  }
0x13: {  	s29 =	sadd.s32 $0x10, s16;
	(ifvalue) =	ssetifvalue $0x7FFFFFFF  }
0x14: {  	[tilespmem:s29], [sflag:$0x1] =	stream.indirect_vreg.gather [hbm4b:s3+s10], $0x1, v0, vm0, $0x4038;
	[tilespmem:$0x400] =	vst v63  }
0x15: {  	_ =	swait.ge [sflag:s6], $0x100  }
0x16: {  	s30 =	sshrl.u32 s13, $0x3;
	[sflag:s6] =	ssyncset.done $0x0  }
0x17: {  	s31 =	sand.u32 $0x7, s13;
	s15 =	sadd.s32 s5, s30;
	[sflag:s6] =	ssyncadd.s32 $0xFFFFFF00  }
0x18: {  	[hbm4b:s15+s31] =	stream.linear.scatter [tilespmem:s14], [sflag:$0x3], $0x100, $0x38;
	[tilespmem:$0x400] =	vst v63  }
.LBB2_5:
0x19: {  	s15 =	sadd.s32 $0x2000, s11  }
0x1a: {  	p2 =	sgt.s32 s15, $0x3FFF  }
0x1b: {  	s15 =	smov.u32 @p2 s2;
	p2 =	sne.s32 s12, s9  }
.Ltmp1:
0x1c: {  	p1 =	slt.u32 s12, $0x2;
	(pc) =	sbr.rel @!p2 .LBB2_6-.Ltmp1, $4  }
0x1d: {  	s14 =	simm.s32 @!p1 $0x3  }
0x1e: {  	s16 =	sadd.s32 $0x1, s12;
	_ =	swait.ge @!p1 [sflag:s14], $0x100  }
0x1f: {  	s13 =	smov.u32 s11;
	p0 =	por !p0, !p0;
	[sflag:s14] =	ssyncset.done @!p1 $0x0  }
0x20: {  	s12 =	smov.u32 s16;
	s11 =	smov.u32 s15;
	[sflag:s14] =	ssyncadd.s32 @!p1 $0xFFFFFF00  }
.LBB2_1:
0x21: {  	p1 =	sge.u32 s12, s8  }
0x22: {  	s14 =	sxor.u32 @!p1 $0xFFFFFFFF, s12  }
0x23: {  	s31 =	sadd.s32 $0xFFFFFFFF, s12;
	s15 =	sshrl.u32 @!p1 s11, $0x3;
	s14 =	sshll.u32 @!p1 s14, $0x8  }
0x24: {  	s16 =	sand.u32 @!p1 $0x7, s11;
	s15 =	sadd.s32 @!p1 s4, s15;
	s14 =	sand.u32 @!p1 $0x100, s14  }
0x25: {  	[tilespmem:s14], [sflag:$0x2] =	stream.linear.gather @!p1 [hbm4b:s15+s16], $0x100, $0x38;
	[tilespmem:$0x400] =	vst v63  }
0x26: {  	p1 =	sge.u32 s31, s8  }
.Ltmp2:
0x27: {  	_ = 	snop;
	(pc) =	sbr.rel @p1 .LBB2_5-.Ltmp2, $1  }
0x28: {  	_ =	sdelay $0x3  }
0x29: {  	s14 =	simm.s32 $0x1  }
0x2a: {  	_ =	swait.ge [sflag:s7], $0x100;
	s14 =	simm.s32 @!p0 $0x0  }
0x2b: {  	[sflag:s7] =	ssyncset.done $0x0;
	s14 =	sshll.u32 s14, $0x8  }
0x2c: {  	[sflag:s7] =	ssyncadd.s32 $0xFFFFFF00;
	(ifvalue) =	ssetifvalue $0x7FFFFFFF;
	v0 =	vld.msk [tilespmem:s14+$0x0 ss:$0x1], $0xffff;
	_ =	sdelay $0x4  }
0x2d: {  	s15 =	sadd.s32 $0x10, s14;
	vm1 =	vgt.s32 v0, $0x0  }
0x2e: {  	v2 =	vld.msk [tilespmem:s15+$0x0 ss:$0x1], $0xffff;
	v1 =	vnsel vm1, $0x0, v0  }
0x2f: {  	v1 =	vmin.u32 v1, $0xF423F;
	_ =	sdelay $0x1  }
0x30: {  	s16 =	sshll.u32 s12, $0x8;
	s18 =	simm.s32 $0x20  }
0x31: {  	s16 =	sand.u32 $0x100, s16;
	s17 =	sadd.s32 $0x10, s15;
	s15 =	sor.u32 $0x200, s14  }
0x32: {  	s14 =	sor.u32 $0x200, s16;
	s16 =	sadd.s32 $0x10, s15;
	v0 =	vld.msk [tilespmem:s17+$0x0 ss:$0x1], $0xffff;
	vm1 =	vgt.s32 v2, $0x0;
	(ifvalue) =	ssetifvalue $0x7FFFFFFF  }
.LBB2_3:
0x33: {  	[tilespmem:s15], [sflag:$0x1] =	stream.indirect_vreg.gather [hbm4b:s3+s10], $0x1, v1, vm0, $0x4038;
	[tilespmem:$0x400] =	vst v63  }
0x34: {  	s18 =	sadd.s32 $0x10, s18  }
0x35: {  	v2 =	vnsel vm1, $0x0, v2;
	p1 =	slt.u32 s18, $0xF0  }
.Ltmp3:
0x36: {  	s15 =	smov.u32 s16;
	v1 =	vmin.u32 v2, $0xF423F;
	(pc) =	sbr.rel @p1 .LBB2_3-.Ltmp3, $3  }
0x37: {  	_ =	sdelay $0x1  }
0x38: {  	s17 =	sadd.s32 $0x10, s17  }
0x39: {  	vm1 =	vgt.s32 v0, $0x0;
	s16 =	sadd.s32 $0x10, s16;
	v2 =	vmov v0;
	(ifvalue) =	ssetifvalue $0x7FFFFFFF;
	v0 =	vld.msk [tilespmem:s17+$0x0 ss:$0x1], $0xffff  }
.Ltmp4:
0x3a: {  	_ = 	snop;
	(pc) =	sbr.rel .LBB2_4-.Ltmp4, $1  }
0x3b: {  	_ =	sdelay $0x3  }
.LBB2_6:
0x3c: {  	_ =	sfence.sel $0x180000  }
0x3d: {  	s2 =	simm.s32 $0x2;
	[bflag:$0x0] =	sbarrier.arrive $0xFFFF  }
0x3e: {  	s30 =	simm.s32 $0x3;
	[sflag:s2] =	ssyncpa.u1 $0x1  }
0x3f: {  	s31 =	simm.s32 $0x1;
	[sflag:s30] =	ssyncpa.u1 $0x1  }
0x40: {  	[sflag:s31] =	ssyncpa.u1 $0x1  }
0x41: {  	p0 =	sne.s32 s1, $0x0;
	_ =	strace $0x9000004A  }
0x42: {  	s0 =	sadd.s32 @!p0 $0x100000, s0;
	[bflag:$0x2] =	sbarrier.arrive $0xFFFF  }
0x43: {  	[sflag:s0] =	ssyncadd.tile.s32 @!p0 $0x1;
	_ =	shalt  }
.Lfunc_end2:
_tile_overlayer_lowered:
.L_overlay_start_2:
0x44: {  	(tag) =	ssettag $0x2  }
0x45: {  	s0 =	rddreg [dreg:$0x0];
	s2 =	stileid.u32  }
0x46: {  	s1 =	rddreg [dreg:$0x1];
	p0 =	sne.s32 s2, $0x0  }
0x47: {  	s3 =	rddreg [dreg:$0x2];
	[bflag:$0x3] =	sbarrier.arrive $0xFFFF;
	s2 =	simm.s32 @!p0 $0x1C01  }
0x48: {  	[timem:s3], [sflag:s2] =	dma.local @!p0 [hbm:s0], s1  }
0x49: {  	s0 =	simm.s32 @!p0 $0x1  }
0x4a: {  	_ =	swait.ge @!p0 [sflag:s0], s1  }
0x4b: {  	s1 =	ssub.s32 @!p0 $0x0, s1;
	[sflag:s0] =	ssyncset.done @!p0 $0x0  }
0x4c: {  	[sflag:s0] =	ssyncadd.s32 @!p0 s1  }
0x4d: {  	[bflag:$0x3] =	sbarrier.arrive $0xFFFF  }
0x4e: {  	_ =	shalt  }

// kernel: kernel.3.cloned.1.call-start
scs
__scs_entry_jumppad:
0x0: {  	(pc) =	sbr.rel $0x88, $3  }
0x1: {  	(tag) =	ssettag $0x0;
	lr =	simm.s32 $0x1  }
0x2: {  	[smem:$0x3F9A] =	sst lr;
	_ =	strace $0xD0000000  }
0x3: {  	_ = 	snop  }
0x4: {  	_ = 	snop  }
0x5: {  	_ = 	snop  }
0x6: {  	_ = 	snop  }
0x7: {  	_ = 	snop  }
__scs_overlays_trampoline_lowered:
0x8: {  	[smem:$0x3FA9] =	sst s0  }
0x9: {  	[smem:$0x3FAA] =	sst s1  }
0xa: {  	[smem:$0x3FAB] =	sst s2  }
0xb: {  	[smem:$0x3FAC] =	sst s3  }
0xc: {  	[smem:$0x3FAD] =	sst s4  }
0xd: {  	[smem:$0x3FAE] =	sst s5  }
0xe: {  	[smem:$0x3FAF] =	sst s6  }
0xf: {  	[smem:$0x3FB0] =	sst s7  }
0x10: {  	[smem:$0x3FB1] =	sst s8  }
0x11: {  	[smem:$0x3FB2] =	sst s9;
	s0 =	simm.s32 @!p0 $0x0  }
0x12: {  	s1 =	sld [smem:$0x3F98];
	s0 =	simm.s32 @p0 $0x1  }
0x13: {  	[smem:$0x3FB3] =	sst s0;
	s0 =	simm.s32 @!p1 $0x0  }
0x14: {  	s2 =	sld [smem:$0x3F97];
	s0 =	simm.s32 @p1 $0x1  }
0x15: {  	[smem:$0x3FB4] =	sst s0;
	s0 =	simm.s32 @!p2 $0x0  }
0x16: {  	s3 =	sld [smem:$0x3FDB];
	s0 =	simm.s32 @p2 $0x1  }
0x17: {  	s4 =	simm.s32 $0x1BF5;
	[smem:$0x3FB6] =	sst s0  }
0x18: {  	s0 =	sld [smem:$0x3F99];
	_ =	swait.ge [sflag:s4], $0x0  }
0x19: {  	s7 =	sld [smem:$0x3F9A]  }
0x1a: {  	s8 =	sadd.s32 $0xFFFFE003, lr  }
0x1b: {  	s9 =	sadd.s32 $0xFFFFFEF7, lr;
	s5 =	simm.s32 $0xFFFFFFFF;
	p2 =	slt.u32 s8, $0xFFFFF086  }
0x1c: {  	p1 =	slt.u32 s9, $0xF7A;
	s5 =	simm.s32 @!p2 $0x0  }
0x1d: {  	s5 =	simm.s32 @p1 $0x1;
	p0 =	seq.s32 s7, s2  }
0x1e: {  	s7 =	smul.u32 @!p0 $0xF7A, s2;
	p2 =	seq.s32 @!p0 s5, $0x0  }
0x1f: {  	s9 =	smul.u32 $0xF7A, s1;
	s8 =	simm.s32 @!p0 $0x1BF5;
	p2 =	por !p2, p0  }
0x20: {  	[sflag:s8] =	ssyncset.s32 @!p0 $0xFFFFF086;
	s6 =	sadd.s32 @!p0 s3, s7;
	s7 =	simm.s32 @!p0 $0x108  }
0x21: {  	s3 =	sadd.s32 s3, s9;
	s6 =	sadd.s32 @!p0 $0x88, s6;
	s7 =	simm.s32 @p2 $0x1082  }
0x22: {  	[simem:s7], [sflag:s8] =	dma.local @!p0 [hbm:s6], $0xF7A  }
0x23: {  	s9 =	sor.u32 $0xD0000000, s2;
	s6 =	simm.s32 $0x108;
	_ =	swait.ge @!p0 [sflag:s8], $0x0  }
0x24: {  	s3 =	sadd.s32 $0x88, s3;
	s6 =	simm.s32 @!p1 $0x1082;
	[sflag:s4] =	ssyncset.s32 $0xFFFFF086  }
0x25: {  	[simem:s6], [sflag:s4] =	dma.local [hbm:s3], $0xF7A  }
0x26: {  	[smem:$0x3F9A] =	sst s1;
	(tag) =	ssettag s2;
	_ =	strace s9  }
0x27: {  	s1 =	sld [smem:$0x3FAA]  }
0x28: {  	s2 =	sld [smem:$0x3FAB]  }
0x29: {  	s4 =	sld [smem:$0x3FAD]  }
0x2a: {  	p0 =	seq.s32 s5, $0x0;
	s5 =	sld [smem:$0x3FAE]  }
0x2b: {  	s6 =	sld [smem:$0x3FAF]  }
0x2c: {  	s7 =	sld [smem:$0x3FB0]  }
0x2d: {  	s3 =	simm.s32 $0x108;
	s8 =	sld [smem:$0x3FB1]  }
0x2e: {  	s3 =	simm.s32 @!p0 $0x1082;
	s9 =	sld [smem:$0x3FB2]  }
0x2f: {  	lr =	sadd.s32 s0, s3;
	s0 =	sld [smem:$0x3FA9]  }
0x30: {  	s3 =	sld [smem:$0x3FAC]  }
0x31: {  	[smem:$0x3FB5] =	sst s10  }
0x32: {  	s10 =	sld [smem:$0x3FB3];
	_ =	sdelay $0x3  }
0x33: {  	p0 =	seq.s32 s10, $0x1;
	s10 =	sld [smem:$0x3FB5];
	_ =	sdelay $0x3  }
0x34: {  	[smem:$0x3FB5] =	sst s10  }
0x35: {  	s10 =	sld [smem:$0x3FB4];
	_ =	sdelay $0x3  }
0x36: {  	p1 =	seq.s32 s10, $0x1;
	s10 =	sld [smem:$0x3FB5];
	_ =	sdelay $0x3  }
0x37: {  	[smem:$0x3FB5] =	sst s10  }
0x38: {  	s10 =	sld [smem:$0x3FB6]  }
0x39: {  	_ = 	snop;
	(pc) =	sbr.ind lr, $3  }
0x3a: {  	_ = 	snop  }
0x3b: {  	_ = 	snop  }
0x3c: {  	p2 =	seq.s32 s10, $0x1;
	s10 =	sld [smem:$0x3FB5]  }
0x3d: {  	_ =	shalt  }
0x3e: {  	_ =	shalt  }
0x3f: {  	_ =	shalt  }
0x40: {  	_ =	shalt  }
0x41: {  	_ =	shalt  }
0x42: {  	_ =	shalt  }
0x43: {  	_ =	shalt  }
0x44: {  	_ =	shalt  }
0x45: {  	_ =	shalt  }
0x46: {  	_ =	shalt  }
0x47: {  	_ =	shalt  }
0x48: {  	_ =	shalt  }
0x49: {  	_ =	shalt  }
0x4a: {  	_ =	shalt  }
0x4b: {  	_ =	shalt  }
0x4c: {  	_ =	shalt  }
0x4d: {  	_ =	shalt  }
0x4e: {  	_ =	shalt  }
0x4f: {  	_ =	shalt  }
0x50: {  	_ =	shalt  }
0x51: {  	_ =	shalt  }
0x52: {  	_ =	shalt  }
0x53: {  	_ =	shalt  }
0x54: {  	_ =	shalt  }
0x55: {  	_ =	shalt  }
0x56: {  	_ =	shalt  }
0x57: {  	_ =	shalt  }
0x58: {  	_ =	shalt  }
0x59: {  	_ =	shalt  }
0x5a: {  	_ =	shalt  }
0x5b: {  	_ =	shalt  }
0x5c: {  	_ =	shalt  }
0x5d: {  	_ =	shalt  }
0x5e: {  	_ =	shalt  }
0x5f: {  	_ =	shalt  }
0x60: {  	_ =	shalt  }
0x61: {  	_ =	shalt  }
0x62: {  	_ =	shalt  }
0x63: {  	_ =	shalt  }
0x64: {  	_ =	shalt  }
0x65: {  	_ =	shalt  }
0x66: {  	_ =	shalt  }
0x67: {  	_ =	shalt  }
0x68: {  	_ =	shalt  }
0x69: {  	_ =	shalt  }
0x6a: {  	_ =	shalt  }
0x6b: {  	_ =	shalt  }
0x6c: {  	_ =	shalt  }
0x6d: {  	_ =	shalt  }
0x6e: {  	_ =	shalt  }
0x6f: {  	_ =	shalt  }
0x70: {  	_ =	shalt  }
0x71: {  	_ =	shalt  }
0x72: {  	_ =	shalt  }
0x73: {  	_ =	shalt  }
0x74: {  	_ =	shalt  }
0x75: {  	_ =	shalt  }
0x76: {  	_ =	shalt  }
0x77: {  	_ =	shalt  }
0x78: {  	_ =	shalt  }
0x79: {  	_ =	shalt  }
0x7a: {  	_ =	shalt  }
0x7b: {  	_ =	shalt  }
0x7c: {  	_ =	shalt  }
0x7d: {  	_ =	shalt  }
0x7e: {  	_ =	shalt  }
0x7f: {  	_ =	shalt  }
0x80: {  	_ =	shalt  }
0x81: {  	_ =	shalt  }
0x82: {  	_ =	shalt  }
0x83: {  	_ =	shalt  }
0x84: {  	_ =	shalt  }
0x85: {  	_ =	shalt  }
0x86: {  	_ =	shalt  }
0x87: {  	_ =	shalt  }
.Lfunc_end0:
.L_simem_size_0:
called_computation.2_lowered:
.L_overlay_start_0:
0x88: {  	s2 =	sld [smem:$0x3FD9]  }
0x89: {  	s3 =	sld [smem:$0x3FFE];
	_ =	sdelay $0x1  }
0x8a: {  	s1 =	srdreg.scid  }
0x8b: {  	s0 =	sand.u32 $0x1, s1  }
0x8c: {  	s17 =	sshll.u32 s0, $0xA;
	s2 =	sadd.s32 s3, s2  }
0x8d: {  	s2 =	sadd.s32 s2, s17  }
0x8e: {  	[smem:$0x3FC1] =	sst s2  }
0x8f: {  	_ = 	snop  }
0x90: {  	s2 =	sld [smem:$0x3FC9]  }
0x91: {  	s18 =	sld [smem:$0x3FC8]  }
0x92: {  	s4 =	sld [smem:$0x3FD0];
	(tm) =	ssettm $0x1  }
0x93: {  	s5 =	sld [smem:$0x3FFB];
	_ =	sdelay $0x3  }
0x94: {  	_ =	strace s5  }
0x95: {  	s5 =	sld [smem:$0x3FFC];
	_ =	sdelay $0x3  }
0x96: {  	_ =	strace s5  }
0x97: {  	s5 =	sld [smem:$0x3FFD];
	_ =	sdelay $0x3  }
0x98: {  	_ =	strace s5  }
0x99: {  	_ =	strace $0x8FFFFFFF  }
0x9a: {  	s19 =	sld [smem:$0x3FDB];
	_ =	sdelay $0x1  }
0x9b: {  	s6 =	simm.s32 $_scs_section_size  }
0x9c: {  	s7 =	simm.s32 $_size__tile_overlayer_lowered;
	s8 =	simm.s32 $_tile_overlayer_lowered  }
0x9d: {  	s22 =	simm.s32 $0x1BFF;
	s21 =	sshll.u32 s8, $0x1;
	s5 =	sadd.s32 s6, s19  }
0x9e: {  	s9 =	simm.s32 $0x0;
	s20 =	sshll.u32 s7, $0x1;
	s7 =	sadd.s32 s21, s5  }
0x9f: {  	[timem:s9], [sflag:s22] =	dma.local [hbm:s7], s20  }
0xa0: {  	_ =	swait.ge [sflag:s22], s20  }
0xa1: {  	s6 =	ssub.s32 $0x0, s20;
	[sflag:s22] =	ssyncset.done $0x0  }
0xa2: {  	[sflag:s22] =	ssyncadd.s32 s6;
	_ =	sdelay $0x1  }
0xa3: {  	s23 =	simm.s32 $0x1B8B  }
0xa4: {  	_ =	swait.ge [sflag:s23], $0x1  }
0xa5: {  	[sflag:s23] =	ssyncset.done $0x0  }
0xa6: {  	s25 =	simm.s32 $0x1B8E;
	s24 =	sld [smem:$0x3FFE];
	[sflag:s23] =	ssyncadd.s32 $0xFFFFFFFF  }
0xa7: {  	s26 =	simm.s32 $execute0_lowered;
	[smem:$0x3FD2] =	sst s25  }
0xa8: {  	s7 =	sshll.u32 s26, $0x1;
	_ =	strace $0x8000004C;
	[dreg:$0x1] =	wrdreg $0xFFFFFFFF  }
0xa9: {  	s28 =	simm.s32 $_size_execute0_lowered;
	s5 =	sadd.s32 s5, s7;
	[dreg:$0x0] =	wrdreg $0x0  }
0xaa: {  	s7 =	sshll.u32 s28, $0x1;
	[dreg:$0x2] =	wrdreg s5  }
0xab: {  	[dreg:$0x3] =	wrdreg s7  }
0xac: {  	[dreg:$0x4] =	wrdreg $0xC0  }
0xad: {  	_ =	task [dreg:s9], $0x5FFFF  }
0xae: {  	[dreg:$0x1] =	wrdreg $0xFFFFFFFF  }
0xaf: {  	[dreg:$0x0] =	wrdreg $0x60  }
0xb0: {  	[dreg:$0x2] =	wrdreg s2  }
0xb1: {  	[dreg:$0x3] =	wrdreg s18  }
0xb2: {  	[dreg:$0x4] =	wrdreg s24  }
0xb3: {  	[dreg:$0x5] =	wrdreg s4  }
0xb4: {  	[dreg:$0x6] =	wrdreg $0x9  }
0xb5: {  	_ =	task.clear_ibuf [dreg:s9], $0x7FFFF;
	_ =	strace $0x9000004C  }
0xb6: {  	s29 =	simm.s32 $0x9;
	_ =	strace $0x8000004E  }
0xb7: {  	_ =	swait.ge [sflag:s29], $0x1  }
0xb8: {  	[sflag:s29] =	ssyncadd.s32 $0xFFFFFFFF  }
0xb9: {  	_ =	strace $0x9000004E  }
0xba: {  	_ =	sfence  }
0xbb: {  	s30 =	sld [smem:$0x0];
	_ =	sdelay $0x2  }
0xbc: {  	s31 =	sshll.u32 s1, $0xD;
	s1 =	sshrl.u32 s1, $0x2  }
0xbd: {  	s3 =	sand.u32 $0x4000, s31;
	s1 =	sadd.s32 s1, s30  }
0xbe: {  	s0 =	sor.u32 s3, s0;
	s1 =	sshll.u32 s1, $0x11  }
0xbf: {  	s0 =	sor.u32 s1, s0  }
0xc0: {  	s0 =	sadd.s32 $0x8F2B, s0  }
0xc1: {  	[sflag:s0] =	ssyncadd.remote.s32 $0x1  }
0xc2: {  	_ =	sfence.sel $0xFFFF  }
0xc3: {  	[dreg:$0x0] =	wrdreg $0xFFFFFFFF;
	(pc) =	sbr.abs _section_cstart, $3  }
0xc4: {  	[dreg:$0x1] =	wrdreg $0xFFFFFFFF  }
0xc5: {  	_ =	task.clear_ibuf [dreg:s9], $0x2FFFF;
	_ =	strace $0x9FFFFFFF  }
0xc6: {  	(tm) =	ssettm $0x7FFFFFFF  }
0xc7: {  	_ =	shalt  }
tec
execute0_lowered:
.L_overlay_start_1:
0x0: {  	(tag) =	ssettag $0x1  }
0x1: {  	s6 =	rddreg [dreg:$0x0]  }
0x2: {  	s7 =	rddreg [dreg:$0x1];
	v0 =	vlaneseq.u32  }
0x3: {  	s5 =	rddreg [dreg:$0x2];
	v0 =	vmul.u32 $0x400, v0  }
0x4: {  	s10 =	rddreg [dreg:$0x3];
	s1 =	simm.s32 $0x0  }
0x5: {  	[smem:$0x7FF] =	sst s1;
	v1 =	vor.u32 $0x6, v0  }
0x6: {  	s0 =	rddreg [dreg:$0x4];
	_ =	strace $0x8000004D;
	[tilespmem:$0x1FC70] =	vst v1;
	v1 =	vor.u32 $0x7, v0  }
0x7: {  	[tilespmem:$0x1FC80] =	vst v1;
	v1 =	vor.u32 $0x8, v0  }
0x8: {  	[tilespmem:$0x1FC90] =	vst v1;
	v1 =	vor.u32 $0x9, v0  }
0x9: {  	[tilespmem:$0x1FCA0] =	vst v1;
	v1 =	vor.u32 $0xA, v0  }
0xa: {  	[tilespmem:$0x1FCB0] =	vst v1;
	v1 =	vor.u32 $0xB, v0  }
0xb: {  	[tilespmem:$0x1FCC0] =	vst v1;
	v1 =	vor.u32 $0xC, v0  }
0xc: {  	[tilespmem:$0x1FCD0] =	vst v1;
	v1 =	vor.u32 $0xD, v0  }
0xd: {  	[tilespmem:$0x1FCE0] =	vst v1;
	v1 =	vor.u32 $0xE, v0  }
0xe: {  	[tilespmem:$0x1FCF0] =	vst v1;
	v1 =	vor.u32 $0xF, v0  }
0xf: {  	[tilespmem:$0x1FD00] =	vst v1;
	v1 =	vor.u32 $0x10, v0  }
0x10: {  	[tilespmem:$0x1FD10] =	vst v1;
	v1 =	vor.u32 $0x11, v0  }
0x11: {  	[tilespmem:$0x1FD20] =	vst v1;
	v1 =	vor.u32 $0x12, v0  }
0x12: {  	[tilespmem:$0x1FD30] =	vst v1;
	v1 =	vor.u32 $0x13, v0  }
0x13: {  	[tilespmem:$0x1FD40] =	vst v1;
	v1 =	vor.u32 $0x14, v0  }
0x14: {  	[tilespmem:$0x1FD50] =	vst v1;
	v1 =	vor.u32 $0x15, v0  }
0x15: {  	[tilespmem:$0x1FD60] =	vst v1;
	v1 =	vor.u32 $0x16, v0  }
0x16: {  	[tilespmem:$0x1FD70] =	vst v1;
	v1 =	vor.u32 $0x17, v0  }
0x17: {  	[tilespmem:$0x1FD80] =	vst v1;
	v1 =	vor.u32 $0x18, v0  }
0x18: {  	[tilespmem:$0x1FD90] =	vst v1;
	v1 =	vor.u32 $0x19, v0  }
0x19: {  	[tilespmem:$0x1FDA0] =	vst v1;
	v1 =	vor.u32 $0x1A, v0  }
0x1a: {  	[tilespmem:$0x1FDB0] =	vst v1;
	v1 =	vor.u32 $0x1B, v0  }
0x1b: {  	s2 =	simm.s32 $0x800;
	[tilespmem:$0x1FDC0] =	vst v1;
	v1 =	vor.u32 $0x1C, v0  }
0x1c: {  	s11 =	simm.s32 $0x4800;
	[dreg:$0x5] =	wrdreg s2;
	[tilespmem:$0x1FDD0] =	vst v1;
	v1 =	vor.u32 $0x1D, v0  }
0x1d: {  	s12 =	simm.s32 $0xC00;
	[dreg:$0x6] =	wrdreg s11;
	[tilespmem:$0x1FDE0] =	vst v1;
	v1 =	vor.u32 $0x1E, v0  }
0x1e: {  	s13 =	simm.s32 $0x4C00;
	[dreg:$0x7] =	wrdreg s12;
	[tilespmem:$0x1FDF0] =	vst v1;
	v1 =	vor.u32 $0x1F, v0  }
0x1f: {  	s3 =	simm.s32 $0x1000;
	[dreg:$0x8] =	wrdreg s13;
	[tilespmem:$0x1FE00] =	vst v1;
	v1 =	vor.u32 $0x20, v0  }
0x20: {  	s4 =	simm.s32 $0x5000;
	[dreg:$0x9] =	wrdreg s3;
	[tilespmem:$0x1FE10] =	vst v1;
	v1 =	vor.u32 $0x21, v0  }
0x21: {  	s14 =	simm.s32 $0x1400;
	[dreg:$0xa] =	wrdreg s4;
	[tilespmem:$0x1FE20] =	vst v1;
	v1 =	vor.u32 $0x22, v0  }
0x22: {  	s9 =	simm.s32 $0x5400;
	[dreg:$0xb] =	wrdreg s14;
	[tilespmem:$0x1FE30] =	vst v1;
	v1 =	vor.u32 $0x23, v0  }
0x23: {  	s15 =	simm.s32 $0x1800;
	[dreg:$0xc] =	wrdreg s9;
	[tilespmem:$0x1FE40] =	vst v1;
	v1 =	vor.u32 $0x24, v0  }
0x24: {  	s16 =	simm.s32 $0x5800;
	[dreg:$0xd] =	wrdreg s15;
	[tilespmem:$0x1FE50] =	vst v1;
	v1 =	vor.u32 $0x25, v0  }
0x25: {  	s17 =	simm.s32 $0x1C00;
	[dreg:$0xe] =	wrdreg s16;
	[tilespmem:$0x1FE60] =	vst v1;
	v1 =	vor.u32 $0x26, v0  }
0x26: {  	s18 =	simm.s32 $0x5C00;
	[dreg:$0xf] =	wrdreg s17;
	[tilespmem:$0x1FE70] =	vst v1;
	v1 =	vor.u32 $0x27, v0  }
0x27: {  	s19 =	simm.s32 $0x2000;
	[dreg:$0x10] =	wrdreg s18;
	[tilespmem:$0x1FE80] =	vst v1;
	v1 =	vor.u32 $0x28, v0  }
0x28: {  	s20 =	simm.s32 $0x6000;
	[dreg:$0x11] =	wrdreg s19;
	[tilespmem:$0x1FE90] =	vst v1;
	v1 =	vor.u32 $0x29, v0  }
0x29: {  	s21 =	simm.s32 $0x2400;
	[dreg:$0x12] =	wrdreg s20;
	[tilespmem:$0x1FEA0] =	vst v1;
	v1 =	vor.u32 $0x2A, v0  }
0x2a: {  	s22 =	simm.s32 $0x6400;
	[dreg:$0x13] =	wrdreg s21;
	[tilespmem:$0x1FEB0] =	vst v1;
	v1 =	vor.u32 $0x2B, v0  }
0x2b: {  	s23 =	simm.s32 $0x2800;
	[dreg:$0x14] =	wrdreg s22;
	[tilespmem:$0x1FEC0] =	vst v1;
	v1 =	vor.u32 $0x2C, v0  }
0x2c: {  	s8 =	srdreg.scid;
	s24 =	simm.s32 $0x6800;
	[dreg:$0x15] =	wrdreg s23;
	[tilespmem:$0x1FED0] =	vst v1;
	v1 =	vor.u32 $0x2D, v0  }
0x2d: {  	s25 =	simm.s32 $0x2C00;
	s26 =	simm.s32 $0x6C00;
	[dreg:$0x16] =	wrdreg s24;
	[tilespmem:$0x1FEE0] =	vst v1;
	v1 =	vor.u32 $0x2E, v0  }
0x2e: {  	s28 =	simm.s32 $0x7000;
	s29 =	simm.s32 $0x3400;
	[dreg:$0x17] =	wrdreg s25;
	[tilespmem:$0x1FEF0] =	vst v1;
	v1 =	vor.u32 $0x2F, v0  }
0x2f: {  	s30 =	simm.s32 $0x7400;
	s31 =	simm.s32 $0x3800;
	[dreg:$0x18] =	wrdreg s26;
	[tilespmem:$0x1FF00] =	vst v1;
	v1 =	vor.u32 $0x30, v0  }
0x30: {  	s8 =	sand.u32 $0x1, s8;
	s2 =	sadd.s32 $0x1AA000, s5;
	[dreg:$0x1a] =	wrdreg s28;
	[tilespmem:$0x1FF10] =	vst v1;
	v1 =	vor.u32 $0x31, v0  }
0x31: {  	s3 =	sadd.s32 $0x22E00, s5;
	s4 =	stileid.u32;
	[dreg:$0x1b] =	wrdreg s29;
	[tilespmem:$0x1FF20] =	vst v1;
	v1 =	vor.u32 $0x32, v0  }
0x32: {  	s12 =	sshll.u32 s8, $0x6;
	s8 =	ssub.s32 $0x2, s8;
	[dreg:$0x1c] =	wrdreg s30;
	[tilespmem:$0x1FF30] =	vst v1;
	v1 =	vor.u32 $0x33, v0  }
0x33: {  	s14 =	simm.s32 $0x3000;
	[dreg:$0x1d] =	wrdreg s31;
	s15 =	simm.s32 $0x7800;
	[tilespmem:$0x1FF40] =	vst v1;
	v1 =	vor.u32 $0x34, v0  }
0x34: {  	s16 =	simm.s32 $0x3C00;
	s17 =	simm.s32 $0x7C00;
	s18 =	simm.s32 $0x4000;
	[tilespmem:$0x1FF50] =	vst v1;
	v1 =	vor.u32 $0x35, v0  }
0x35: {  	vm1 =	vcmask $0x308;
	vm2 =	vcmask $0x70C;
	s20 =	simm.s32 $0x8000;
	s19 =	simm.s32 $0x4400;
	[dreg:$0x19] =	wrdreg s14;
	[tilespmem:$0x1FF60] =	vst v1;
	v1 =	vor.u32 $0x36, v0  }
0x36: {  	vm3 =	vcmask $0xB10;
	vm4 =	vcmask $0xF14;
	s21 =	simm.s32 $0x8880;
	s22 =	simm.s32 $0x0;
	[dreg:$0x1e] =	wrdreg s15;
	[tilespmem:$0x1FF70] =	vst v1;
	v1 =	vor.u32 $0x37, v0  }
0x37: {  	vm5 =	vcmask $0x1318;
	vm6 =	vcmask $0x171C;
	s11 =	sshll.u32 s4, $0x7;
	s13 =	sshrl.u32 s8, $0x1;
	[dreg:$0x1f] =	wrdreg s16;
	[tilespmem:$0x1FF80] =	vst v1;
	v1 =	vor.u32 $0x38, v0  }
0x38: {  	vm0 =	vmmov $0x1;
	vm7 =	vcmask $0x1B20;
	s14 =	simm.s32 $0x8400;
	s15 =	simm.s32 $0x8600;
	[smem:$0x7FB] =	sst s17;
	[tilespmem:$0x1FF90] =	vst v1;
	v1 =	vor.u32 $0x39, v0  }
0x39: {  	vm8 =	vcmask $0x1F24;
	vm9 =	vcmask $0x2328;
	s16 =	simm.s32 $0x8800;
	s17 =	simm.s32 $0x2;
	[smem:$0x7FC] =	sst s18;
	[tilespmem:$0x1FFA0] =	vst v1;
	v1 =	vor.u32 $0x3A, v0  }
0x3a: {  	vm10 =	vcmask $0x272C;
	vm11 =	vcmask $0x2B30;
	s18 =	simm.s32 $0x400;
	[smem:$0x7FD] =	sst s20;
	s11 =	sor.u32 s12, s11;
	[tilespmem:$0x1FFB0] =	vst v1;
	v1 =	vor.u32 $0x3B, v0  }
0x3b: {  	vm12 =	vcmask $0x2F34;
	vm13 =	vcmask $0x3338;
	s20 =	simm.s32 $0x1;
	s13 =	ssub.s32 s8, s13;
	s12 =	sadd.s32 s11, s5;
	[tilespmem:$0x1FFC0] =	vst v1;
	v1 =	vor.u32 $0x3C, v0  }
0x3c: {  	vm14 =	vcmask $0x373C;
	vm15 =	vmmov $0x7fff;
	s5 =	sadd.s32 $0x1A9800, s5;
	s6 =	sadd.s32 s6, s11;
	s7 =	sadd.s32 s7, s11;
	[tilespmem:$0x1FFD0] =	vst v1;
	v1 =	vor.u32 $0x3D, v0  }
0x3d: {  	v15 =	vor.u32 $0x1, v0;
	v16 =	vor.u32 $0x2, v0;
	s10 =	sadd.s32 s10, s11;
	s11 =	smax.u32 s13, $0x1;
	s13 =	simm.s32 $0x200;
	[tilespmem:$0x1FFE0] =	vst v1;
	v1 =	vor.u32 $0x3E, v0  }
0x3e: {  	v17 =	vor.u32 $0x3, v0;
	v13 =	vor.u32 $0x4, v0;
	v19 =	vor.u32 $0x5, v0;
	s8 =	sadd.s32 $0x1200, s12;
	s9 =	sadd.s32 $0xA00, s12;
	s12 =	simm.s32 $0x3;
	[tilespmem:$0x1FFF0] =	vst v1  }
.LBB2_1:
0x3f: {  	[tilespmem:s1], [sflag:$0x3] =	stream.linear.gather [hbm4b:s6+s1], $0x200, $0x38;
	[tilespmem:$0x8A80] =	vst v63  }
0x40: {  	_ =	swait.ge [sflag:s12], $0x200  }
0x41: {  	[sflag:s12] =	ssyncset.done $0x0  }
0x42: {  	[sflag:s12] =	ssyncadd.s32 $0xFFFFFE00  }
0x43: {  	[tilespmem:s13], [sflag:$0x3] =	stream.linear.gather [hbm4b:s7+s1], $0x200, $0x38;
	[tilespmem:$0x8A80] =	vst v63  }
0x44: {  	_ =	swait.ge [sflag:s12], $0x200  }
0x45: {  	[sflag:s12] =	ssyncset.done $0x0  }
0x46: {  	[sflag:s12] =	ssyncadd.s32 $0xFFFFFE00  }
0x47: {  	[tilespmem:s14], [sflag:$0x2] =	stream.linear.gather [hbm4b:s8+s1], $0x200, $0x38;
	[tilespmem:$0x8A80] =	vst v63  }
0x48: {  	_ = 	snop  }
0x49: {  	[tilespmem:s15], [sflag:$0x2] =	stream.linear.gather [hbm4b:s9+s1], $0x200, $0x38;
	[tilespmem:$0x8A80] =	vst v63  }
0x4a: {  	_ = 	snop  }
0x4b: {  	[tilespmem:s16], [sflag:$0x3] =	stream.linear.gather [hbm4b:s5+s1], $0x80, $0x38;
	[tilespmem:$0x8A80] =	vst v63  }
0x4c: {  	_ =	swait.ge [sflag:s12], $0x80  }
0x4d: {  	[sflag:s12] =	ssyncset.done $0x0  }
0x4e: {  	[sflag:s12] =	ssyncadd.s32 $0xFFFFFF80  }
0x4f: {  	_ =	swait.ge [sflag:s17], $0x200  }
0x50: {  	[sflag:s17] =	ssyncset.done $0x0  }
0x51: {  	[sflag:s17] =	ssyncadd.s32 $0xFFFFFE00  }
0x52: {  	_ =	swait.ge [sflag:s17], $0x200  }
0x53: {  	v35 =	vld [tilespmem:$0x1FD60]  }
0x54: {  	v36 =	vld [tilespmem:$0x1FD70]  }
0x55: {  	v37 =	vld [tilespmem:$0x1FD80]  }
0x56: {  	v38 =	vld [tilespmem:$0x1FD90]  }
0x57: {  	v39 =	vld [tilespmem:$0x1FDA0]  }
0x58: {  	v40 =	vld [tilespmem:$0x1FDB0]  }
0x59: {  	v41 =	vld [tilespmem:$0x1FDC0]  }
0x5a: {  	v42 =	vld [tilespmem:$0x1FDD0]  }
0x5b: {  	v43 =	vld [tilespmem:$0x1FDE0]  }
0x5c: {  	v44 =	vld [tilespmem:$0x1FDF0]  }
0x5d: {  	v45 =	vld [tilespmem:$0x1FE00]  }
0x5e: {  	v46 =	vld [tilespmem:$0x1FE10]  }
0x5f: {  	v47 =	vld [tilespmem:$0x1FE20]  }
0x60: {  	v48 =	vld [tilespmem:$0x1FE30]  }
0x61: {  	v49 =	vld [tilespmem:$0x1FE40]  }
0x62: {  	v50 =	vld [tilespmem:$0x1FE50]  }
0x63: {  	v51 =	vld [tilespmem:$0x1FE60]  }
0x64: {  	v52 =	vld [tilespmem:$0x1FE70]  }
0x65: {  	v53 =	vld [tilespmem:$0x1FE80]  }
0x66: {  	v54 =	vld [tilespmem:$0x1FE90]  }
0x67: {  	v55 =	vld [tilespmem:$0x1FEA0]  }
0x68: {  	v56 =	vld [tilespmem:$0x1FEB0]  }
0x69: {  	v57 =	vld [tilespmem:$0x1FEC0]  }
0x6a: {  	v58 =	vld [tilespmem:$0x1FED0]  }
0x6b: {  	v59 =	vld [tilespmem:$0x1FEE0]  }
0x6c: {  	v60 =	vld [tilespmem:$0x1FEF0]  }
0x6d: {  	v61 =	vld [tilespmem:$0x1FF00]  }
0x6e: {  	v62 =	vld [tilespmem:$0x1FF10]  }
0x6f: {  	v20 =	vld [tilespmem:$0x1FF20]  }
0x70: {  	v21 =	vld [tilespmem:$0x1FF30]  }
0x71: {  	v22 =	vld [tilespmem:$0x1FF40]  }
0x72: {  	v23 =	vld [tilespmem:$0x1FF50]  }
0x73: {  	v24 =	vld [tilespmem:$0x1FF60]  }
0x74: {  	v25 =	vld [tilespmem:$0x1FF70]  }
0x75: {  	v26 =	vld [tilespmem:$0x1FF80]  }
0x76: {  	[sflag:s17] =	ssyncset.done $0x0;
	v27 =	vld [tilespmem:$0x1FF90]  }
0x77: {  	v28 =	vld [tilespmem:$0x1FFA0];
	[sflag:s17] =	ssyncadd.s32 $0xFFFFFE00  }
0x78: {  	v1 =	vld [tilespmem:$0x8800]  }
0x79: {  	v29 =	vld [tilespmem:$0x1FFB0]  }
0x7a: {  	v30 =	vld [tilespmem:$0x1FFC0]  }
0x7b: {  	v31 =	vld [tilespmem:$0x1FFD0]  }
0x7c: {  	v32 =	vld [tilespmem:$0x1FFE0]  }
0x7d: {  	s23 =	simm.s32 $0x0;
	v33 =	vld [tilespmem:$0x1FFF0];
	[tilespmem:$0x1FC60] =	vst v1  }
.LBB2_2:
0x7e: {  	s24 =	sshra.s32 s23, $0x2  }
0x7f: {  	v63 =	vld [tilespmem:s24+$0x200]  }
0x80: {  	v1 =	vld [tilespmem:s24+$0x0];
	_ =	sdelay $0x3  }
0x81: {  	v2 =	vnsel vm0, $0x0, v63  }
0x82: {  	v3 =	vnsel vm0, $0x0, v1;
	v2 =	vxor.u32 $0x80000000, v2  }
0x83: {  	(xrf0) =	vmax.scan.msk.u32 $0xffff, v2;
	v2 =	vxor.u32 $0x80000000, v3  }
0x84: {  	(xrf0) =	vmax.scan.msk.u32 $0xffff, v2;
	_ =	sdelay $0x4  }
0x85: {  	v2, _, _ =	vpop (xrf0)  }
0x86: {  	(v2sf) =	vpush v2, $0xF;
	v2, _, _ =	vpop (xrf0)  }
0x87: {  	(v2sf) =	vpush v2, $0xF;
	v2 =	vsel vm1, $0x0, v63  }
0x88: {  	v3 =	vsel vm1, $0x0, v1;
	v2 =	vxor.u32 $0x80000000, v2  }
0x89: {  	(xrf0) =	vmax.scan.msk.u32 $0xffff, v2;
	v2 =	vxor.u32 $0x80000000, v3  }
0x8a: {  	(xrf0) =	vmax.scan.msk.u32 $0xffff, v2;
	_ =	sdelay $0x4  }
0x8b: {  	v2, _, _ =	vpop (xrf0)  }
0x8c: {  	(v2sf) =	vpush v2, $0xF;
	v2, _, _ =	vpop (xrf0)  }
0x8d: {  	(v2sf) =	vpush v2, $0xF;
	v2 =	vsel vm2, $0x0, v63  }
0x8e: {  	v3 =	vsel vm2, $0x0, v1;
	v2 =	vxor.u32 $0x80000000, v2  }
0x8f: {  	(xrf0) =	vmax.scan.msk.u32 $0xffff, v2;
	v2 =	vxor.u32 $0x80000000, v3  }
0x90: {  	(xrf0) =	vmax.scan.msk.u32 $0xffff, v2;
	_ =	sdelay $0x4  }
0x91: {  	v2, _, _ =	vpop (xrf0)  }
0x92: {  	s25 =	spop (v2sf);
	(v2sf) =	vpush v2, $0xF;
	v2, _, _ =	vpop (xrf0)  }
0x93: {  	s26 =	spop (v2sf);
	(v2sf) =	vpush v2, $0xF;
	v2 =	vsel vm3, $0x0, v63  }
0x94: {  	v3 =	vsel vm3, $0x0, v1;
	v2 =	vxor.u32 $0x80000000, v2  }
0x95: {  	(xrf0) =	vmax.scan.msk.u32 $0xffff, v2;
	v2 =	vxor.u32 $0x80000000, v3  }
0x96: {  	(xrf0) =	vmax.scan.msk.u32 $0xffff, v2;
	_ =	sdelay $0x4  }
0x97: {  	s26 =	sshll.u32 s26, $0x4;
	v2, _, _ =	vpop (xrf0)  }
0x98: {  	s26 =	sand.u32 $0xFFFFF80, s26;
	s31 =	spop (v2sf);
	(v2sf) =	vpush v2, $0xF;
	v2, _, _ =	vpop (xrf0)  }
0x99: {  	s25 =	sshll.u32 s25, $0x4;
	s26 =	sadd.s32 s2, s26;
	s29 =	spop (v2sf);
	(v2sf) =	vpush v2, $0xF;
	v2 =	vsel vm4, $0x0, v63  }
0x9a: {  	[tilespmem:s18], [sflag:$0x1] =	stream.linear.gather [hbm4b:s26+s1], $0x400, $0x38;
	v3 =	vsel vm4, $0x0, v1;
	v2 =	vxor.u32 $0x80000000, v2;
	[tilespmem:$0x8A80] =	vst v63  }
0x9b: {  	s25 =	sand.u32 $0xFFFFF80, s25;
	(xrf0) =	vmax.scan.msk.u32 $0xffff, v2;
	v2 =	vxor.u32 $0x80000000, v3  }
0x9c: {  	s25 =	sadd.s32 s3, s25;
	(xrf0) =	vmax.scan.msk.u32 $0xffff, v2  }
0x9d: {  	[tilespmem:s19], [sflag:$0x1] =	stream.linear.gather [hbm4b:s25+s1], $0x400, $0x38;
	[tilespmem:$0x8A80] =	vst v63  }
0x9e: {  	s26 =	sshll.u32 s29, $0x4  }
0x9f: {  	s26 =	sand.u32 $0xFFFFF80, s26  }
0xa0: {  	s28 =	rddreg [dreg:$0x5];
	s26 =	sadd.s32 s2, s26  }
0xa1: {  	[tilespmem:s28], [sflag:$0x1] =	stream.linear.gather [hbm4b:s26+s1], $0x400, $0x38;
	v2, _, _ =	vpop (xrf0);
	[tilespmem:$0x8A80] =	vst v63  }
0xa2: {  	s25 =	sshll.u32 s31, $0x4;
	s31 =	spop (v2sf);
	(v2sf) =	vpush v2, $0xF;
	v2, _, _ =	vpop (xrf0)  }
0xa3: {  	s28 =	spop (v2sf);
	(v2sf) =	vpush v2, $0xF;
	v2 =	vsel vm5, $0x0, v63  }
0xa4: {  	v3 =	vsel vm5, $0x0, v1;
	v2 =	vxor.u32 $0x80000000, v2  }
0xa5: {  	(xrf0) =	vmax.scan.msk.u32 $0xffff, v2;
	v2 =	vxor.u32 $0x80000000, v3  }
0xa6: {  	(xrf0) =	vmax.scan.msk.u32 $0xffff, v2;
	_ =	sdelay $0x2  }
0xa7: {  	s25 =	sand.u32 $0xFFFFF80, s25  }
0xa8: {  	s30 =	rddreg [dreg:$0x6];
	s25 =	sadd.s32 s3, s25  }
0xa9: {  	[tilespmem:s30], [sflag:$0x1] =	stream.linear.gather [hbm4b:s25+s1], $0x400, $0x38;
	v2, _, _ =	vpop (xrf0);
	[tilespmem:$0x8A80] =	vst v63  }
0xaa: {  	s25 =	sshll.u32 s31, $0x4;
	s31 =	spop (v2sf);
	(v2sf) =	vpush v2, $0xF;
	v2, _, _ =	vpop (xrf0)  }
0xab: {  	s26 =	sshll.u32 s28, $0x4;
	s28 =	spop (v2sf);
	(v2sf) =	vpush v2, $0xF;
	v2 =	vsel vm6, $0x0, v63  }
0xac: {  	v3 =	vsel vm6, $0x0, v1;
	v2 =	vxor.u32 $0x80000000, v2  }
0xad: {  	(xrf0) =	vmax.scan.msk.u32 $0xffff, v2;
	v2 =	vxor.u32 $0x80000000, v3  }
0xae: {  	(xrf0) =	vmax.scan.msk.u32 $0xffff, v2  }
0xaf: {  	s26 =	sand.u32 $0xFFFFF80, s26  }
0xb0: {  	s29 =	rddreg [dreg:$0x7];
	s25 =	sand.u32 $0xFFFFF80, s25;
	s26 =	sadd.s32 s2, s26  }
0xb1: {  	[tilespmem:s29], [sflag:$0x1] =	stream.linear.gather [hbm4b:s26+s1], $0x400, $0x38;
	[tilespmem:$0x8A80] =	vst v63  }
0xb2: {  	s30 =	rddreg [dreg:$0x8];
	s25 =	sadd.s32 s3, s25  }
0xb3: {  	[tilespmem:s30], [sflag:$0x1] =	stream.linear.gather [hbm4b:s25+s1], $0x400, $0x38;
	v2, _, _ =	vpop (xrf0);
	[tilespmem:$0x8A80] =	vst v63  }
0xb4: {  	s25 =	sshll.u32 s31, $0x4;
	s31 =	spop (v2sf);
	(v2sf) =	vpush v2, $0xF;
	v2, _, _ =	vpop (xrf0)  }
0xb5: {  	s26 =	sshll.u32 s28, $0x4;
	s28 =	spop (v2sf);
	(v2sf) =	vpush v2, $0xF;
	v2 =	vsel vm7, $0x0, v63  }
0xb6: {  	v3 =	vsel vm7, $0x0, v1;
	v2 =	vxor.u32 $0x80000000, v2  }
0xb7: {  	(xrf0) =	vmax.scan.msk.u32 $0xffff, v2;
	v2 =	vxor.u32 $0x80000000, v3  }
0xb8: {  	(xrf0) =	vmax.scan.msk.u32 $0xffff, v2  }
0xb9: {  	s26 =	sand.u32 $0xFFFFF80, s26  }
0xba: {  	s29 =	rddreg [dreg:$0x9];
	s25 =	sand.u32 $0xFFFFF80, s25;
	s26 =	sadd.s32 s2, s26  }
0xbb: {  	[tilespmem:s29], [sflag:$0x1] =	stream.linear.gather [hbm4b:s26+s1], $0x400, $0x38;
	[tilespmem:$0x8A80] =	vst v63  }
0xbc: {  	s30 =	rddreg [dreg:$0xa];
	s25 =	sadd.s32 s3, s25  }
0xbd: {  	[tilespmem:s30], [sflag:$0x1] =	stream.linear.gather [hbm4b:s25+s1], $0x400, $0x38;
	v2, _, _ =	vpop (xrf0);
	[tilespmem:$0x8A80] =	vst v63  }
0xbe: {  	s25 =	sshll.u32 s31, $0x4;
	s31 =	spop (v2sf);
	(v2sf) =	vpush v2, $0xF;
	v2, _, _ =	vpop (xrf0)  }
0xbf: {  	s26 =	sshll.u32 s28, $0x4;
	s28 =	spop (v2sf);
	(v2sf) =	vpush v2, $0xF;
	v2 =	vsel vm8, $0x0, v63  }
0xc0: {  	v3 =	vsel vm8, $0x0, v1;
	v2 =	vxor.u32 $0x80000000, v2  }
0xc1: {  	(xrf0) =	vmax.scan.msk.u32 $0xffff, v2;
	v2 =	vxor.u32 $0x80000000, v3  }
0xc2: {  	(xrf0) =	vmax.scan.msk.u32 $0xffff, v2  }
0xc3: {  	s26 =	sand.u32 $0xFFFFF80, s26  }
0xc4: {  	s29 =	rddreg [dreg:$0xb];
	s25 =	sand.u32 $0xFFFFF80, s25;
	s26 =	sadd.s32 s2, s26  }
0xc5: {  	[tilespmem:s29], [sflag:$0x1] =	stream.linear.gather [hbm4b:s26+s1], $0x400, $0x38;
	[tilespmem:$0x8A80] =	vst v63  }
0xc6: {  	s30 =	rddreg [dreg:$0xc];
	s25 =	sadd.s32 s3, s25  }
0xc7: {  	[tilespmem:s30], [sflag:$0x1] =	stream.linear.gather [hbm4b:s25+s1], $0x400, $0x38;
	v2, _, _ =	vpop (xrf0);
	[tilespmem:$0x8A80] =	vst v63  }
0xc8: {  	s25 =	sshll.u32 s31, $0x4;
	s31 =	spop (v2sf);
	(v2sf) =	vpush v2, $0xF;
	v2, _, _ =	vpop (xrf0)  }
0xc9: {  	s26 =	sshll.u32 s28, $0x4;
	s28 =	spop (v2sf);
	(v2sf) =	vpush v2, $0xF;
	v2 =	vsel vm9, $0x0, v63  }
0xca: {  	v3 =	vsel vm9, $0x0, v1;
	v2 =	vxor.u32 $0x80000000, v2  }
0xcb: {  	(xrf0) =	vmax.scan.msk.u32 $0xffff, v2;
	v2 =	vxor.u32 $0x80000000, v3  }
0xcc: {  	(xrf0) =	vmax.scan.msk.u32 $0xffff, v2  }
0xcd: {  	s26 =	sand.u32 $0xFFFFF80, s26  }
0xce: {  	s29 =	rddreg [dreg:$0xd];
	s25 =	sand.u32 $0xFFFFF80, s25;
	s26 =	sadd.s32 s2, s26  }
0xcf: {  	[tilespmem:s29], [sflag:$0x1] =	stream.linear.gather [hbm4b:s26+s1], $0x400, $0x38;
	[tilespmem:$0x8A80] =	vst v63  }
0xd0: {  	s30 =	rddreg [dreg:$0xe];
	s25 =	sadd.s32 s3, s25  }
0xd1: {  	[tilespmem:s30], [sflag:$0x1] =	stream.linear.gather [hbm4b:s25+s1], $0x400, $0x38;
	v2, _, _ =	vpop (xrf0);
	[tilespmem:$0x8A80] =	vst v63  }
0xd2: {  	s25 =	sshll.u32 s31, $0x4;
	s31 =	spop (v2sf);
	(v2sf) =	vpush v2, $0xF;
	v2, _, _ =	vpop (xrf0)  }
0xd3: {  	s26 =	sshll.u32 s28, $0x4;
	s28 =	spop (v2sf);
	(v2sf) =	vpush v2, $0xF;
	v2 =	vsel vm10, $0x0, v63  }
0xd4: {  	v3 =	vsel vm10, $0x0, v1;
	v2 =	vxor.u32 $0x80000000, v2  }
0xd5: {  	(xrf0) =	vmax.scan.msk.u32 $0xffff, v2;
	v2 =	vxor.u32 $0x80000000, v3  }
0xd6: {  	(xrf0) =	vmax.scan.msk.u32 $0xffff, v2  }
0xd7: {  	s26 =	sand.u32 $0xFFFFF80, s26  }
0xd8: {  	s29 =	rddreg [dreg:$0xf];
	s25 =	sand.u32 $0xFFFFF80, s25;
	s26 =	sadd.s32 s2, s26  }
0xd9: {  	[tilespmem:s29], [sflag:$0x1] =	stream.linear.gather [hbm4b:s26+s1], $0x400, $0x38;
	[tilespmem:$0x8A80] =	vst v63  }
0xda: {  	s30 =	rddreg [dreg:$0x10];
	s25 =	sadd.s32 s3, s25  }
0xdb: {  	[tilespmem:s30], [sflag:$0x1] =	stream.linear.gather [hbm4b:s25+s1], $0x400, $0x38;
	v2, _, _ =	vpop (xrf0);
	[tilespmem:$0x8A80] =	vst v63  }
0xdc: {  	s25 =	sshll.u32 s31, $0x4;
	s31 =	spop (v2sf);
	(v2sf) =	vpush v2, $0xF;
	v2, _, _ =	vpop (xrf0)  }
0xdd: {  	s26 =	sshll.u32 s28, $0x4;
	s28 =	spop (v2sf);
	(v2sf) =	vpush v2, $0xF;
	v2 =	vsel vm11, $0x0, v63  }
0xde: {  	v3 =	vsel vm11, $0x0, v1;
	v2 =	vxor.u32 $0x80000000, v2  }
0xdf: {  	(xrf0) =	vmax.scan.msk.u32 $0xffff, v2;
	v2 =	vxor.u32 $0x80000000, v3  }
0xe0: {  	(xrf0) =	vmax.scan.msk.u32 $0xffff, v2  }
0xe1: {  	s26 =	sand.u32 $0xFFFFF80, s26  }
0xe2: {  	s29 =	rddreg [dreg:$0x11];
	s25 =	sand.u32 $0xFFFFF80, s25;
	s26 =	sadd.s32 s2, s26  }
0xe3: {  	[tilespmem:s29], [sflag:$0x1] =	stream.linear.gather [hbm4b:s26+s1], $0x400, $0x38;
	[tilespmem:$0x8A80] =	vst v63  }
0xe4: {  	s30 =	rddreg [dreg:$0x12];
	s25 =	sadd.s32 s3, s25  }
0xe5: {  	[tilespmem:s30], [sflag:$0x1] =	stream.linear.gather [hbm4b:s25+s1], $0x400, $0x38;
	v2, _, _ =	vpop (xrf0);
	[tilespmem:$0x8A80] =	vst v63  }
0xe6: {  	s25 =	sshll.u32 s31, $0x4;
	s31 =	spop (v2sf);
	(v2sf) =	vpush v2, $0xF;
	v2, _, _ =	vpop (xrf0)  }
0xe7: {  	s26 =	sshll.u32 s28, $0x4;
	s28 =	spop (v2sf);
	(v2sf) =	vpush v2, $0xF;
	v2 =	vsel vm12, $0x0, v63  }
0xe8: {  	v3 =	vsel vm12, $0x0, v1;
	v2 =	vxor.u32 $0x80000000, v2  }
0xe9: {  	(xrf0) =	vmax.scan.msk.u32 $0xffff, v2;
	v2 =	vxor.u32 $0x80000000, v3  }
0xea: {  	s26 =	sand.u32 $0xFFFFF80, s26;
	(xrf0) =	vmax.scan.msk.u32 $0xffff, v2  }
0xeb: {  	s29 =	rddreg [dreg:$0x13];
	s25 =	sand.u32 $0xFFFFF80, s25;
	s26 =	sadd.s32 s2, s26  }
0xec: {  	[tilespmem:s29], [sflag:$0x1] =	stream.linear.gather [hbm4b:s26+s1], $0x400, $0x38;
	[tilespmem:$0x8A80] =	vst v63  }
0xed: {  	s30 =	rddreg [dreg:$0x14];
	s25 =	sadd.s32 s3, s25  }
0xee: {  	[tilespmem:s30], [sflag:$0x1] =	stream.linear.gather [hbm4b:s25+s1], $0x400, $0x38;
	[tilespmem:$0x8A80] =	vst v63  }
0xef: {  	s26 =	sshll.u32 s28, $0x4;
	v2, _, _ =	vpop (xrf0)  }
0xf0: {  	s25 =	sshll.u32 s31, $0x4;
	s26 =	sand.u32 $0xFFFFF80, s26;
	s31 =	spop (v2sf);
	(v2sf) =	vpush v2, $0xF;
	v2, _, _ =	vpop (xrf0)  }
0xf1: {  	s29 =	rddreg [dreg:$0x15];
	s26 =	sadd.s32 s2, s26;
	s28 =	spop (v2sf);
	(v2sf) =	vpush v2, $0xF;
	v2 =	vsel vm13, $0x0, v63  }
0xf2: {  	[tilespmem:s29], [sflag:$0x1] =	stream.linear.gather [hbm4b:s26+s1], $0x400, $0x38;
	v3 =	vsel vm13, $0x0, v1;
	v2 =	vxor.u32 $0x80000000, v2;
	[tilespmem:$0x8A80] =	vst v63  }
0xf3: {  	s25 =	sand.u32 $0xFFFFF80, s25;
	(xrf0) =	vmax.scan.msk.u32 $0xffff, v2;
	v2 =	vxor.u32 $0x80000000, v3  }
0xf4: {  	s30 =	rddreg [dreg:$0x16];
	s25 =	sadd.s32 s3, s25;
	(xrf0) =	vmax.scan.msk.u32 $0xffff, v2  }
0xf5: {  	[tilespmem:s30], [sflag:$0x1] =	stream.linear.gather [hbm4b:s25+s1], $0x400, $0x38;
	[tilespmem:$0x8A80] =	vst v63  }
0xf6: {  	s26 =	sshll.u32 s28, $0x4  }
0xf7: {  	s26 =	sand.u32 $0xFFFFF80, s26  }
0xf8: {  	s29 =	rddreg [dreg:$0x17];
	s25 =	sshll.u32 s31, $0x4;
	s26 =	sadd.s32 s2, s26;
	v3 =	vsel vm14, $0x0, v63  }
0xf9: {  	[tilespmem:s29], [sflag:$0x1] =	stream.linear.gather [hbm4b:s26+s1], $0x400, $0x38;
	v3 =	vxor.u32 $0x80000000, v3;
	v2, _, _ =	vpop (xrf0);
	[tilespmem:$0x8A80] =	vst v63  }
0xfa: {  	s25 =	sand.u32 $0xFFFFF80, s25;
	s31 =	spop (v2sf);
	(xrf0) =	vmax.scan.msk.u32 $0xffff, v3;
	(v2sf) =	vpush v2, $0xF;
	v2, _, _ =	vpop (xrf0)  }
0xfb: {  	s30 =	rddreg [dreg:$0x18];
	s25 =	sadd.s32 s3, s25;
	s28 =	spop (v2sf);
	(v2sf) =	vpush v2, $0xF;
	v2 =	vsel vm14, $0x0, v1  }
0xfc: {  	[tilespmem:s30], [sflag:$0x1] =	stream.linear.gather [hbm4b:s25+s1], $0x400, $0x38;
	v2 =	vxor.u32 $0x80000000, v2;
	[tilespmem:$0x8A80] =	vst v63  }
0xfd: {  	s26 =	sshll.u32 s28, $0x4;
	(xrf0) =	vmax.scan.msk.u32 $0xffff, v2  }
0xfe: {  	s25 =	sshll.u32 s31, $0x4;
	s26 =	sand.u32 $0xFFFFF80, s26  }
0xff: {  	s29 =	rddreg [dreg:$0x19];
	s25 =	sand.u32 $0xFFFFF80, s25;
	s26 =	sadd.s32 s2, s26  }
0x100: {  	[tilespmem:s29], [sflag:$0x1] =	stream.linear.gather [hbm4b:s26+s1], $0x400, $0x38;
	v2, _, _ =	vpop (xrf0);
	[tilespmem:$0x8A80] =	vst v63  }
0x101: {  	s30 =	rddreg [dreg:$0x1a];
	s25 =	sadd.s32 s3, s25;
	s31 =	spop (v2sf);
	(v2sf) =	vpush v2, $0xF;
	v2 =	vsel vm15, $0x0, v63  }
0x102: {  	[tilespmem:s30], [sflag:$0x1] =	stream.linear.gather [hbm4b:s25+s1], $0x400, $0x38;
	v2 =	vxor.u32 $0x80000000, v2;
	[tilespmem:$0x8A80] =	vst v63  }
0x103: {  	(xrf0) =	vmax.scan.msk.u32 $0xffff, v2;
	v2 =	vsel vm15, $0x0, v1;
	v3, _, _ =	vpop (xrf0)  }
0x104: {  	s28 =	spop (v2sf);
	v2 =	vxor.u32 $0x80000000, v2;
	(v2sf) =	vpush v3, $0xF  }
0x105: {  	(xrf0) =	vmax.scan.msk.u32 $0xffff, v2  }
0x106: {  	s26 =	sshll.u32 s28, $0x4  }
0x107: {  	s25 =	sshll.u32 s31, $0x4;
	s26 =	sand.u32 $0xFFFFF80, s26  }
0x108: {  	s29 =	rddreg [dreg:$0x1b];
	s25 =	sand.u32 $0xFFFFF80, s25;
	s26 =	sadd.s32 s2, s26  }
0x109: {  	[tilespmem:s29], [sflag:$0x1] =	stream.linear.gather [hbm4b:s26+s1], $0x400, $0x38;
	v2, _, _ =	vpop (xrf0);
	[tilespmem:$0x8A80] =	vst v63  }
0x10a: {  	s30 =	rddreg [dreg:$0x1c];
	s25 =	sadd.s32 s3, s25;
	s31 =	spop (v2sf);
	(v2sf) =	vpush v2, $0xF  }
0x10b: {  	[tilespmem:s30], [sflag:$0x1] =	stream.linear.gather [hbm4b:s25+s1], $0x400, $0x38;
	v2, _, _ =	vpop (xrf0);
	[tilespmem:$0x8A80] =	vst v63  }
0x10c: {  	s29 =	spop (v2sf);
	(v2sf) =	vpush v2, $0xF  }
0x10d: {  	s26 =	sshll.u32 s29, $0x4  }
0x10e: {  	s25 =	sshll.u32 s31, $0x4;
	s26 =	sand.u32 $0xFFFFF80, s26  }
0x10f: {  	s30 =	rddreg [dreg:$0x1d];
	s25 =	sand.u32 $0xFFFFF80, s25;
	s26 =	sadd.s32 s2, s26  }
0x110: {  	[tilespmem:s30], [sflag:$0x1] =	stream.linear.gather [hbm4b:s26+s1], $0x400, $0x38;
	[tilespmem:$0x8A80] =	vst v63  }
0x111: {  	s31 =	rddreg [dreg:$0x1e];
	s25 =	sadd.s32 s3, s25;
	s29 =	spop (v2sf)  }
0x112: {  	[tilespmem:s31], [sflag:$0x1] =	stream.linear.gather [hbm4b:s25+s1], $0x400, $0x38;
	[tilespmem:$0x8A80] =	vst v63  }
0x113: {  	s30 =	spop (v2sf)  }
0x114: {  	s25 =	sshll.u32 s30, $0x4  }
0x115: {  	s31 =	rddreg [dreg:$0x1f];
	s25 =	sand.u32 $0xFFFFF80, s25  }
0x116: {  	s29 =	sshll.u32 s29, $0x4;
	s30 =	sld [smem:$0x7FB];
	s25 =	sadd.s32 s2, s25  }
0x117: {  	[tilespmem:s31], [sflag:$0x1] =	stream.linear.gather [hbm4b:s25+s1], $0x400, $0x38;
	[tilespmem:$0x8A80] =	vst v63  }
0x118: {  	s25 =	sand.u32 $0xFFFFF80, s29  }
0x119: {  	s31 =	spop (v2sf);
	s25 =	sadd.s32 s3, s25  }
0x11a: {  	[tilespmem:s30], [sflag:$0x1] =	stream.linear.gather [hbm4b:s25+s1], $0x400, $0x38;
	[tilespmem:$0x8A80] =	vst v63  }
0x11b: {  	s26 =	spop (v2sf)  }
0x11c: {  	s29 =	sld [smem:$0x7FC];
	s25 =	sshll.u32 s26, $0x4  }
0x11d: {  	s25 =	sand.u32 $0xFFFFF80, s25  }
0x11e: {  	s30 =	sshll.u32 s31, $0x4;
	s31 =	sld [smem:$0x7FD];
	s25 =	sadd.s32 s2, s25  }
0x11f: {  	[tilespmem:s29], [sflag:$0x1] =	stream.linear.gather [hbm4b:s25+s1], $0x400, $0x38;
	[tilespmem:$0x8A80] =	vst v63  }
0x120: {  	s25 =	sand.u32 $0xFFFFF80, s30  }
0x121: {  	s25 =	sadd.s32 s3, s25  }
0x122: {  	[tilespmem:s31], [sflag:$0x1] =	stream.linear.gather [hbm4b:s25+s1], $0x400, $0x38;
	[tilespmem:$0x8A80] =	vst v63  }
0x123: {  	_ =	swait.ge [sflag:s20], $0x400  }
0x124: {  	[sflag:s20] =	ssyncset.done $0x0  }
0x125: {  	[sflag:s20] =	ssyncadd.s32 $0xFFFFFC00  }
0x126: {  	_ =	swait.ge [sflag:s20], $0x400  }
0x127: {  	[sflag:s20] =	ssyncset.done $0x0  }
0x128: {  	[sflag:s20] =	ssyncadd.s32 $0xFFFFFC00  }
0x129: {  	_ =	swait.ge [sflag:s20], $0x400  }
0x12a: {  	[sflag:s20] =	ssyncset.done $0x0  }
0x12b: {  	[sflag:s20] =	ssyncadd.s32 $0xFFFFFC00  }
0x12c: {  	_ =	swait.ge [sflag:s20], $0x400  }
0x12d: {  	[sflag:s20] =	ssyncset.done $0x0  }
0x12e: {  	[sflag:s20] =	ssyncadd.s32 $0xFFFFFC00  }
0x12f: {  	_ =	swait.ge [sflag:s20], $0x400  }
0x130: {  	[sflag:s20] =	ssyncset.done $0x0  }
0x131: {  	[sflag:s20] =	ssyncadd.s32 $0xFFFFFC00  }
0x132: {  	_ =	swait.ge [sflag:s20], $0x400  }
0x133: {  	[sflag:s20] =	ssyncset.done $0x0  }
0x134: {  	[sflag:s20] =	ssyncadd.s32 $0xFFFFFC00  }
0x135: {  	_ =	swait.ge [sflag:s20], $0x400  }
0x136: {  	[sflag:s20] =	ssyncset.done $0x0  }
0x137: {  	[sflag:s20] =	ssyncadd.s32 $0xFFFFFC00  }
0x138: {  	_ =	swait.ge [sflag:s20], $0x400  }
0x139: {  	[sflag:s20] =	ssyncset.done $0x0  }
0x13a: {  	[sflag:s20] =	ssyncadd.s32 $0xFFFFFC00  }
0x13b: {  	_ =	swait.ge [sflag:s20], $0x400  }
0x13c: {  	[sflag:s20] =	ssyncset.done $0x0  }
0x13d: {  	[sflag:s20] =	ssyncadd.s32 $0xFFFFFC00  }
0x13e: {  	_ =	swait.ge [sflag:s20], $0x400  }
0x13f: {  	[sflag:s20] =	ssyncset.done $0x0  }
0x140: {  	[sflag:s20] =	ssyncadd.s32 $0xFFFFFC00  }
0x141: {  	_ =	swait.ge [sflag:s20], $0x400  }
0x142: {  	[sflag:s20] =	ssyncset.done $0x0  }
0x143: {  	[sflag:s20] =	ssyncadd.s32 $0xFFFFFC00  }
0x144: {  	_ =	swait.ge [sflag:s20], $0x400  }
0x145: {  	[sflag:s20] =	ssyncset.done $0x0  }
0x146: {  	[sflag:s20] =	ssyncadd.s32 $0xFFFFFC00  }
0x147: {  	_ =	swait.ge [sflag:s20], $0x400  }
0x148: {  	[sflag:s20] =	ssyncset.done $0x0  }
0x149: {  	[sflag:s20] =	ssyncadd.s32 $0xFFFFFC00  }
0x14a: {  	_ =	swait.ge [sflag:s20], $0x400  }
0x14b: {  	[sflag:s20] =	ssyncset.done $0x0  }
0x14c: {  	[sflag:s20] =	ssyncadd.s32 $0xFFFFFC00  }
0x14d: {  	_ =	swait.ge [sflag:s20], $0x400  }
0x14e: {  	[sflag:s20] =	ssyncset.done $0x0  }
0x14f: {  	[sflag:s20] =	ssyncadd.s32 $0xFFFFFC00  }
0x150: {  	_ =	swait.ge [sflag:s20], $0x400  }
0x151: {  	[sflag:s20] =	ssyncset.done $0x0  }
0x152: {  	[sflag:s20] =	ssyncadd.s32 $0xFFFFFC00  }
0x153: {  	_ =	swait.ge [sflag:s20], $0x400  }
0x154: {  	[sflag:s20] =	ssyncset.done $0x0  }
0x155: {  	[sflag:s20] =	ssyncadd.s32 $0xFFFFFC00  }
0x156: {  	_ =	swait.ge [sflag:s20], $0x400  }
0x157: {  	[sflag:s20] =	ssyncset.done $0x0  }
0x158: {  	[sflag:s20] =	ssyncadd.s32 $0xFFFFFC00  }
0x159: {  	_ =	swait.ge [sflag:s20], $0x400  }
0x15a: {  	[sflag:s20] =	ssyncset.done $0x0  }
0x15b: {  	[sflag:s20] =	ssyncadd.s32 $0xFFFFFC00  }
0x15c: {  	_ =	swait.ge [sflag:s20], $0x400  }
0x15d: {  	[sflag:s20] =	ssyncset.done $0x0  }
0x15e: {  	[sflag:s20] =	ssyncadd.s32 $0xFFFFFC00  }
0x15f: {  	_ =	swait.ge [sflag:s20], $0x400  }
0x160: {  	[sflag:s20] =	ssyncset.done $0x0  }
0x161: {  	[sflag:s20] =	ssyncadd.s32 $0xFFFFFC00  }
0x162: {  	_ =	swait.ge [sflag:s20], $0x400  }
0x163: {  	[sflag:s20] =	ssyncset.done $0x0  }
0x164: {  	[sflag:s20] =	ssyncadd.s32 $0xFFFFFC00  }
0x165: {  	_ =	swait.ge [sflag:s20], $0x400  }
0x166: {  	[sflag:s20] =	ssyncset.done $0x0  }
0x167: {  	[sflag:s20] =	ssyncadd.s32 $0xFFFFFC00  }
0x168: {  	_ =	swait.ge [sflag:s20], $0x400  }
0x169: {  	[sflag:s20] =	ssyncset.done $0x0  }
0x16a: {  	[sflag:s20] =	ssyncadd.s32 $0xFFFFFC00  }
0x16b: {  	_ =	swait.ge [sflag:s20], $0x400  }
0x16c: {  	[sflag:s20] =	ssyncset.done $0x0  }
0x16d: {  	[sflag:s20] =	ssyncadd.s32 $0xFFFFFC00  }
0x16e: {  	_ =	swait.ge [sflag:s20], $0x400  }
0x16f: {  	[sflag:s20] =	ssyncset.done $0x0  }
0x170: {  	[sflag:s20] =	ssyncadd.s32 $0xFFFFFC00  }
0x171: {  	_ =	swait.ge [sflag:s20], $0x400  }
0x172: {  	[sflag:s20] =	ssyncset.done $0x0  }
0x173: {  	[sflag:s20] =	ssyncadd.s32 $0xFFFFFC00  }
0x174: {  	_ =	swait.ge [sflag:s20], $0x400  }
0x175: {  	[sflag:s20] =	ssyncset.done $0x0  }
0x176: {  	[sflag:s20] =	ssyncadd.s32 $0xFFFFFC00  }
0x177: {  	_ =	swait.ge [sflag:s20], $0x400  }
0x178: {  	[sflag:s20] =	ssyncset.done $0x0  }
0x179: {  	[sflag:s20] =	ssyncadd.s32 $0xFFFFFC00  }
0x17a: {  	_ =	swait.ge [sflag:s20], $0x400  }
0x17b: {  	[sflag:s20] =	ssyncset.done $0x0  }
0x17c: {  	[sflag:s20] =	ssyncadd.s32 $0xFFFFFC00  }
0x17d: {  	v1 =	vshll.u32 v1, $0x7;
	_ =	swait.ge [sflag:s20], $0x400  }
0x17e: {  	v1 =	vand.u32 $0x380, v1;
	v2 =	vshll.u32 v63, $0x7;
	[sflag:s20] =	ssyncset.done $0x0  }
0x17f: {  	v3 =	vor.u32 v0, v1;
	v63 =	vand.u32 $0x380, v2;
	[sflag:s20] =	ssyncadd.s32 $0xFFFFFC00  }
0x180: {  	v2 =	vor.u32 v0, v63;
	_ =	swait.ge [sflag:s20], $0x400  }
0x181: {  	v4 =	vor.u32 v15, v1;
	[sflag:s20] =	ssyncset.done $0x0;
	v18 =	vld [tilespmem:$0x1FC60]  }
0x182: {  	v6 =	vor.u32 v15, v63;
	v34 =	vld [tilespmem:$0x1FC70];
	[sflag:s20] =	ssyncadd.s32 $0xFFFFFC00  }
0x183: {  	v5 =	vld [tilespmem:s24+$0x8400]  }
0x184: {  	v8 =	vor.u32 v16, v1;
	v3 =	vld.idx.msk [tilespmem:v3+s18+$0x0], $0xffff  }
0x185: {  	v10 =	vor.u32 v17, v1;
	v2 =	vld.idx.msk [tilespmem:v2+s19+$0x0], $0xffff  }
0x186: {  	v11 =	vor.u32 v17, v63;
	v4 =	vld.idx.msk [tilespmem:v4+s18+$0x0], $0xffff  }
0x187: {  	v6 =	vld.idx.msk [tilespmem:v6+s19+$0x0], $0xffff  }
0x188: {  	v9 =	vor.u32 v16, v63;
	v7 =	vld [tilespmem:s24+$0x8600]  }
0x189: {  	v8 =	vld.idx.msk [tilespmem:v8+s18+$0x0], $0xffff  }
0x18a: {  	v12 =	vor.u32 v13, v1;
	v2 =	vmul.f32 v2, v3;
	v3 =	vld.idx.msk [tilespmem:v10+s18+$0x0], $0xffff  }
0x18b: {  	v5 =	vadd.f32 v5, v18;
	v18 =	vmov v13;
	v13 =	vor.u32 v13, v63;
	v10 =	vld.idx.msk [tilespmem:v11+s19+$0x0], $0xffff  }
0x18c: {  	v11 =	vor.u32 v34, v1;
	v4 =	vmul.f32 v6, v4;
	v6 =	vor.u32 v34, v63;
	v34 =	vld [tilespmem:$0x1FC80]  }
0x18d: {  	v9 =	vld.idx.msk [tilespmem:v9+s19+$0x0], $0xffff  }
0x18e: {  	v5 =	vadd.f32 v7, v5;
	_ =	sdelay $0x1  }
0x18f: {  	v2 =	vadd.f32 v2, v5;
	v5 =	vld.idx.msk [tilespmem:v12+s18+$0x0], $0xffff  }
0x190: {  	v14 =	vor.u32 v19, v1;
	v12 =	vld.idx.msk [tilespmem:v13+s19+$0x0], $0xffff;
	v13 =	vor.u32 v34, v1  }
0x191: {  	v2 =	vadd.f32 v4, v2;
	v4 =	vmul.f32 v9, v8;
	v9 =	vor.u32 v34, v63;
	v34 =	vld [tilespmem:$0x1FC90];
	_ =	sdelay $0x2  }
0x192: {  	v7 =	vor.u32 v19, v63  }
0x193: {  	v8 =	vld.idx.msk [tilespmem:v14+s18+$0x0], $0xffff  }
0x194: {  	v3 =	vmul.f32 v10, v3;
	v14 =	vor.u32 v34, v1;
	v10 =	vor.u32 v34, v63;
	v34 =	vld [tilespmem:$0x1FCA0];
	_ =	sdelay $0x1  }
0x195: {  	v2 =	vadd.f32 v4, v2  }
0x196: {  	v7 =	vld.idx.msk [tilespmem:v7+s19+$0x0], $0xffff  }
0x197: {  	v4 =	vld.idx.msk [tilespmem:v11+s18+$0x0], $0xffff;
	v2 =	vadd.f32 v3, v2  }
0x198: {  	v3 =	vmul.f32 v12, v5;
	v11 =	vor.u32 v34, v1;
	v12 =	vor.u32 v34, v63;
	v34 =	vld [tilespmem:$0x1FCB0];
	_ =	sdelay $0x2  }
0x199: {  	v6 =	vld.idx.msk [tilespmem:v6+s19+$0x0], $0xffff  }
0x19a: {  	v5 =	vld.idx.msk [tilespmem:v13+s18+$0x0], $0xffff;
	v2 =	vadd.f32 v3, v2  }
0x19b: {  	v3 =	vmul.f32 v7, v8;
	v13 =	vor.u32 v34, v1;
	v8 =	vor.u32 v34, v63;
	v34 =	vld [tilespmem:$0x1FCC0];
	_ =	sdelay $0x2  }
0x19c: {  	v9 =	vld.idx.msk [tilespmem:v9+s19+$0x0], $0xffff  }
0x19d: {  	v2 =	vadd.f32 v3, v2;
	v7 =	vld.idx.msk [tilespmem:v14+s18+$0x0], $0xffff  }
0x19e: {  	v3 =	vmul.f32 v6, v4;
	v14 =	vor.u32 v34, v1;
	v6 =	vor.u32 v34, v63;
	v34 =	vld [tilespmem:$0x1FCD0];
	_ =	sdelay $0x1  }
0x19f: {  	v10 =	vld.idx.msk [tilespmem:v10+s19+$0x0], $0xffff  }
0x1a0: {  	v4 =	vld.idx.msk [tilespmem:v11+s18+$0x0], $0xffff  }
0x1a1: {  	v2 =	vadd.f32 v3, v2;
	v11 =	vld.idx.msk [tilespmem:v12+s19+$0x0], $0xffff  }
0x1a2: {  	v3 =	vmul.f32 v9, v5;
	v12 =	vor.u32 v34, v1;
	v9 =	vor.u32 v34, v63;
	v34 =	vld [tilespmem:$0x1FCE0];
	_ =	sdelay $0x3  }
0x1a3: {  	v2 =	vadd.f32 v3, v2;
	v5 =	vld.idx.msk [tilespmem:v13+s18+$0x0], $0xffff  }
0x1a4: {  	v3 =	vmul.f32 v10, v7;
	v13 =	vor.u32 v34, v1;
	v10 =	vor.u32 v34, v63;
	v34 =	vld [tilespmem:$0x1FCF0];
	_ =	sdelay $0x2  }
0x1a5: {  	v8 =	vld.idx.msk [tilespmem:v8+s19+$0x0], $0xffff  }
0x1a6: {  	v2 =	vadd.f32 v3, v2;
	v7 =	vld.idx.msk [tilespmem:v14+s18+$0x0], $0xffff  }
0x1a7: {  	v3 =	vmul.f32 v11, v4;
	v14 =	vor.u32 v34, v1;
	v11 =	vor.u32 v34, v63;
	v34 =	vld [tilespmem:$0x1FD00];
	_ =	sdelay $0x2  }
0x1a8: {  	v6 =	vld.idx.msk [tilespmem:v6+s19+$0x0], $0xffff  }
0x1a9: {  	v2 =	vadd.f32 v3, v2;
	v4 =	vld.idx.msk [tilespmem:v12+s18+$0x0], $0xffff  }
0x1aa: {  	v3 =	vmul.f32 v8, v5;
	v12 =	vor.u32 v34, v1;
	v8 =	vor.u32 v34, v63;
	v34 =	vld [tilespmem:$0x1FD10];
	_ =	sdelay $0x2  }
0x1ab: {  	v9 =	vld.idx.msk [tilespmem:v9+s19+$0x0], $0xffff  }
0x1ac: {  	v2 =	vadd.f32 v3, v2;
	v5 =	vld.idx.msk [tilespmem:v13+s18+$0x0], $0xffff  }
0x1ad: {  	v3 =	vmul.f32 v6, v7;
	v13 =	vor.u32 v34, v1;
	v7 =	vor.u32 v34, v63;
	v34 =	vld [tilespmem:$0x1FD20];
	_ =	sdelay $0x2  }
0x1ae: {  	v10 =	vld.idx.msk [tilespmem:v10+s19+$0x0], $0xffff  }
0x1af: {  	v2 =	vadd.f32 v3, v2;
	v6 =	vld.idx.msk [tilespmem:v14+s18+$0x0], $0xffff  }
0x1b0: {  	v3 =	vmul.f32 v9, v4;
	v14 =	vor.u32 v34, v1;
	v9 =	vor.u32 v34, v63;
	v34 =	vld [tilespmem:$0x1FD30];
	_ =	sdelay $0x2  }
0x1b1: {  	v11 =	vld.idx.msk [tilespmem:v11+s19+$0x0], $0xffff  }
0x1b2: {  	v2 =	vadd.f32 v3, v2;
	v4 =	vld.idx.msk [tilespmem:v12+s18+$0x0], $0xffff  }
0x1b3: {  	v3 =	vmul.f32 v10, v5;
	v12 =	vor.u32 v34, v1;
	v10 =	vor.u32 v34, v63;
	v34 =	vld [tilespmem:$0x1FD40];
	_ =	sdelay $0x2  }
0x1b4: {  	v8 =	vld.idx.msk [tilespmem:v8+s19+$0x0], $0xffff  }
0x1b5: {  	v2 =	vadd.f32 v3, v2;
	v5 =	vld.idx.msk [tilespmem:v13+s18+$0x0], $0xffff  }
0x1b6: {  	v3 =	vmul.f32 v11, v6;
	v13 =	vor.u32 v34, v1;
	v11 =	vor.u32 v34, v63;
	v34 =	vld [tilespmem:$0x1FD50];
	_ =	sdelay $0x1  }
0x1b7: {  	v7 =	vld.idx.msk [tilespmem:v7+s19+$0x0], $0xffff  }
0x1b8: {  	v6 =	vld.idx.msk [tilespmem:v14+s18+$0x0], $0xffff  }
0x1b9: {  	v9 =	vld.idx.msk [tilespmem:v9+s19+$0x0], $0xffff  }
0x1ba: {  	v2 =	vadd.f32 v3, v2;
	v3 =	vmul.f32 v8, v4;
	v4 =	vld.idx.msk [tilespmem:v12+s18+$0x0], $0xffff;
	v14 =	vor.u32 v34, v1  }
0x1bb: {  	v10 =	vld.idx.msk [tilespmem:v10+s19+$0x0], $0xffff;
	v8 =	vor.u32 v34, v63  }
0x1bc: {  	v2 =	vadd.f32 v3, v2;
	v3 =	vmul.f32 v7, v5;
	v7 =	vor.u32 v35, v63;
	v5 =	vld.idx.msk [tilespmem:v13+s18+$0x0], $0xffff  }
0x1bd: {  	v12 =	vor.u32 v35, v1;
	v11 =	vld.idx.msk [tilespmem:v11+s19+$0x0], $0xffff  }
0x1be: {  	v2 =	vadd.f32 v3, v2;
	v3 =	vmul.f32 v9, v6;
	v13 =	vor.u32 v36, v1  }
0x1bf: {  	v34 =	vor.u32 v36, v63;
	v6 =	vld.idx.msk [tilespmem:v14+s18+$0x0], $0xffff  }
0x1c0: {  	v2 =	vadd.f32 v3, v2;
	v3 =	vmul.f32 v10, v4;
	v10 =	vor.u32 v37, v63;
	v8 =	vld.idx.msk [tilespmem:v8+s19+$0x0], $0xffff  }
0x1c1: {  	v7 =	vld.idx.msk [tilespmem:v7+s19+$0x0], $0xffff;
	v14 =	vor.u32 v37, v1  }
0x1c2: {  	v4 =	vld.idx.msk [tilespmem:v12+s18+$0x0], $0xffff;
	v2 =	vadd.f32 v3, v2;
	v3 =	vmul.f32 v11, v5;
	v11 =	vor.u32 v38, v63  }
0x1c3: {  	v12 =	vor.u32 v38, v1;
	v5 =	vld.idx.msk [tilespmem:v13+s18+$0x0], $0xffff  }
0x1c4: {  	v9 =	vld.idx.msk [tilespmem:v34+s19+$0x0], $0xffff;
	v34 =	vor.u32 v39, v63  }
0x1c5: {  	v13 =	vor.u32 v39, v1;
	v10 =	vld.idx.msk [tilespmem:v10+s19+$0x0], $0xffff;
	v2 =	vadd.f32 v3, v2;
	v3 =	vmul.f32 v8, v6  }
0x1c6: {  	v6 =	vld.idx.msk [tilespmem:v14+s18+$0x0], $0xffff;
	v14 =	vor.u32 v40, v1  }
0x1c7: {  	v11 =	vld.idx.msk [tilespmem:v11+s19+$0x0], $0xffff;
	v2 =	vadd.f32 v3, v2;
	v3 =	vmul.f32 v7, v4;
	v7 =	vor.u32 v40, v63  }
0x1c8: {  	v4 =	vld.idx.msk [tilespmem:v12+s18+$0x0], $0xffff;
	v12 =	vor.u32 v41, v1  }
0x1c9: {  	v8 =	vld.idx.msk [tilespmem:v34+s19+$0x0], $0xffff;
	v2 =	vadd.f32 v3, v2;
	v3 =	vmul.f32 v9, v5;
	v9 =	vor.u32 v41, v63  }
0x1ca: {  	v34 =	vor.u32 v42, v63;
	v5 =	vld.idx.msk [tilespmem:v13+s18+$0x0], $0xffff  }
0x1cb: {  	v13 =	vor.u32 v42, v1;
	v2 =	vadd.f32 v3, v2;
	v3 =	vmul.f32 v10, v6;
	v6 =	vld.idx.msk [tilespmem:v14+s18+$0x0], $0xffff  }
0x1cc: {  	v14 =	vor.u32 v43, v1;
	v7 =	vld.idx.msk [tilespmem:v7+s19+$0x0], $0xffff  }
0x1cd: {  	v2 =	vadd.f32 v3, v2;
	v3 =	vmul.f32 v11, v4;
	v4 =	vld.idx.msk [tilespmem:v12+s18+$0x0], $0xffff;
	v11 =	vor.u32 v43, v63  }
0x1ce: {  	v12 =	vor.u32 v44, v1;
	v9 =	vld.idx.msk [tilespmem:v9+s19+$0x0], $0xffff  }
0x1cf: {  	v10 =	vld.idx.msk [tilespmem:v34+s19+$0x0], $0xffff;
	v2 =	vadd.f32 v3, v2;
	v3 =	vmul.f32 v8, v5;
	v8 =	vor.u32 v44, v63  }
0x1d0: {  	v34 =	vor.u32 v45, v63;
	v5 =	vld.idx.msk [tilespmem:v13+s18+$0x0], $0xffff  }
0x1d1: {  	v13 =	vor.u32 v45, v1;
	v2 =	vadd.f32 v3, v2;
	v3 =	vmul.f32 v7, v6;
	v6 =	vld.idx.msk [tilespmem:v14+s18+$0x0], $0xffff  }
0x1d2: {  	v14 =	vor.u32 v46, v1;
	v11 =	vld.idx.msk [tilespmem:v11+s19+$0x0], $0xffff  }
0x1d3: {  	v2 =	vadd.f32 v3, v2;
	v3 =	vmul.f32 v9, v4;
	v4 =	vld.idx.msk [tilespmem:v12+s18+$0x0], $0xffff;
	v9 =	vor.u32 v46, v63  }
0x1d4: {  	v12 =	vor.u32 v47, v1;
	v8 =	vld.idx.msk [tilespmem:v8+s19+$0x0], $0xffff  }
0x1d5: {  	v7 =	vld.idx.msk [tilespmem:v34+s19+$0x0], $0xffff;
	v2 =	vadd.f32 v3, v2;
	v3 =	vmul.f32 v10, v5;
	v10 =	vor.u32 v47, v63  }
0x1d6: {  	v34 =	vor.u32 v48, v63;
	v5 =	vld.idx.msk [tilespmem:v13+s18+$0x0], $0xffff  }
0x1d7: {  	v13 =	vor.u32 v48, v1;
	v2 =	vadd.f32 v3, v2;
	v3 =	vmul.f32 v11, v6;
	v6 =	vld.idx.msk [tilespmem:v14+s18+$0x0], $0xffff  }
0x1d8: {  	v14 =	vor.u32 v49, v1;
	v9 =	vld.idx.msk [tilespmem:v9+s19+$0x0], $0xffff  }
0x1d9: {  	v2 =	vadd.f32 v3, v2;
	v3 =	vmul.f32 v8, v4;
	v4 =	vld.idx.msk [tilespmem:v12+s18+$0x0], $0xffff;
	v8 =	vor.u32 v49, v63  }
0x1da: {  	v12 =	vor.u32 v50, v1;
	v10 =	vld.idx.msk [tilespmem:v10+s19+$0x0], $0xffff  }
0x1db: {  	v11 =	vld.idx.msk [tilespmem:v34+s19+$0x0], $0xffff;
	v2 =	vadd.f32 v3, v2;
	v3 =	vmul.f32 v7, v5;
	v7 =	vor.u32 v50, v63  }
0x1dc: {  	v34 =	vor.u32 v51, v63;
	v5 =	vld.idx.msk [tilespmem:v13+s18+$0x0], $0xffff  }
0x1dd: {  	v13 =	vor.u32 v51, v1;
	v2 =	vadd.f32 v3, v2;
	v3 =	vmul.f32 v9, v6;
	v6 =	vld.idx.msk [tilespmem:v14+s18+$0x0], $0xffff  }
0x1de: {  	v14 =	vor.u32 v52, v1;
	v8 =	vld.idx.msk [tilespmem:v8+s19+$0x0], $0xffff  }
0x1df: {  	v2 =	vadd.f32 v3, v2;
	v3 =	vmul.f32 v10, v4;
	v4 =	vld.idx.msk [tilespmem:v12+s18+$0x0], $0xffff;
	v10 =	vor.u32 v52, v63  }
0x1e0: {  	v12 =	vor.u32 v53, v1;
	v7 =	vld.idx.msk [tilespmem:v7+s19+$0x0], $0xffff  }
0x1e1: {  	v9 =	vld.idx.msk [tilespmem:v34+s19+$0x0], $0xffff;
	v2 =	vadd.f32 v3, v2;
	v3 =	vmul.f32 v11, v5;
	v11 =	vor.u32 v53, v63  }
0x1e2: {  	v34 =	vor.u32 v54, v63;
	v5 =	vld.idx.msk [tilespmem:v13+s18+$0x0], $0xffff  }
0x1e3: {  	v13 =	vor.u32 v54, v1;
	v2 =	vadd.f32 v3, v2;
	v3 =	vmul.f32 v8, v6;
	v6 =	vld.idx.msk [tilespmem:v14+s18+$0x0], $0xffff  }
0x1e4: {  	v14 =	vor.u32 v55, v1;
	v10 =	vld.idx.msk [tilespmem:v10+s19+$0x0], $0xffff  }
0x1e5: {  	v2 =	vadd.f32 v3, v2;
	v3 =	vmul.f32 v7, v4;
	v4 =	vld.idx.msk [tilespmem:v12+s18+$0x0], $0xffff;
	v7 =	vor.u32 v55, v63  }
0x1e6: {  	v12 =	vor.u32 v56, v1;
	v11 =	vld.idx.msk [tilespmem:v11+s19+$0x0], $0xffff  }
0x1e7: {  	v8 =	vld.idx.msk [tilespmem:v34+s19+$0x0], $0xffff;
	v2 =	vadd.f32 v3, v2;
	v3 =	vmul.f32 v9, v5;
	v9 =	vor.u32 v56, v63  }
0x1e8: {  	v34 =	vor.u32 v57, v63;
	v5 =	vld.idx.msk [tilespmem:v13+s18+$0x0], $0xffff  }
0x1e9: {  	v13 =	vor.u32 v57, v1;
	v2 =	vadd.f32 v3, v2;
	v3 =	vmul.f32 v10, v6;
	v6 =	vld.idx.msk [tilespmem:v14+s18+$0x0], $0xffff  }
0x1ea: {  	v14 =	vor.u32 v58, v1;
	v7 =	vld.idx.msk [tilespmem:v7+s19+$0x0], $0xffff  }
0x1eb: {  	v2 =	vadd.f32 v3, v2;
	v3 =	vmul.f32 v11, v4;
	v4 =	vld.idx.msk [tilespmem:v12+s18+$0x0], $0xffff;
	v11 =	vor.u32 v58, v63  }
0x1ec: {  	v12 =	vor.u32 v59, v1;
	v9 =	vld.idx.msk [tilespmem:v9+s19+$0x0], $0xffff  }
0x1ed: {  	v10 =	vld.idx.msk [tilespmem:v34+s19+$0x0], $0xffff;
	v2 =	vadd.f32 v3, v2;
	v3 =	vmul.f32 v8, v5;
	v8 =	vor.u32 v59, v63  }
0x1ee: {  	v34 =	vor.u32 v60, v63;
	v5 =	vld.idx.msk [tilespmem:v13+s18+$0x0], $0xffff  }
0x1ef: {  	v13 =	vor.u32 v60, v1;
	v2 =	vadd.f32 v3, v2;
	v3 =	vmul.f32 v7, v6;
	v6 =	vld.idx.msk [tilespmem:v14+s18+$0x0], $0xffff  }
0x1f0: {  	v14 =	vor.u32 v61, v1;
	v11 =	vld.idx.msk [tilespmem:v11+s19+$0x0], $0xffff  }
0x1f1: {  	v2 =	vadd.f32 v3, v2;
	v3 =	vmul.f32 v9, v4;
	v4 =	vld.idx.msk [tilespmem:v12+s18+$0x0], $0xffff;
	v9 =	vor.u32 v61, v63  }
0x1f2: {  	v12 =	vor.u32 v62, v1;
	v8 =	vld.idx.msk [tilespmem:v8+s19+$0x0], $0xffff  }
0x1f3: {  	v7 =	vld.idx.msk [tilespmem:v34+s19+$0x0], $0xffff;
	v2 =	vadd.f32 v3, v2;
	v3 =	vmul.f32 v10, v5;
	v10 =	vor.u32 v62, v63  }
0x1f4: {  	v34 =	vor.u32 v20, v63;
	v5 =	vld.idx.msk [tilespmem:v13+s18+$0x0], $0xffff  }
0x1f5: {  	v13 =	vor.u32 v20, v1;
	v2 =	vadd.f32 v3, v2;
	v3 =	vmul.f32 v11, v6;
	v6 =	vld.idx.msk [tilespmem:v14+s18+$0x0], $0xffff  }
0x1f6: {  	v14 =	vor.u32 v21, v1;
	v9 =	vld.idx.msk [tilespmem:v9+s19+$0x0], $0xffff  }
0x1f7: {  	v2 =	vadd.f32 v3, v2;
	v3 =	vmul.f32 v8, v4;
	v4 =	vld.idx.msk [tilespmem:v12+s18+$0x0], $0xffff;
	v8 =	vor.u32 v21, v63  }
0x1f8: {  	v12 =	vor.u32 v22, v1;
	v10 =	vld.idx.msk [tilespmem:v10+s19+$0x0], $0xffff  }
0x1f9: {  	v11 =	vld.idx.msk [tilespmem:v34+s19+$0x0], $0xffff;
	v2 =	vadd.f32 v3, v2;
	v3 =	vmul.f32 v7, v5;
	v7 =	vor.u32 v22, v63  }
0x1fa: {  	v34 =	vor.u32 v23, v63;
	v5 =	vld.idx.msk [tilespmem:v13+s18+$0x0], $0xffff  }
0x1fb: {  	v13 =	vor.u32 v23, v1;
	v2 =	vadd.f32 v3, v2;
	v3 =	vmul.f32 v9, v6;
	v6 =	vld.idx.msk [tilespmem:v14+s18+$0x0], $0xffff  }
0x1fc: {  	v14 =	vor.u32 v24, v1;
	v8 =	vld.idx.msk [tilespmem:v8+s19+$0x0], $0xffff  }
0x1fd: {  	v2 =	vadd.f32 v3, v2;
	v3 =	vmul.f32 v10, v4;
	v4 =	vld.idx.msk [tilespmem:v12+s18+$0x0], $0xffff;
	v10 =	vor.u32 v24, v63  }
0x1fe: {  	v12 =	vor.u32 v25, v1;
	v7 =	vld.idx.msk [tilespmem:v7+s19+$0x0], $0xffff  }
0x1ff: {  	v9 =	vld.idx.msk [tilespmem:v34+s19+$0x0], $0xffff;
	v2 =	vadd.f32 v3, v2;
	v3 =	vmul.f32 v11, v5;
	v11 =	vor.u32 v25, v63  }
0x200: {  	v34 =	vor.u32 v26, v63;
	v5 =	vld.idx.msk [tilespmem:v13+s18+$0x0], $0xffff  }
0x201: {  	v13 =	vor.u32 v26, v1;
	v2 =	vadd.f32 v3, v2;
	v3 =	vmul.f32 v8, v6;
	v6 =	vld.idx.msk [tilespmem:v14+s18+$0x0], $0xffff  }
0x202: {  	v14 =	vor.u32 v27, v1;
	v10 =	vld.idx.msk [tilespmem:v10+s19+$0x0], $0xffff  }
0x203: {  	v2 =	vadd.f32 v3, v2;
	v3 =	vmul.f32 v7, v4;
	v4 =	vld.idx.msk [tilespmem:v12+s18+$0x0], $0xffff;
	v7 =	vor.u32 v27, v63  }
0x204: {  	v11 =	vld.idx.msk [tilespmem:v11+s19+$0x0], $0xffff  }
0x205: {  	v8 =	vld.idx.msk [tilespmem:v34+s19+$0x0], $0xffff;
	v2 =	vadd.f32 v3, v2;
	v3 =	vmul.f32 v9, v5;
	v9 =	vor.u32 v28, v1  }
0x206: {  	v12 =	vor.u32 v28, v63;
	v5 =	vld.idx.msk [tilespmem:v13+s18+$0x0], $0xffff  }
0x207: {  	v34 =	vor.u32 v29, v1;
	v2 =	vadd.f32 v3, v2;
	v3 =	vmul.f32 v10, v6;
	v6 =	vld.idx.msk [tilespmem:v14+s18+$0x0], $0xffff  }
0x208: {  	v13 =	vor.u32 v29, v63;
	v7 =	vld.idx.msk [tilespmem:v7+s19+$0x0], $0xffff  }
0x209: {  	v2 =	vadd.f32 v3, v2;
	v3 =	vmul.f32 v11, v4;
	v4 =	vor.u32 v30, v1  }
0x20a: {  	v11 =	vor.u32 v30, v63;
	v9 =	vld.idx.msk [tilespmem:v9+s18+$0x0], $0xffff  }
0x20b: {  	v2 =	vadd.f32 v3, v2;
	v3 =	vmul.f32 v8, v5;
	v5 =	vld.idx.msk [tilespmem:v12+s19+$0x0], $0xffff;
	v8 =	vor.u32 v31, v1  }
0x20c: {  	v10 =	vld.idx.msk [tilespmem:v34+s18+$0x0], $0xffff;
	v12 =	vor.u32 v31, v63  }
0x20d: {  	v34 =	vld.idx.msk [tilespmem:v13+s19+$0x0], $0xffff;
	v13 =	vor.u32 v32, v63;
	v2 =	vadd.f32 v3, v2;
	v3 =	vmul.f32 v7, v6  }
0x20e: {  	v7 =	vor.u32 v32, v1;
	v4 =	vld.idx.msk [tilespmem:v4+s18+$0x0], $0xffff  }
0x20f: {  	v2 =	vadd.f32 v3, v2;
	v3 =	vld.idx.msk [tilespmem:v11+s19+$0x0], $0xffff;
	v11 =	vor.u32 v33, v1  }
0x210: {  	v14 =	vor.u32 $0x3F, v0;
	v5 =	vmul.f32 v5, v9;
	v8 =	vld.idx.msk [tilespmem:v8+s18+$0x0], $0xffff;
	v9 =	vor.u32 v33, v63  }
0x211: {  	v6 =	vor.u32 v14, v63;
	v12 =	vld.idx.msk [tilespmem:v12+s19+$0x0], $0xffff  }
0x212: {  	v1 =	vor.u32 v14, v1;
	v34 =	vmul.f32 v34, v10;
	v10 =	vld.idx.msk [tilespmem:v13+s19+$0x0], $0xffff;
	v2 =	vadd.f32 v5, v2  }
0x213: {  	v7 =	vld.idx.msk [tilespmem:v7+s18+$0x0], $0xffff  }
0x214: {  	v2 =	vadd.f32 v34, v2;
	v3 =	vmul.f32 v3, v4;
	v34 =	vld.idx.msk [tilespmem:v11+s18+$0x0], $0xffff  }
0x215: {  	v63 =	vld.idx.msk [tilespmem:v9+s19+$0x0], $0xffff  }
0x216: {  	v6 =	vld.idx.msk [tilespmem:v6+s19+$0x0], $0xffff;
	v2 =	vadd.f32 v3, v2;
	v3 =	vmul.f32 v12, v8  }
0x217: {  	v1 =	vld.idx.msk [tilespmem:v1+s18+$0x0], $0xffff  }
0x218: {  	v2 =	vadd.f32 v3, v2;
	v3 =	vmul.f32 v10, v7;
	_ =	sdelay $0x1  }
0x219: {  	v2 =	vadd.f32 v3, v2;
	v3 =	vmul.f32 v63, v34  }
0x21a: {  	p0 =	sne.s32 s23, $0x7C0  }
.Ltmp0:
0x21b: {  	v1 =	vmul.f32 v6, v1;
	v2 =	vadd.f32 v3, v2;
	(pc) =	sbr.rel @p0 .LBB2_2-.Ltmp0, $3  }
0x21c: {  	_ = 	snop  }
0x21d: {  	v1 =	vadd.f32 v1, v2;
	_ =	sdelay $0x1  }
0x21e: {  	s23 =	sadd.s32 $0x40, s23;
	v13 =	vmov v18;
	[tilespmem:s24+$0x8880] =	vst v1  }
0x21f: {  	s22 =	sadd.s32 $0x1, s22  }
0x220: {  	p0 =	sne.s32 s22, s11  }
.Ltmp1:
0x221: {  	_ = 	snop;
	(pc) =	sbr.rel @p0 .LBB2_1-.Ltmp1, $4  }
0x222: {  	[hbm4b:s10+s1] =	stream.linear.scatter [tilespmem:s21], [sflag:$0x3], $0x200, $0x38;
	[tilespmem:$0x8A80] =	vst v63  }
0x223: {  	_ =	swait.ge [sflag:s12], $0x200  }
0x224: {  	[sflag:s12] =	ssyncset.done $0x0  }
0x225: {  	[sflag:s12] =	ssyncadd.s32 $0xFFFFFE00  }
0x226: {  	_ =	sfence.sel $0x180000  }
0x227: {  	[bflag:$0x0] =	sbarrier.arrive $0xFFFF  }
0x228: {  	p0 =	sne.s32 s4, $0x0;
	_ =	strace $0x9000004D  }
0x229: {  	s0 =	sadd.s32 @!p0 $0x100000, s0;
	[bflag:$0x2] =	sbarrier.arrive $0xFFFF  }
0x22a: {  	[sflag:s0] =	ssyncadd.tile.s32 @!p0 $0x1;
	_ =	shalt  }
.Lfunc_end2:
_tile_overlayer_lowered:
.L_overlay_start_2:
0x22b: {  	(tag) =	ssettag $0x2  }
0x22c: {  	s0 =	rddreg [dreg:$0x0];
	s2 =	stileid.u32  }
0x22d: {  	s1 =	rddreg [dreg:$0x1];
	p0 =	sne.s32 s2, $0x0  }
0x22e: {  	s3 =	rddreg [dreg:$0x2];
	[bflag:$0x3] =	sbarrier.arrive $0xFFFF;
	s2 =	simm.s32 @!p0 $0x1C03  }
0x22f: {  	[timem:s3], [sflag:s2] =	dma.local @!p0 [hbm:s0], s1  }
0x230: {  	s0 =	simm.s32 @!p0 $0x3  }
0x231: {  	_ =	swait.ge @!p0 [sflag:s0], s1  }
0x232: {  	s1 =	ssub.s32 @!p0 $0x0, s1;
	[sflag:s0] =	ssyncset.done @!p0 $0x0  }
0x233: {  	[sflag:s0] =	ssyncadd.s32 @!p0 s1  }
0x234: {  	[bflag:$0x3] =	sbarrier.arrive $0xFFFF  }
0x235: {  	_ =	shalt  }

</sc_bundles>
